<compile_context>
chip_gen: v7x
topology: tpu7x:2x2x1
jax: 0.10.2.dev20260603
libtpu: 0.0.44.dev20260713+nightly
codegen_flags: <defaults>
</compile_context>

<pallas_src>
import functools

import jax
import jax.numpy as jnp
from jax import lax
from jax.experimental import pallas as pl
from jax.experimental.pallas import tpu as pltpu
from jax.experimental.pallas import tpu_sc as plsc

_NC = 2
_NS = 16
_NW = _NC * _NS
_H = 16
_ALPHA = 0.1
_BNEPS = 1e-5
_KHOPS = 10



@functools.lru_cache(maxsize=None)
def _deg_kernel(np_pad: int, ib: int):
    rpt = np_pad // _NS
    nb = 4

    def body(dst_rows, ones_rows, zrows, parts, acc, didx, ones_v, ssem):
        c = lax.axis_index("c")
        s = lax.axis_index("s")
        wid = s * _NC + c
        pltpu.sync_copy(zrows.at[pl.ds(s * rpt, rpt)],
                        acc.at[pl.ds(s * rpt, rpt)])
        pltpu.sync_copy(dst_rows.at[pl.ds(wid * ib, ib)], didx)
        pltpu.sync_copy(ones_rows, ones_v)
        plsc.subcore_barrier()

        def step(r, carry):
            p = lax.rem(r, nb)

            @pl.when(r >= nb)
            def _drain():
                pltpu.make_async_copy(ones_v, acc.at[didx.at[r - nb]],
                                      ssem.at[p]).wait()

            pltpu.async_copy(ones_v, acc.at[didx.at[r]], ssem.at[p], add=True)
            return carry

        lax.fori_loop(0, ib, step, None)
        for j in range(nb):
            pltpu.make_async_copy(ones_v, acc.at[didx.at[ib - nb + j]],
                                  ssem.at[j]).wait()
        plsc.subcore_barrier()
        pltpu.sync_copy(acc.at[pl.ds(s * rpt, rpt)],
                        parts.at[c, pl.ds(s * rpt, rpt)])

    return pl.kernel(
        body,
        out_type=jax.ShapeDtypeStruct((_NC, np_pad, _H), jnp.float32),
        mesh=plsc.VectorSubcoreMesh(core_axis_name="c", subcore_axis_name="s"),
        compiler_params=pltpu.CompilerParams(use_tc_tiling_on_sc=False),
        scratch_types=[
            pltpu.VMEM_SHARED((np_pad, _H), jnp.float32),
            pltpu.VMEM((ib, 128), jnp.int32),
            pltpu.VMEM((128, _H), jnp.float32),
            pltpu.SemaphoreType.DMA((nb,)),
        ],
    )


@functools.lru_cache(maxsize=None)
def _agg_kernel(np_pad: int, ib: int):
    rpt = np_pad // _NS
    nbuf = 12
    look = 6

    def body(src_rows, dst_rows, table, zrows, parts, tbl_sh, acc, sidx, didx,
             rows, gsem, ssem):
        c = lax.axis_index("c")
        s = lax.axis_index("s")
        wid = s * _NC + c
        pltpu.sync_copy(zrows.at[pl.ds(s * rpt, rpt)],
                        acc.at[pl.ds(s * rpt, rpt)])
        pltpu.sync_copy(table.at[pl.ds(s * rpt, rpt)],
                        tbl_sh.at[pl.ds(s * rpt, rpt)])
        pltpu.sync_copy(src_rows.at[pl.ds(wid * ib, ib)], sidx)
        pltpu.sync_copy(dst_rows.at[pl.ds(wid * ib, ib)], didx)
        plsc.subcore_barrier()

        for j in range(look):
            pltpu.async_copy(tbl_sh.at[sidx.at[j]], rows.at[j], gsem.at[j])

        def step(r, carry):
            p = lax.rem(r, nbuf)
            pltpu.make_async_copy(tbl_sh.at[sidx.at[r]], rows.at[p],
                                  gsem.at[p]).wait()
            pltpu.async_copy(rows.at[p], acc.at[didx.at[r]], ssem.at[p],
                             add=True)
            g = r + look

            @pl.when(g < ib)
            def _refill():
                q = lax.rem(g, nbuf)

                @pl.when(r >= look)
                def _drain():
                    pltpu.make_async_copy(rows.at[q],
                                          acc.at[didx.at[g - nbuf]],
                                          ssem.at[q]).wait()

                pltpu.async_copy(tbl_sh.at[sidx.at[g]], rows.at[q],
                                 gsem.at[q])

            return carry

        lax.fori_loop(0, ib, step, None)
        for j in range(nbuf):
            r_last = ib - nbuf + j
            p_last = r_last % nbuf
            pltpu.make_async_copy(rows.at[p_last], acc.at[didx.at[r_last]],
                                  ssem.at[p_last]).wait()
        plsc.subcore_barrier()
        pltpu.sync_copy(acc.at[pl.ds(s * rpt, rpt)],
                        parts.at[c, pl.ds(s * rpt, rpt)])

    return pl.kernel(
        body,
        out_type=jax.ShapeDtypeStruct((_NC, np_pad, _H), jnp.float32),
        mesh=plsc.VectorSubcoreMesh(core_axis_name="c", subcore_axis_name="s"),
        compiler_params=pltpu.CompilerParams(use_tc_tiling_on_sc=False),
        scratch_types=[
            pltpu.VMEM_SHARED((np_pad, _H), jnp.float32),
            pltpu.VMEM_SHARED((np_pad, _H), jnp.float32),
            pltpu.VMEM((ib, 128), jnp.int32),
            pltpu.VMEM((ib, 128), jnp.int32),
            pltpu.VMEM((nbuf, 128, _H), jnp.float32),
            pltpu.SemaphoreType.DMA((nbuf,)),
            pltpu.SemaphoreType.DMA((nbuf,)),
        ],
    )



def _group_first_bcast(v):
    i = lax.broadcasted_iota(jnp.int32, (128, 128), 0)
    j = lax.broadcasted_iota(jnp.int32, (128, 128), 1)
    sel = ((j // _H) * _H == i).astype(jnp.float32)
    return jnp.dot(v, sel, preferred_element_type=jnp.float32)


def _group_sum16(row128):
    i = lax.broadcasted_iota(jnp.int32, (128, _H), 0)
    j = lax.broadcasted_iota(jnp.int32, (128, _H), 1)
    g = (i % _H == j).astype(jnp.float32)
    return jnp.dot(row128, g, preferred_element_type=jnp.float32)


def _bcast128(row16):
    i = lax.broadcasted_iota(jnp.int32, (_H, 128), 0)
    j = lax.broadcasted_iota(jnp.int32, (_H, 128), 1)
    g = (j % _H == i).astype(jnp.float32)
    return jnp.dot(row16, g, preferred_element_type=jnp.float32)


def _node_mask(nrb, n):
    r = lax.broadcasted_iota(jnp.int32, (nrb, 128), 0)
    l = lax.broadcasted_iota(jnp.int32, (nrb, 128), 1)
    node = (l // _H) * nrb + r
    return (node < n).astype(jnp.float32)


@functools.lru_cache(maxsize=None)
def _prep_kernel(e: int, ep: int, n: int, nrb: int, blk: int):
    rows_per_blk = blk // 128
    grid = ep // blk

    def body(ei_ref, srcp_ref, dstp_ref):
        i = pl.program_id(0)
        raw = ei_ref[...]
        if e % blk == 0:
            v = raw
        else:
            gidx = i * blk + lax.broadcasted_iota(jnp.int32, (2, blk), 1)
            v = jnp.where(gidx < e, raw, n + (gidx & 63))
        vf = v.astype(jnp.float32)
        q = jnp.floor((vf + 0.5) * (1.0 / nrb)).astype(jnp.int32)
        idx = 8 * (v - q * nrb) + q
        srcp_ref[...] = idx[0].reshape(rows_per_blk, 128)
        dstp_ref[...] = idx[1].reshape(rows_per_blk, 128)

    return pl.pallas_call(
        body,
        grid=(grid,),
        in_specs=[pl.BlockSpec((2, blk), lambda i: (0, i))],
        out_specs=(
            pl.BlockSpec((rows_per_blk, 128), lambda i: (i, 0)),
            pl.BlockSpec((rows_per_blk, 128), lambda i: (i, 0)),
        ),
        out_shape=(
            jax.ShapeDtypeStruct((ep // 128, 128), jnp.int32),
            jax.ShapeDtypeStruct((ep // 128, 128), jnp.int32),
        ),
    )


@functools.lru_cache(maxsize=None)
def _tc0(np_pad: int, n: int):
    nrb = np_pad // 8

    def body(x_ref, w1_ref, u_ref):
        u = jnp.dot(x_ref[...], w1_ref[...],
                    preferred_element_type=jnp.float32)
        u = jnp.concatenate(
            [u, jnp.zeros((np_pad - n, _H), jnp.float32)], axis=0)
        u_ref[...] = jnp.concatenate(
            [u[a * nrb:(a + 1) * nrb] for a in range(8)], axis=1)

    return pl.pallas_call(
        body,
        out_shape=jax.ShapeDtypeStruct((nrb, 128), jnp.float32),
    )


@functools.lru_cache(maxsize=None)
def _tc1(np_pad: int):
    nrb = np_pad // 8

    def body(u_ref, degp_ref, t1_ref, dinv_ref):
        dsum = degp_ref[0] + degp_ref[1]
        dinv = lax.rsqrt(_group_first_bcast(dsum) + 1.0)
        t1_ref[...] = u_ref[...] * dinv
        dinv_ref[...] = dinv

    return pl.pallas_call(
        body,
        out_shape=(
            jax.ShapeDtypeStruct((nrb, 128), jnp.float32),
            jax.ShapeDtypeStruct((nrb, 128), jnp.float32),
        ),
    )


@functools.lru_cache(maxsize=None)
def _tc2(np_pad: int, n: int):
    nrb = np_pad // 8

    def body(p_ref, t1_ref, dinv_ref, b1t_ref, gamt_ref, bett_ref, lwk_ref,
             lbt_ref, t2_ref):
        mask = _node_mask(nrb, n)
        dinv = dinv_ref[...]
        agg = (p_ref[0] + p_ref[1] + t1_ref[...]) * dinv
        h = jnp.maximum(agg + b1t_ref[...], 0.0) * mask
        s = jnp.sum(h, axis=0, keepdims=True)
        mean = _bcast128(_group_sum16(s) * (1.0 / n))
        hc = (h - mean) * mask
        s2 = jnp.sum(hc * hc, axis=0, keepdims=True)
        var = _bcast128(_group_sum16(s2) * (1.0 / n))
        h = hc * lax.rsqrt(var + _BNEPS) * gamt_ref[...] + bett_ref[...]
        lwk = lwk_ref[...]
        lbt = lbt_ref[...]
        for _ in range(_KHOPS):
            z = jnp.dot(h, lwk, preferred_element_type=jnp.float32) + lbt
            h = _ALPHA * jnp.maximum(z, 0.0) + (1.0 - _ALPHA) * h
        t2_ref[...] = h * dinv * mask

    return pl.pallas_call(
        body,
        out_shape=jax.ShapeDtypeStruct((nrb, 128), jnp.float32),
    )


@functools.lru_cache(maxsize=None)
def _tc3(np_pad: int, n: int, c_dim: int):
    nrb = np_pad // 8

    def body(q_ref, t2_ref, dinv_ref, w2_ref, b2_ref, out_ref):
        v = (q_ref[0] + q_ref[1] + t2_ref[...]) * dinv_ref[...]
        w2 = w2_ref[...]
        b2 = b2_ref[...]
        for a in range(8):
            lo = a * nrb
            if lo >= n:
                break
            rows = min(nrb, n - lo)
            va = v[:, a * _H:(a + 1) * _H]
            logits = jnp.dot(va, w2,
                             preferred_element_type=jnp.float32) + b2
            m = jnp.max(logits, axis=1, keepdims=True)
            z = logits - m
            ls = z - jnp.log(jnp.sum(jnp.exp(z), axis=1, keepdims=True))
            out_ref[pl.ds(lo, rows), :] = ls[:rows]

    return pl.pallas_call(
        body,
        out_shape=jax.ShapeDtypeStruct((n, c_dim), jnp.float32),
    )



def kernel(x, edge_index, W1, b1, W2, b2, lin_W, lin_b, gamma, beta):
    n, d = x.shape
    e = edge_index.shape[1]
    c_dim = W2.shape[1]

    np_pad = ((n + 64 + 127) // 128) * 128
    pad_rows = np_pad - n
    nrb = np_pad // 8
    epw = -(-e // (_NW * 1024)) * 1024
    ep = epw * _NW
    ib = epw // 128

    srcp, dstp = _prep_kernel(e, ep, n, nrb, ep // 20)(edge_index)

    zrows = jnp.zeros((np_pad, _H), jnp.float32)
    ones_rows = jnp.ones((128, _H), jnp.float32)

    kron8 = jnp.kron(jnp.eye(8, dtype=jnp.float32), lin_W)
    b1t = jnp.tile(b1, 8).reshape(1, 128)
    gamt = jnp.tile(gamma, 8).reshape(1, 128)
    bett = jnp.tile(beta, 8).reshape(1, 128)
    lbt = jnp.tile(lin_b, 8).reshape(1, 128)

    u_pk = _tc0(np_pad, n)(x, W1)
    degp = _deg_kernel(np_pad, ib)(dstp, ones_rows, zrows)
    t1_pk, dinv_pk = _tc1(np_pad)(u_pk, degp.reshape(_NC, nrb, 128))
    p1 = _agg_kernel(np_pad, ib)(srcp, dstp, t1_pk.reshape(np_pad, _H),
                                 zrows)
    t2_pk = _tc2(np_pad, n)(p1.reshape(_NC, nrb, 128), t1_pk, dinv_pk, b1t,
                            gamt, bett, kron8, lbt)
    q = _agg_kernel(np_pad, ib)(srcp, dstp, t2_pk.reshape(np_pad, _H), zrows)
    out = _tc3(np_pad, n, c_dim)(q.reshape(_NC, nrb, 128), t2_pk, dinv_pk,
                                 W2, b2.reshape(1, c_dim))
    return out

# --- scband reference (transcript-rebuilt; emitter-appended) ---
"""Pipeline reference for scband-gprgnn-26723286516071 (READ-ONLY COPY).

The authoritative reference and input builder live on the scoring server;
editing this copy changes nothing except your own understanding.
"""

import jax, jax.numpy as jnp
import numpy as np

N = 10000
E = 320000
D = 128
H = 16
C = 7
K_HOPS = 10
ALPHA = 0.1
BN_EPS = 1e-5


def setup_inputs(seed: int = 0) -> dict:
    key = jax.random.key(seed)
    ks = jax.random.split(key, 10)
    x = jax.random.normal(ks[0], (N, D), dtype=jnp.float32)
    edge_index = jax.random.randint(ks[1], (2, E), 0, N, dtype=jnp.int32)
    W1 = jax.random.normal(ks[2], (D, H), dtype=jnp.float32) * (1.0 / np.sqrt(D))
    b1 = jnp.zeros((H,), dtype=jnp.float32)
    W2 = jax.random.normal(ks[3], (H, C), dtype=jnp.float32) * (1.0 / np.sqrt(H))
    b2 = jnp.zeros((C,), dtype=jnp.float32)
    lin_W = jax.random.normal(ks[4], (H, H), dtype=jnp.float32) * (1.0 / np.sqrt(H))
    lin_b = jnp.zeros((H,), dtype=jnp.float32)
    gamma = jnp.ones((H,), dtype=jnp.float32)
    beta = jnp.zeros((H,), dtype=jnp.float32)
    return {"x": x, "edge_index": edge_index, "W1": W1, "b1": b1, "W2": W2,
            "b2": b2, "lin_W": lin_W, "lin_b": lin_b, "gamma": gamma, "beta": beta}


def _gcn_conv(x, edge_index, W, b):
    n = x.shape[0]
    loop = jnp.arange(n, dtype=edge_index.dtype)
    src = jnp.concatenate([edge_index[0], loop])
    dst = jnp.concatenate([edge_index[1], loop])
    h = x @ W
    deg = jnp.zeros((n,), h.dtype).at[dst].add(1.0)
    dinv = jax.lax.rsqrt(jnp.maximum(deg, 1.0))
    norm = dinv[src] * dinv[dst]
    msg = h[src] * norm[:, None]
    out = jnp.zeros((n, h.shape[1]), h.dtype).at[dst].add(msg)
    return out + b


def _batch_norm(h, gamma, beta):
    mean = jnp.mean(h, axis=0)
    var = jnp.mean((h - mean) ** 2, axis=0)
    return (h - mean) * jax.lax.rsqrt(var + BN_EPS) * gamma + beta


def reference(x, edge_index, W1, b1, W2, b2, lin_W, lin_b, gamma, beta):
    h = jax.nn.relu(_gcn_conv(x, edge_index, W1, b1))
    h = _batch_norm(h, gamma, beta)
    for _ in range(K_HOPS):
        h = ALPHA * jax.nn.relu(h @ lin_W + lin_b) + (1.0 - ALPHA) * h
    out = _gcn_conv(h, edge_index, W2, b2)
    return jax.nn.log_softmax(out, axis=1)

if __name__ == "__main__":
    import jax
    _d = setup_inputs()
    print(jax.jit(kernel)(*tuple(_d.values())))

</pallas_src>

<mosaic_0001>
#map = affine_map<(d0, d1) -> (0, 0)>
#map1 = affine_map<(d0, d1) -> (0, 0, 0)>
module attributes {stable_mosaic.version = 14 : i64} {
  func.func @body(%arg0: i32, %arg1: i32, %arg2: memref<2560x128xi32, #tpu.memory_space<hbm>>, %arg3: memref<2560x128xi32, #tpu.memory_space<hbm>>, %arg4: memref<10112x16xf32, #tpu.memory_space<hbm>>, %arg5: memref<10112x16xf32, #tpu.memory_space<hbm>>, %arg6: memref<2x10112x16xf32, #tpu.memory_space<hbm>>, %arg7: memref<10112x16xf32, #tpu.memory_space<vmem_shared>>, %arg8: memref<10112x16xf32, #tpu.memory_space<vmem_shared>>, %arg9: memref<80x128xi32, #tpu.memory_space<vmem>>, %arg10: memref<80x128xi32, #tpu.memory_space<vmem>>, %arg11: memref<12x128x16xf32, #tpu.memory_space<vmem>>, %arg12: memref<12x!tpu.dma_semaphore, #tpu.memory_space<semaphore_mem>>, %arg13: memref<12x!tpu.dma_semaphore, #tpu.memory_space<semaphore_mem>>) attributes {dimension_semantics = [#tpu.dimension_semantics<core_parallel>, #tpu.dimension_semantics<subcore_parallel>], iteration_bounds = array<i64: 2, 16>, scalar_prefetch = 0 : i64, scratch_operands = 7 : i64, tpu.core_type = #tpu.core_type<sc_vector_subcore>, window_params = [{transform_indices = #map}, {transform_indices = #map}, {transform_indices = #map}, {transform_indices = #map}, {transform_indices = #map1}]} {
    %mul3A = arith.constant 2 : i32
    %mul3A_0 = arith.muli %arg1, %mul3A : i32
    %add3A = arith.addi %mul3A_0, %arg0 : i32
    %mul3A_1 = arith.constant 632 : i32
    %mul3A_2 = arith.muli %arg1, %mul3A_1 : i32
    %mul3A_3 = arith.constant 632 : i32
    %mul3A_4 = arith.muli %arg1, %mul3A_3 : i32
    "tpu.region"() ({
      %run_scoped3A = tpu.sem_alloc : memref<!tpu.dma_semaphore, #tpu.memory_space<semaphore_mem>>
      %dma_start3A_290 = arith.constant 0 : i32
      %dma_start3A_291 = tpu.memref_slice %arg8[%mul3A_4, %dma_start3A_290] : memref<10112x16xf32, #tpu.memory_space<vmem_shared>> -> memref<632x16xf32, #tpu.memory_space<vmem_shared>>
      %dma_start3A_292 = arith.constant 0 : i32
      %dma_start3A_293 = tpu.memref_slice %arg5[%mul3A_2, %dma_start3A_292] : memref<10112x16xf32, #tpu.memory_space<hbm>> -> memref<632x16xf32, #tpu.memory_space<hbm>>
      tpu.enqueue_dma source(%dma_start3A_293 : memref<632x16xf32, #tpu.memory_space<hbm>>) target(%dma_start3A_291 : memref<632x16xf32, #tpu.memory_space<vmem_shared>>) target_semaphore(%run_scoped3A : memref<!tpu.dma_semaphore, #tpu.memory_space<semaphore_mem>>)
      %dma_wait3A_294 = arith.constant 0 : i32
      %dma_wait3A_295 = tpu.memref_slice %arg8[%mul3A_4, %dma_wait3A_294] : memref<10112x16xf32, #tpu.memory_space<vmem_shared>> -> memref<632x16xf32, #tpu.memory_space<vmem_shared>>
      %dma_wait3A_296 = arith.constant 0 : i32
      %dma_wait3A_297 = tpu.memref_slice %arg5[%mul3A_2, %dma_wait3A_296] : memref<10112x16xf32, #tpu.memory_space<hbm>> -> memref<632x16xf32, #tpu.memory_space<hbm>>
      tpu.wait_dma2 semaphore(%run_scoped3A : memref<!tpu.dma_semaphore, #tpu.memory_space<semaphore_mem>>) src(%dma_wait3A_297 : memref<632x16xf32, #tpu.memory_space<hbm>>) dst(%dma_wait3A_295 : memref<632x16xf32, #tpu.memory_space<vmem_shared>>)
      tpu.yield
    }) : () -> ()
    %mul3A_5 = arith.constant 632 : i32
    %mul3A_6 = arith.muli %arg1, %mul3A_5 : i32
    %mul3A_7 = arith.constant 632 : i32
    %mul3A_8 = arith.muli %arg1, %mul3A_7 : i32
    "tpu.region"() ({
      %run_scoped3A = tpu.sem_alloc : memref<!tpu.dma_semaphore, #tpu.memory_space<semaphore_mem>>
      %dma_start3A_290 = arith.constant 0 : i32
      %dma_start3A_291 = tpu.memref_slice %arg7[%mul3A_8, %dma_start3A_290] : memref<10112x16xf32, #tpu.memory_space<vmem_shared>> -> memref<632x16xf32, #tpu.memory_space<vmem_shared>>
      %dma_start3A_292 = arith.constant 0 : i32
      %dma_start3A_293 = tpu.memref_slice %arg4[%mul3A_6, %dma_start3A_292] : memref<10112x16xf32, #tpu.memory_space<hbm>> -> memref<632x16xf32, #tpu.memory_space<hbm>>
      tpu.enqueue_dma source(%dma_start3A_293 : memref<632x16xf32, #tpu.memory_space<hbm>>) target(%dma_start3A_291 : memref<632x16xf32, #tpu.memory_space<vmem_shared>>) target_semaphore(%run_scoped3A : memref<!tpu.dma_semaphore, #tpu.memory_space<semaphore_mem>>)
      %dma_wait3A_294 = arith.constant 0 : i32
      %dma_wait3A_295 = tpu.memref_slice %arg7[%mul3A_8, %dma_wait3A_294] : memref<10112x16xf32, #tpu.memory_space<vmem_shared>> -> memref<632x16xf32, #tpu.memory_space<vmem_shared>>
      %dma_wait3A_296 = arith.constant 0 : i32
      %dma_wait3A_297 = tpu.memref_slice %arg4[%mul3A_6, %dma_wait3A_296] : memref<10112x16xf32, #tpu.memory_space<hbm>> -> memref<632x16xf32, #tpu.memory_space<hbm>>
      tpu.wait_dma2 semaphore(%run_scoped3A : memref<!tpu.dma_semaphore, #tpu.memory_space<semaphore_mem>>) src(%dma_wait3A_297 : memref<632x16xf32, #tpu.memory_space<hbm>>) dst(%dma_wait3A_295 : memref<632x16xf32, #tpu.memory_space<vmem_shared>>)
      tpu.yield
    }) : () -> ()
    %mul3A_9 = arith.constant 80 : i32
    %mul3A_10 = arith.muli %add3A, %mul3A_9 : i32
    "tpu.region"() ({
      %run_scoped3A = tpu.sem_alloc : memref<!tpu.dma_semaphore, #tpu.memory_space<semaphore_mem>>
      %dma_start3A_290 = arith.constant 0 : i32
      %dma_start3A_291 = tpu.memref_slice %arg2[%mul3A_10, %dma_start3A_290] : memref<2560x128xi32, #tpu.memory_space<hbm>> -> memref<80x128xi32, #tpu.memory_space<hbm>>
      %dma_start3A_292 = arith.constant 0 : i32
      %dma_start3A_293 = tpu.memref_slice %arg2[%mul3A_10, %dma_start3A_292] : memref<2560x128xi32, #tpu.memory_space<hbm>> -> memref<80x128xi32, #tpu.memory_space<hbm>>
      tpu.enqueue_dma source(%dma_start3A_293 : memref<80x128xi32, #tpu.memory_space<hbm>>) target(%arg9 : memref<80x128xi32, #tpu.memory_space<vmem>>) target_semaphore(%run_scoped3A : memref<!tpu.dma_semaphore, #tpu.memory_space<semaphore_mem>>)
      %dma_wait3A_294 = arith.constant 0 : i32
      %dma_wait3A_295 = tpu.memref_slice %arg2[%mul3A_10, %dma_wait3A_294] : memref<2560x128xi32, #tpu.memory_space<hbm>> -> memref<80x128xi32, #tpu.memory_space<hbm>>
      %dma_wait3A_296 = arith.constant 0 : i32
      %dma_wait3A_297 = tpu.memref_slice %arg2[%mul3A_10, %dma_wait3A_296] : memref<2560x128xi32, #tpu.memory_space<hbm>> -> memref<80x128xi32, #tpu.memory_space<hbm>>
      tpu.wait_dma2 semaphore(%run_scoped3A : memref<!tpu.dma_semaphore, #tpu.memory_space<semaphore_mem>>) src(%dma_wait3A_297 : memref<80x128xi32, #tpu.memory_space<hbm>>) dst(%arg9 : memref<80x128xi32, #tpu.memory_space<vmem>>)
      tpu.yield
    }) : () -> ()
    %mul3A_11 = arith.constant 80 : i32
    %mul3A_12 = arith.muli %add3A, %mul3A_11 : i32
    "tpu.region"() ({
      %run_scoped3A = tpu.sem_alloc : memref<!tpu.dma_semaphore, #tpu.memory_space<semaphore_mem>>
      %dma_start3A_290 = arith.constant 0 : i32
      %dma_start3A_291 = tpu.memref_slice %arg3[%mul3A_12, %dma_start3A_290] : memref<2560x128xi32, #tpu.memory_space<hbm>> -> memref<80x128xi32, #tpu.memory_space<hbm>>
      %dma_start3A_292 = arith.constant 0 : i32
      %dma_start3A_293 = tpu.memref_slice %arg3[%mul3A_12, %dma_start3A_292] : memref<2560x128xi32, #tpu.memory_space<hbm>> -> memref<80x128xi32, #tpu.memory_space<hbm>>
      tpu.enqueue_dma source(%dma_start3A_293 : memref<80x128xi32, #tpu.memory_space<hbm>>) target(%arg10 : memref<80x128xi32, #tpu.memory_space<vmem>>) target_semaphore(%run_scoped3A : memref<!tpu.dma_semaphore, #tpu.memory_space<semaphore_mem>>)
      %dma_wait3A_294 = arith.constant 0 : i32
      %dma_wait3A_295 = tpu.memref_slice %arg3[%mul3A_12, %dma_wait3A_294] : memref<2560x128xi32, #tpu.memory_space<hbm>> -> memref<80x128xi32, #tpu.memory_space<hbm>>
      %dma_wait3A_296 = arith.constant 0 : i32
      %dma_wait3A_297 = tpu.memref_slice %arg3[%mul3A_12, %dma_wait3A_296] : memref<2560x128xi32, #tpu.memory_space<hbm>> -> memref<80x128xi32, #tpu.memory_space<hbm>>
      tpu.wait_dma2 semaphore(%run_scoped3A : memref<!tpu.dma_semaphore, #tpu.memory_space<semaphore_mem>>) src(%dma_wait3A_297 : memref<80x128xi32, #tpu.memory_space<hbm>>) dst(%arg10 : memref<80x128xi32, #tpu.memory_space<vmem>>)
      tpu.yield
    }) : () -> ()
    %barrier3A = arith.constant 0 : index
    tpu.barrier barrier_id(%barrier3A)
    %dma_start3A = arith.constant 0 : i32
    %dma_start3A_13 = arith.constant 0 : i32
    %dma_start3A_14 = arith.constant 0 : i32
    %dma_start3A_15 = arith.constant 0 : i32
    %dma_start3A_16 = arith.constant 0 : i32
    %dma_start3A_17 = tpu.memref_slice %arg11[%dma_start3A_13, %dma_start3A_15, %dma_start3A_16] : memref<12x128x16xf32, #tpu.memory_space<vmem>> -> memref<1x128x16xf32, #tpu.memory_space<vmem>>
    %dma_start3A_18 = tpu.memref_squeeze %dma_start3A_17 : memref<1x128x16xf32, #tpu.memory_space<vmem>> -> memref<128x16xf32, #tpu.memory_space<vmem>>
    %dma_start3A_19 = arith.constant 0 : i32
    %dma_start3A_20 = tpu.memref_slice %arg9[%dma_start3A, %dma_start3A_19] : memref<80x128xi32, #tpu.memory_space<vmem>> -> memref<1x128xi32, #tpu.memory_space<vmem>>
    %dma_start3A_21 = tpu.memref_squeeze %dma_start3A_20 : memref<1x128xi32, #tpu.memory_space<vmem>> -> memref<128xi32, #tpu.memory_space<vmem>>
    %dma_start3A_22 = arith.constant 0 : i32
    %dma_start3A_23 = arith.constant 0 : i32
    %dma_start3A_24 = tpu.memref_slice %arg7[%dma_start3A_22, %dma_start3A_23] : memref<10112x16xf32, #tpu.memory_space<vmem_shared>> -> memref<10112x16xf32, #tpu.memory_space<vmem_shared>>
    %dma_start3A_25 = tpu.memref_slice %arg12[%dma_start3A_14] : memref<12x!tpu.dma_semaphore, #tpu.memory_space<semaphore_mem>> -> memref<1x!tpu.dma_semaphore, #tpu.memory_space<semaphore_mem>>
    %dma_start3A_26 = tpu.memref_squeeze %dma_start3A_25 : memref<1x!tpu.dma_semaphore, #tpu.memory_space<semaphore_mem>> -> memref<!tpu.dma_semaphore, #tpu.memory_space<semaphore_mem>>
    tpu.enqueue_indirect_dma source(%dma_start3A_24 : memref<10112x16xf32, #tpu.memory_space<vmem_shared>>) target(%dma_start3A_18 : memref<128x16xf32, #tpu.memory_space<vmem>>) offsets(%dma_start3A_21 : memref<128xi32, #tpu.memory_space<vmem>>) semaphore(%dma_start3A_26 : memref<!tpu.dma_semaphore, #tpu.memory_space<semaphore_mem>>)
    %dma_start3A_27 = arith.constant 1 : i32
    %dma_start3A_28 = arith.constant 1 : i32
    %dma_start3A_29 = arith.constant 1 : i32
    %dma_start3A_30 = arith.constant 0 : i32
    %dma_start3A_31 = arith.constant 0 : i32
    %dma_start3A_32 = tpu.memref_slice %arg11[%dma_start3A_28, %dma_start3A_30, %dma_start3A_31] : memref<12x128x16xf32, #tpu.memory_space<vmem>> -> memref<1x128x16xf32, #tpu.memory_space<vmem>>
    %dma_start3A_33 = tpu.memref_squeeze %dma_start3A_32 : memref<1x128x16xf32, #tpu.memory_space<vmem>> -> memref<128x16xf32, #tpu.memory_space<vmem>>
    %dma_start3A_34 = arith.constant 0 : i32
    %dma_start3A_35 = tpu.memref_slice %arg9[%dma_start3A_27, %dma_start3A_34] : memref<80x128xi32, #tpu.memory_space<vmem>> -> memref<1x128xi32, #tpu.memory_space<vmem>>
    %dma_start3A_36 = tpu.memref_squeeze %dma_start3A_35 : memref<1x128xi32, #tpu.memory_space<vmem>> -> memref<128xi32, #tpu.memory_space<vmem>>
    %dma_start3A_37 = arith.constant 0 : i32
    %dma_start3A_38 = arith.constant 0 : i32
    %dma_start3A_39 = tpu.memref_slice %arg7[%dma_start3A_37, %dma_start3A_38] : memref<10112x16xf32, #tpu.memory_space<vmem_shared>> -> memref<10112x16xf32, #tpu.memory_space<vmem_shared>>
    %dma_start3A_40 = tpu.memref_slice %arg12[%dma_start3A_29] : memref<12x!tpu.dma_semaphore, #tpu.memory_space<semaphore_mem>> -> memref<1x!tpu.dma_semaphore, #tpu.memory_space<semaphore_mem>>
    %dma_start3A_41 = tpu.memref_squeeze %dma_start3A_40 : memref<1x!tpu.dma_semaphore, #tpu.memory_space<semaphore_mem>> -> memref<!tpu.dma_semaphore, #tpu.memory_space<semaphore_mem>>
    tpu.enqueue_indirect_dma source(%dma_start3A_39 : memref<10112x16xf32, #tpu.memory_space<vmem_shared>>) target(%dma_start3A_33 : memref<128x16xf32, #tpu.memory_space<vmem>>) offsets(%dma_start3A_36 : memref<128xi32, #tpu.memory_space<vmem>>) semaphore(%dma_start3A_41 : memref<!tpu.dma_semaphore, #tpu.memory_space<semaphore_mem>>)
    %dma_start3A_42 = arith.constant 2 : i32
    %dma_start3A_43 = arith.constant 2 : i32
    %dma_start3A_44 = arith.constant 2 : i32
    %dma_start3A_45 = arith.constant 0 : i32
    %dma_start3A_46 = arith.constant 0 : i32
    %dma_start3A_47 = tpu.memref_slice %arg11[%dma_start3A_43, %dma_start3A_45, %dma_start3A_46] : memref<12x128x16xf32, #tpu.memory_space<vmem>> -> memref<1x128x16xf32, #tpu.memory_space<vmem>>
    %dma_start3A_48 = tpu.memref_squeeze %dma_start3A_47 : memref<1x128x16xf32, #tpu.memory_space<vmem>> -> memref<128x16xf32, #tpu.memory_space<vmem>>
    %dma_start3A_49 = arith.constant 0 : i32
    %dma_start3A_50 = tpu.memref_slice %arg9[%dma_start3A_42, %dma_start3A_49] : memref<80x128xi32, #tpu.memory_space<vmem>> -> memref<1x128xi32, #tpu.memory_space<vmem>>
    %dma_start3A_51 = tpu.memref_squeeze %dma_start3A_50 : memref<1x128xi32, #tpu.memory_space<vmem>> -> memref<128xi32, #tpu.memory_space<vmem>>
    %dma_start3A_52 = arith.constant 0 : i32
    %dma_start3A_53 = arith.constant 0 : i32
    %dma_start3A_54 = tpu.memref_slice %arg7[%dma_start3A_52, %dma_start3A_53] : memref<10112x16xf32, #tpu.memory_space<vmem_shared>> -> memref<10112x16xf32, #tpu.memory_space<vmem_shared>>
    %dma_start3A_55 = tpu.memref_slice %arg12[%dma_start3A_44] : memref<12x!tpu.dma_semaphore, #tpu.memory_space<semaphore_mem>> -> memref<1x!tpu.dma_semaphore, #tpu.memory_space<semaphore_mem>>
    %dma_start3A_56 = tpu.memref_squeeze %dma_start3A_55 : memref<1x!tpu.dma_semaphore, #tpu.memory_space<semaphore_mem>> -> memref<!tpu.dma_semaphore, #tpu.memory_space<semaphore_mem>>
    tpu.enqueue_indirect_dma source(%dma_start3A_54 : memref<10112x16xf32, #tpu.memory_space<vmem_shared>>) target(%dma_start3A_48 : memref<128x16xf32, #tpu.memory_space<vmem>>) offsets(%dma_start3A_51 : memref<128xi32, #tpu.memory_space<vmem>>) semaphore(%dma_start3A_56 : memref<!tpu.dma_semaphore, #tpu.memory_space<semaphore_mem>>)
    %dma_start3A_57 = arith.constant 3 : i32
    %dma_start3A_58 = arith.constant 3 : i32
    %dma_start3A_59 = arith.constant 3 : i32
    %dma_start3A_60 = arith.constant 0 : i32
    %dma_start3A_61 = arith.constant 0 : i32
    %dma_start3A_62 = tpu.memref_slice %arg11[%dma_start3A_58, %dma_start3A_60, %dma_start3A_61] : memref<12x128x16xf32, #tpu.memory_space<vmem>> -> memref<1x128x16xf32, #tpu.memory_space<vmem>>
    %dma_start3A_63 = tpu.memref_squeeze %dma_start3A_62 : memref<1x128x16xf32, #tpu.memory_space<vmem>> -> memref<128x16xf32, #tpu.memory_space<vmem>>
    %dma_start3A_64 = arith.constant 0 : i32
    %dma_start3A_65 = tpu.memref_slice %arg9[%dma_start3A_57, %dma_start3A_64] : memref<80x128xi32, #tpu.memory_space<vmem>> -> memref<1x128xi32, #tpu.memory_space<vmem>>
    %dma_start3A_66 = tpu.memref_squeeze %dma_start3A_65 : memref<1x128xi32, #tpu.memory_space<vmem>> -> memref<128xi32, #tpu.memory_space<vmem>>
    %dma_start3A_67 = arith.constant 0 : i32
    %dma_start3A_68 = arith.constant 0 : i32
    %dma_start3A_69 = tpu.memref_slice %arg7[%dma_start3A_67, %dma_start3A_68] : memref<10112x16xf32, #tpu.memory_space<vmem_shared>> -> memref<10112x16xf32, #tpu.memory_space<vmem_shared>>
    %dma_start3A_70 = tpu.memref_slice %arg12[%dma_start3A_59] : memref<12x!tpu.dma_semaphore, #tpu.memory_space<semaphore_mem>> -> memref<1x!tpu.dma_semaphore, #tpu.memory_space<semaphore_mem>>
    %dma_start3A_71 = tpu.memref_squeeze %dma_start3A_70 : memref<1x!tpu.dma_semaphore, #tpu.memory_space<semaphore_mem>> -> memref<!tpu.dma_semaphore, #tpu.memory_space<semaphore_mem>>
    tpu.enqueue_indirect_dma source(%dma_start3A_69 : memref<10112x16xf32, #tpu.memory_space<vmem_shared>>) target(%dma_start3A_63 : memref<128x16xf32, #tpu.memory_space<vmem>>) offsets(%dma_start3A_66 : memref<128xi32, #tpu.memory_space<vmem>>) semaphore(%dma_start3A_71 : memref<!tpu.dma_semaphore, #tpu.memory_space<semaphore_mem>>)
    %dma_start3A_72 = arith.constant 4 : i32
    %dma_start3A_73 = arith.constant 4 : i32
    %dma_start3A_74 = arith.constant 4 : i32
    %dma_start3A_75 = arith.constant 0 : i32
    %dma_start3A_76 = arith.constant 0 : i32
    %dma_start3A_77 = tpu.memref_slice %arg11[%dma_start3A_73, %dma_start3A_75, %dma_start3A_76] : memref<12x128x16xf32, #tpu.memory_space<vmem>> -> memref<1x128x16xf32, #tpu.memory_space<vmem>>
    %dma_start3A_78 = tpu.memref_squeeze %dma_start3A_77 : memref<1x128x16xf32, #tpu.memory_space<vmem>> -> memref<128x16xf32, #tpu.memory_space<vmem>>
    %dma_start3A_79 = arith.constant 0 : i32
    %dma_start3A_80 = tpu.memref_slice %arg9[%dma_start3A_72, %dma_start3A_79] : memref<80x128xi32, #tpu.memory_space<vmem>> -> memref<1x128xi32, #tpu.memory_space<vmem>>
    %dma_start3A_81 = tpu.memref_squeeze %dma_start3A_80 : memref<1x128xi32, #tpu.memory_space<vmem>> -> memref<128xi32, #tpu.memory_space<vmem>>
    %dma_start3A_82 = arith.constant 0 : i32
    %dma_start3A_83 = arith.constant 0 : i32
    %dma_start3A_84 = tpu.memref_slice %arg7[%dma_start3A_82, %dma_start3A_83] : memref<10112x16xf32, #tpu.memory_space<vmem_shared>> -> memref<10112x16xf32, #tpu.memory_space<vmem_shared>>
    %dma_start3A_85 = tpu.memref_slice %arg12[%dma_start3A_74] : memref<12x!tpu.dma_semaphore, #tpu.memory_space<semaphore_mem>> -> memref<1x!tpu.dma_semaphore, #tpu.memory_space<semaphore_mem>>
    %dma_start3A_86 = tpu.memref_squeeze %dma_start3A_85 : memref<1x!tpu.dma_semaphore, #tpu.memory_space<semaphore_mem>> -> memref<!tpu.dma_semaphore, #tpu.memory_space<semaphore_mem>>
    tpu.enqueue_indirect_dma source(%dma_start3A_84 : memref<10112x16xf32, #tpu.memory_space<vmem_shared>>) target(%dma_start3A_78 : memref<128x16xf32, #tpu.memory_space<vmem>>) offsets(%dma_start3A_81 : memref<128xi32, #tpu.memory_space<vmem>>) semaphore(%dma_start3A_86 : memref<!tpu.dma_semaphore, #tpu.memory_space<semaphore_mem>>)
    %dma_start3A_87 = arith.constant 5 : i32
    %dma_start3A_88 = arith.constant 5 : i32
    %dma_start3A_89 = arith.constant 5 : i32
    %dma_start3A_90 = arith.constant 0 : i32
    %dma_start3A_91 = arith.constant 0 : i32
    %dma_start3A_92 = tpu.memref_slice %arg11[%dma_start3A_88, %dma_start3A_90, %dma_start3A_91] : memref<12x128x16xf32, #tpu.memory_space<vmem>> -> memref<1x128x16xf32, #tpu.memory_space<vmem>>
    %dma_start3A_93 = tpu.memref_squeeze %dma_start3A_92 : memref<1x128x16xf32, #tpu.memory_space<vmem>> -> memref<128x16xf32, #tpu.memory_space<vmem>>
    %dma_start3A_94 = arith.constant 0 : i32
    %dma_start3A_95 = tpu.memref_slice %arg9[%dma_start3A_87, %dma_start3A_94] : memref<80x128xi32, #tpu.memory_space<vmem>> -> memref<1x128xi32, #tpu.memory_space<vmem>>
    %dma_start3A_96 = tpu.memref_squeeze %dma_start3A_95 : memref<1x128xi32, #tpu.memory_space<vmem>> -> memref<128xi32, #tpu.memory_space<vmem>>
    %dma_start3A_97 = arith.constant 0 : i32
    %dma_start3A_98 = arith.constant 0 : i32
    %dma_start3A_99 = tpu.memref_slice %arg7[%dma_start3A_97, %dma_start3A_98] : memref<10112x16xf32, #tpu.memory_space<vmem_shared>> -> memref<10112x16xf32, #tpu.memory_space<vmem_shared>>
    %dma_start3A_100 = tpu.memref_slice %arg12[%dma_start3A_89] : memref<12x!tpu.dma_semaphore, #tpu.memory_space<semaphore_mem>> -> memref<1x!tpu.dma_semaphore, #tpu.memory_space<semaphore_mem>>
    %dma_start3A_101 = tpu.memref_squeeze %dma_start3A_100 : memref<1x!tpu.dma_semaphore, #tpu.memory_space<semaphore_mem>> -> memref<!tpu.dma_semaphore, #tpu.memory_space<semaphore_mem>>
    tpu.enqueue_indirect_dma source(%dma_start3A_99 : memref<10112x16xf32, #tpu.memory_space<vmem_shared>>) target(%dma_start3A_93 : memref<128x16xf32, #tpu.memory_space<vmem>>) offsets(%dma_start3A_96 : memref<128xi32, #tpu.memory_space<vmem>>) semaphore(%dma_start3A_101 : memref<!tpu.dma_semaphore, #tpu.memory_space<semaphore_mem>>)
    %scan3A = arith.constant 0 : i32
    %scan3A_102 = arith.constant 80 : i32
    %scan3A_103 = arith.addi %scan3A, %scan3A_102 : i32
    %scan3A_104 = arith.constant 1 : i32
    scf.for %scan3A_290 = %scan3A to %scan3A_103 step %scan3A_104  : i32 {
      %rem3A = arith.constant 12 : i32
      %rem3A_291 = arith.remsi %scan3A_290, %rem3A : i32
      %dma_wait3A_292 = arith.constant 0 : i32
      %dma_wait3A_293 = arith.constant 0 : i32
      %dma_wait3A_294 = tpu.memref_slice %arg11[%rem3A_291, %dma_wait3A_292, %dma_wait3A_293] : memref<12x128x16xf32, #tpu.memory_space<vmem>> -> memref<1x128x16xf32, #tpu.memory_space<vmem>>
      %dma_wait3A_295 = tpu.memref_squeeze %dma_wait3A_294 : memref<1x128x16xf32, #tpu.memory_space<vmem>> -> memref<128x16xf32, #tpu.memory_space<vmem>>
      %dma_wait3A_296 = arith.constant 0 : i32
      %dma_wait3A_297 = tpu.memref_slice %arg9[%scan3A_290, %dma_wait3A_296] : memref<80x128xi32, #tpu.memory_space<vmem>> -> memref<1x128xi32, #tpu.memory_space<vmem>>
      %dma_wait3A_298 = tpu.memref_squeeze %dma_wait3A_297 : memref<1x128xi32, #tpu.memory_space<vmem>> -> memref<128xi32, #tpu.memory_space<vmem>>
      %dma_wait3A_299 = arith.constant 0 : i32
      %dma_wait3A_300 = arith.constant 0 : i32
      %dma_wait3A_301 = tpu.memref_slice %arg7[%dma_wait3A_299, %dma_wait3A_300] : memref<10112x16xf32, #tpu.memory_space<vmem_shared>> -> memref<10112x16xf32, #tpu.memory_space<vmem_shared>>
      %dma_wait3A_302 = tpu.memref_slice %arg12[%rem3A_291] : memref<12x!tpu.dma_semaphore, #tpu.memory_space<semaphore_mem>> -> memref<1x!tpu.dma_semaphore, #tpu.memory_space<semaphore_mem>>
      %dma_wait3A_303 = tpu.memref_squeeze %dma_wait3A_302 : memref<1x!tpu.dma_semaphore, #tpu.memory_space<semaphore_mem>> -> memref<!tpu.dma_semaphore, #tpu.memory_space<semaphore_mem>>
      tpu.wait_indirect_dma semaphore(%dma_wait3A_303 : memref<!tpu.dma_semaphore, #tpu.memory_space<semaphore_mem>>) src(%dma_wait3A_301 : memref<10112x16xf32, #tpu.memory_space<vmem_shared>>) dst(%dma_wait3A_295 : memref<128x16xf32, #tpu.memory_space<vmem>>)
      %dma_start3A_304 = arith.constant 0 : i32
      %dma_start3A_305 = arith.constant 0 : i32
      %dma_start3A_306 = tpu.memref_slice %arg11[%rem3A_291, %dma_start3A_304, %dma_start3A_305] : memref<12x128x16xf32, #tpu.memory_space<vmem>> -> memref<1x128x16xf32, #tpu.memory_space<vmem>>
      %dma_start3A_307 = tpu.memref_squeeze %dma_start3A_306 : memref<1x128x16xf32, #tpu.memory_space<vmem>> -> memref<128x16xf32, #tpu.memory_space<vmem>>
      %dma_start3A_308 = arith.constant 0 : i32
      %dma_start3A_309 = tpu.memref_slice %arg10[%scan3A_290, %dma_start3A_308] : memref<80x128xi32, #tpu.memory_space<vmem>> -> memref<1x128xi32, #tpu.memory_space<vmem>>
      %dma_start3A_310 = tpu.memref_squeeze %dma_start3A_309 : memref<1x128xi32, #tpu.memory_space<vmem>> -> memref<128xi32, #tpu.memory_space<vmem>>
      %dma_start3A_311 = arith.constant 0 : i32
      %dma_start3A_312 = arith.constant 0 : i32
      %dma_start3A_313 = tpu.memref_slice %arg8[%dma_start3A_311, %dma_start3A_312] : memref<10112x16xf32, #tpu.memory_space<vmem_shared>> -> memref<10112x16xf32, #tpu.memory_space<vmem_shared>>
      %dma_start3A_314 = tpu.memref_slice %arg13[%rem3A_291] : memref<12x!tpu.dma_semaphore, #tpu.memory_space<semaphore_mem>> -> memref<1x!tpu.dma_semaphore, #tpu.memory_space<semaphore_mem>>
      %dma_start3A_315 = tpu.memref_squeeze %dma_start3A_314 : memref<1x!tpu.dma_semaphore, #tpu.memory_space<semaphore_mem>> -> memref<!tpu.dma_semaphore, #tpu.memory_space<semaphore_mem>>
      tpu.enqueue_indirect_dma source(%dma_start3A_307 : memref<128x16xf32, #tpu.memory_space<vmem>>) target(%dma_start3A_313 : memref<10112x16xf32, #tpu.memory_space<vmem_shared>>) offsets(%dma_start3A_310 : memref<128xi32, #tpu.memory_space<vmem>>) semaphore(%dma_start3A_315 : memref<!tpu.dma_semaphore, #tpu.memory_space<semaphore_mem>>) {add = true}
      %add3A_316 = arith.constant 6 : i32
      %add3A_317 = arith.addi %scan3A_290, %add3A_316 : i32
      %lt3A = arith.constant 80 : i32
      %lt3A_318 = arith.cmpi slt, %add3A_317, %lt3A : i32
      %convert_element_type3A = arith.extui %lt3A_318 : i1 to i32
      %cond3A = arith.constant 0 : i32
      %cond3A_319 = arith.cmpi ne, %convert_element_type3A, %cond3A : i32
      scf.if %cond3A_319 {
        %rem3A_320 = arith.constant 12 : i32
        %rem3A_321 = arith.remsi %add3A_317, %rem3A_320 : i32
        %ge3A = arith.constant 6 : i32
        %ge3A_322 = arith.cmpi sge, %scan3A_290, %ge3A : i32
        %convert_element_type3A_323 = arith.extui %ge3A_322 : i1 to i32
        %cond3A_324 = arith.constant 0 : i32
        %cond3A_325 = arith.cmpi ne, %convert_element_type3A_323, %cond3A_324 : i32
        scf.if %cond3A_325 {
          %sub3A = arith.constant 12 : i32
          %sub3A_338 = arith.subi %add3A_317, %sub3A : i32
          %dma_wait3A_339 = arith.constant 0 : i32
          %dma_wait3A_340 = arith.constant 0 : i32
          %dma_wait3A_341 = tpu.memref_slice %arg11[%rem3A_321, %dma_wait3A_339, %dma_wait3A_340] : memref<12x128x16xf32, #tpu.memory_space<vmem>> -> memref<1x128x16xf32, #tpu.memory_space<vmem>>
          %dma_wait3A_342 = tpu.memref_squeeze %dma_wait3A_341 : memref<1x128x16xf32, #tpu.memory_space<vmem>> -> memref<128x16xf32, #tpu.memory_space<vmem>>
          %dma_wait3A_343 = arith.constant 0 : i32
          %dma_wait3A_344 = tpu.memref_slice %arg10[%sub3A_338, %dma_wait3A_343] : memref<80x128xi32, #tpu.memory_space<vmem>> -> memref<1x128xi32, #tpu.memory_space<vmem>>
          %dma_wait3A_345 = tpu.memref_squeeze %dma_wait3A_344 : memref<1x128xi32, #tpu.memory_space<vmem>> -> memref<128xi32, #tpu.memory_space<vmem>>
          %dma_wait3A_346 = arith.constant 0 : i32
          %dma_wait3A_347 = arith.constant 0 : i32
          %dma_wait3A_348 = tpu.memref_slice %arg8[%dma_wait3A_346, %dma_wait3A_347] : memref<10112x16xf32, #tpu.memory_space<vmem_shared>> -> memref<10112x16xf32, #tpu.memory_space<vmem_shared>>
          %dma_wait3A_349 = tpu.memref_slice %arg13[%rem3A_321] : memref<12x!tpu.dma_semaphore, #tpu.memory_space<semaphore_mem>> -> memref<1x!tpu.dma_semaphore, #tpu.memory_space<semaphore_mem>>
          %dma_wait3A_350 = tpu.memref_squeeze %dma_wait3A_349 : memref<1x!tpu.dma_semaphore, #tpu.memory_space<semaphore_mem>> -> memref<!tpu.dma_semaphore, #tpu.memory_space<semaphore_mem>>
          tpu.wait_indirect_dma semaphore(%dma_wait3A_350 : memref<!tpu.dma_semaphore, #tpu.memory_space<semaphore_mem>>) src(%dma_wait3A_342 : memref<128x16xf32, #tpu.memory_space<vmem>>) dst(%dma_wait3A_348 : memref<10112x16xf32, #tpu.memory_space<vmem_shared>>)
        } else {
        }
        %dma_start3A_326 = arith.constant 0 : i32
        %dma_start3A_327 = arith.constant 0 : i32
        %dma_start3A_328 = tpu.memref_slice %arg11[%rem3A_321, %dma_start3A_326, %dma_start3A_327] : memref<12x128x16xf32, #tpu.memory_space<vmem>> -> memref<1x128x16xf32, #tpu.memory_space<vmem>>
        %dma_start3A_329 = tpu.memref_squeeze %dma_start3A_328 : memref<1x128x16xf32, #tpu.memory_space<vmem>> -> memref<128x16xf32, #tpu.memory_space<vmem>>
        %dma_start3A_330 = arith.constant 0 : i32
        %dma_start3A_331 = tpu.memref_slice %arg9[%add3A_317, %dma_start3A_330] : memref<80x128xi32, #tpu.memory_space<vmem>> -> memref<1x128xi32, #tpu.memory_space<vmem>>
        %dma_start3A_332 = tpu.memref_squeeze %dma_start3A_331 : memref<1x128xi32, #tpu.memory_space<vmem>> -> memref<128xi32, #tpu.memory_space<vmem>>
        %dma_start3A_333 = arith.constant 0 : i32
        %dma_start3A_334 = arith.constant 0 : i32
        %dma_start3A_335 = tpu.memref_slice %arg7[%dma_start3A_333, %dma_start3A_334] : memref<10112x16xf32, #tpu.memory_space<vmem_shared>> -> memref<10112x16xf32, #tpu.memory_space<vmem_shared>>
        %dma_start3A_336 = tpu.memref_slice %arg12[%rem3A_321] : memref<12x!tpu.dma_semaphore, #tpu.memory_space<semaphore_mem>> -> memref<1x!tpu.dma_semaphore, #tpu.memory_space<semaphore_mem>>
        %dma_start3A_337 = tpu.memref_squeeze %dma_start3A_336 : memref<1x!tpu.dma_semaphore, #tpu.memory_space<semaphore_mem>> -> memref<!tpu.dma_semaphore, #tpu.memory_space<semaphore_mem>>
        tpu.enqueue_indirect_dma source(%dma_start3A_335 : memref<10112x16xf32, #tpu.memory_space<vmem_shared>>) target(%dma_start3A_329 : memref<128x16xf32, #tpu.memory_space<vmem>>) offsets(%dma_start3A_332 : memref<128xi32, #tpu.memory_space<vmem>>) semaphore(%dma_start3A_337 : memref<!tpu.dma_semaphore, #tpu.memory_space<semaphore_mem>>)
      } else {
      }
    }
    %scan3A_105 = arith.constant 80 : i32
    %dma_wait3A = arith.constant 8 : i32
    %dma_wait3A_106 = arith.constant 68 : i32
    %dma_wait3A_107 = arith.constant 8 : i32
    %dma_wait3A_108 = arith.constant 0 : i32
    %dma_wait3A_109 = arith.constant 0 : i32
    %dma_wait3A_110 = tpu.memref_slice %arg11[%dma_wait3A, %dma_wait3A_108, %dma_wait3A_109] : memref<12x128x16xf32, #tpu.memory_space<vmem>> -> memref<1x128x16xf32, #tpu.memory_space<vmem>>
    %dma_wait3A_111 = tpu.memref_squeeze %dma_wait3A_110 : memref<1x128x16xf32, #tpu.memory_space<vmem>> -> memref<128x16xf32, #tpu.memory_space<vmem>>
    %dma_wait3A_112 = arith.constant 0 : i32
    %dma_wait3A_113 = tpu.memref_slice %arg10[%dma_wait3A_106, %dma_wait3A_112] : memref<80x128xi32, #tpu.memory_space<vmem>> -> memref<1x128xi32, #tpu.memory_space<vmem>>
    %dma_wait3A_114 = tpu.memref_squeeze %dma_wait3A_113 : memref<1x128xi32, #tpu.memory_space<vmem>> -> memref<128xi32, #tpu.memory_space<vmem>>
    %dma_wait3A_115 = arith.constant 0 : i32
    %dma_wait3A_116 = arith.constant 0 : i32
    %dma_wait3A_117 = tpu.memref_slice %arg8[%dma_wait3A_115, %dma_wait3A_116] : memref<10112x16xf32, #tpu.memory_space<vmem_shared>> -> memref<10112x16xf32, #tpu.memory_space<vmem_shared>>
    %dma_wait3A_118 = tpu.memref_slice %arg13[%dma_wait3A_107] : memref<12x!tpu.dma_semaphore, #tpu.memory_space<semaphore_mem>> -> memref<1x!tpu.dma_semaphore, #tpu.memory_space<semaphore_mem>>
    %dma_wait3A_119 = tpu.memref_squeeze %dma_wait3A_118 : memref<1x!tpu.dma_semaphore, #tpu.memory_space<semaphore_mem>> -> memref<!tpu.dma_semaphore, #tpu.memory_space<semaphore_mem>>
    tpu.wait_indirect_dma semaphore(%dma_wait3A_119 : memref<!tpu.dma_semaphore, #tpu.memory_space<semaphore_mem>>) src(%dma_wait3A_111 : memref<128x16xf32, #tpu.memory_space<vmem>>) dst(%dma_wait3A_117 : memref<10112x16xf32, #tpu.memory_space<vmem_shared>>)
    %dma_wait3A_120 = arith.constant 9 : i32
    %dma_wait3A_121 = arith.constant 69 : i32
    %dma_wait3A_122 = arith.constant 9 : i32
    %dma_wait3A_123 = arith.constant 0 : i32
    %dma_wait3A_124 = arith.constant 0 : i32
    %dma_wait3A_125 = tpu.memref_slice %arg11[%dma_wait3A_120, %dma_wait3A_123, %dma_wait3A_124] : memref<12x128x16xf32, #tpu.memory_space<vmem>> -> memref<1x128x16xf32, #tpu.memory_space<vmem>>
    %dma_wait3A_126 = tpu.memref_squeeze %dma_wait3A_125 : memref<1x128x16xf32, #tpu.memory_space<vmem>> -> memref<128x16xf32, #tpu.memory_space<vmem>>
    %dma_wait3A_127 = arith.constant 0 : i32
    %dma_wait3A_128 = tpu.memref_slice %arg10[%dma_wait3A_121, %dma_wait3A_127] : memref<80x128xi32, #tpu.memory_space<vmem>> -> memref<1x128xi32, #tpu.memory_space<vmem>>
    %dma_wait3A_129 = tpu.memref_squeeze %dma_wait3A_128 : memref<1x128xi32, #tpu.memory_space<vmem>> -> memref<128xi32, #tpu.memory_space<vmem>>
    %dma_wait3A_130 = arith.constant 0 : i32
    %dma_wait3A_131 = arith.constant 0 : i32
    %dma_wait3A_132 = tpu.memref_slice %arg8[%dma_wait3A_130, %dma_wait3A_131] : memref<10112x16xf32, #tpu.memory_space<vmem_shared>> -> memref<10112x16xf32, #tpu.memory_space<vmem_shared>>
    %dma_wait3A_133 = tpu.memref_slice %arg13[%dma_wait3A_122] : memref<12x!tpu.dma_semaphore, #tpu.memory_space<semaphore_mem>> -> memref<1x!tpu.dma_semaphore, #tpu.memory_space<semaphore_mem>>
    %dma_wait3A_134 = tpu.memref_squeeze %dma_wait3A_133 : memref<1x!tpu.dma_semaphore, #tpu.memory_space<semaphore_mem>> -> memref<!tpu.dma_semaphore, #tpu.memory_space<semaphore_mem>>
    tpu.wait_indirect_dma semaphore(%dma_wait3A_134 : memref<!tpu.dma_semaphore, #tpu.memory_space<semaphore_mem>>) src(%dma_wait3A_126 : memref<128x16xf32, #tpu.memory_space<vmem>>) dst(%dma_wait3A_132 : memref<10112x16xf32, #tpu.memory_space<vmem_shared>>)
    %dma_wait3A_135 = arith.constant 10 : i32
    %dma_wait3A_136 = arith.constant 70 : i32
    %dma_wait3A_137 = arith.constant 10 : i32
    %dma_wait3A_138 = arith.constant 0 : i32
    %dma_wait3A_139 = arith.constant 0 : i32
    %dma_wait3A_140 = tpu.memref_slice %arg11[%dma_wait3A_135, %dma_wait3A_138, %dma_wait3A_139] : memref<12x128x16xf32, #tpu.memory_space<vmem>> -> memref<1x128x16xf32, #tpu.memory_space<vmem>>
    %dma_wait3A_141 = tpu.memref_squeeze %dma_wait3A_140 : memref<1x128x16xf32, #tpu.memory_space<vmem>> -> memref<128x16xf32, #tpu.memory_space<vmem>>
    %dma_wait3A_142 = arith.constant 0 : i32
    %dma_wait3A_143 = tpu.memref_slice %arg10[%dma_wait3A_136, %dma_wait3A_142] : memref<80x128xi32, #tpu.memory_space<vmem>> -> memref<1x128xi32, #tpu.memory_space<vmem>>
    %dma_wait3A_144 = tpu.memref_squeeze %dma_wait3A_143 : memref<1x128xi32, #tpu.memory_space<vmem>> -> memref<128xi32, #tpu.memory_space<vmem>>
    %dma_wait3A_145 = arith.constant 0 : i32
    %dma_wait3A_146 = arith.constant 0 : i32
    %dma_wait3A_147 = tpu.memref_slice %arg8[%dma_wait3A_145, %dma_wait3A_146] : memref<10112x16xf32, #tpu.memory_space<vmem_shared>> -> memref<10112x16xf32, #tpu.memory_space<vmem_shared>>
    %dma_wait3A_148 = tpu.memref_slice %arg13[%dma_wait3A_137] : memref<12x!tpu.dma_semaphore, #tpu.memory_space<semaphore_mem>> -> memref<1x!tpu.dma_semaphore, #tpu.memory_space<semaphore_mem>>
    %dma_wait3A_149 = tpu.memref_squeeze %dma_wait3A_148 : memref<1x!tpu.dma_semaphore, #tpu.memory_space<semaphore_mem>> -> memref<!tpu.dma_semaphore, #tpu.memory_space<semaphore_mem>>
    tpu.wait_indirect_dma semaphore(%dma_wait3A_149 : memref<!tpu.dma_semaphore, #tpu.memory_space<semaphore_mem>>) src(%dma_wait3A_141 : memref<128x16xf32, #tpu.memory_space<vmem>>) dst(%dma_wait3A_147 : memref<10112x16xf32, #tpu.memory_space<vmem_shared>>)
    %dma_wait3A_150 = arith.constant 11 : i32
    %dma_wait3A_151 = arith.constant 71 : i32
    %dma_wait3A_152 = arith.constant 11 : i32
    %dma_wait3A_153 = arith.constant 0 : i32
    %dma_wait3A_154 = arith.constant 0 : i32
    %dma_wait3A_155 = tpu.memref_slice %arg11[%dma_wait3A_150, %dma_wait3A_153, %dma_wait3A_154] : memref<12x128x16xf32, #tpu.memory_space<vmem>> -> memref<1x128x16xf32, #tpu.memory_space<vmem>>
    %dma_wait3A_156 = tpu.memref_squeeze %dma_wait3A_155 : memref<1x128x16xf32, #tpu.memory_space<vmem>> -> memref<128x16xf32, #tpu.memory_space<vmem>>
    %dma_wait3A_157 = arith.constant 0 : i32
    %dma_wait3A_158 = tpu.memref_slice %arg10[%dma_wait3A_151, %dma_wait3A_157] : memref<80x128xi32, #tpu.memory_space<vmem>> -> memref<1x128xi32, #tpu.memory_space<vmem>>
    %dma_wait3A_159 = tpu.memref_squeeze %dma_wait3A_158 : memref<1x128xi32, #tpu.memory_space<vmem>> -> memref<128xi32, #tpu.memory_space<vmem>>
    %dma_wait3A_160 = arith.constant 0 : i32
    %dma_wait3A_161 = arith.constant 0 : i32
    %dma_wait3A_162 = tpu.memref_slice %arg8[%dma_wait3A_160, %dma_wait3A_161] : memref<10112x16xf32, #tpu.memory_space<vmem_shared>> -> memref<10112x16xf32, #tpu.memory_space<vmem_shared>>
    %dma_wait3A_163 = tpu.memref_slice %arg13[%dma_wait3A_152] : memref<12x!tpu.dma_semaphore, #tpu.memory_space<semaphore_mem>> -> memref<1x!tpu.dma_semaphore, #tpu.memory_space<semaphore_mem>>
    %dma_wait3A_164 = tpu.memref_squeeze %dma_wait3A_163 : memref<1x!tpu.dma_semaphore, #tpu.memory_space<semaphore_mem>> -> memref<!tpu.dma_semaphore, #tpu.memory_space<semaphore_mem>>
    tpu.wait_indirect_dma semaphore(%dma_wait3A_164 : memref<!tpu.dma_semaphore, #tpu.memory_space<semaphore_mem>>) src(%dma_wait3A_156 : memref<128x16xf32, #tpu.memory_space<vmem>>) dst(%dma_wait3A_162 : memref<10112x16xf32, #tpu.memory_space<vmem_shared>>)
    %dma_wait3A_165 = arith.constant 0 : i32
    %dma_wait3A_166 = arith.constant 72 : i32
    %dma_wait3A_167 = arith.constant 0 : i32
    %dma_wait3A_168 = arith.constant 0 : i32
    %dma_wait3A_169 = arith.constant 0 : i32
    %dma_wait3A_170 = tpu.memref_slice %arg11[%dma_wait3A_165, %dma_wait3A_168, %dma_wait3A_169] : memref<12x128x16xf32, #tpu.memory_space<vmem>> -> memref<1x128x16xf32, #tpu.memory_space<vmem>>
    %dma_wait3A_171 = tpu.memref_squeeze %dma_wait3A_170 : memref<1x128x16xf32, #tpu.memory_space<vmem>> -> memref<128x16xf32, #tpu.memory_space<vmem>>
    %dma_wait3A_172 = arith.constant 0 : i32
    %dma_wait3A_173 = tpu.memref_slice %arg10[%dma_wait3A_166, %dma_wait3A_172] : memref<80x128xi32, #tpu.memory_space<vmem>> -> memref<1x128xi32, #tpu.memory_space<vmem>>
    %dma_wait3A_174 = tpu.memref_squeeze %dma_wait3A_173 : memref<1x128xi32, #tpu.memory_space<vmem>> -> memref<128xi32, #tpu.memory_space<vmem>>
    %dma_wait3A_175 = arith.constant 0 : i32
    %dma_wait3A_176 = arith.constant 0 : i32
    %dma_wait3A_177 = tpu.memref_slice %arg8[%dma_wait3A_175, %dma_wait3A_176] : memref<10112x16xf32, #tpu.memory_space<vmem_shared>> -> memref<10112x16xf32, #tpu.memory_space<vmem_shared>>
    %dma_wait3A_178 = tpu.memref_slice %arg13[%dma_wait3A_167] : memref<12x!tpu.dma_semaphore, #tpu.memory_space<semaphore_mem>> -> memref<1x!tpu.dma_semaphore, #tpu.memory_space<semaphore_mem>>
    %dma_wait3A_179 = tpu.memref_squeeze %dma_wait3A_178 : memref<1x!tpu.dma_semaphore, #tpu.memory_space<semaphore_mem>> -> memref<!tpu.dma_semaphore, #tpu.memory_space<semaphore_mem>>
    tpu.wait_indirect_dma semaphore(%dma_wait3A_179 : memref<!tpu.dma_semaphore, #tpu.memory_space<semaphore_mem>>) src(%dma_wait3A_171 : memref<128x16xf32, #tpu.memory_space<vmem>>) dst(%dma_wait3A_177 : memref<10112x16xf32, #tpu.memory_space<vmem_shared>>)
    %dma_wait3A_180 = arith.constant 1 : i32
    %dma_wait3A_181 = arith.constant 73 : i32
    %dma_wait3A_182 = arith.constant 1 : i32
    %dma_wait3A_183 = arith.constant 0 : i32
    %dma_wait3A_184 = arith.constant 0 : i32
    %dma_wait3A_185 = tpu.memref_slice %arg11[%dma_wait3A_180, %dma_wait3A_183, %dma_wait3A_184] : memref<12x128x16xf32, #tpu.memory_space<vmem>> -> memref<1x128x16xf32, #tpu.memory_space<vmem>>
    %dma_wait3A_186 = tpu.memref_squeeze %dma_wait3A_185 : memref<1x128x16xf32, #tpu.memory_space<vmem>> -> memref<128x16xf32, #tpu.memory_space<vmem>>
    %dma_wait3A_187 = arith.constant 0 : i32
    %dma_wait3A_188 = tpu.memref_slice %arg10[%dma_wait3A_181, %dma_wait3A_187] : memref<80x128xi32, #tpu.memory_space<vmem>> -> memref<1x128xi32, #tpu.memory_space<vmem>>
    %dma_wait3A_189 = tpu.memref_squeeze %dma_wait3A_188 : memref<1x128xi32, #tpu.memory_space<vmem>> -> memref<128xi32, #tpu.memory_space<vmem>>
    %dma_wait3A_190 = arith.constant 0 : i32
    %dma_wait3A_191 = arith.constant 0 : i32
    %dma_wait3A_192 = tpu.memref_slice %arg8[%dma_wait3A_190, %dma_wait3A_191] : memref<10112x16xf32, #tpu.memory_space<vmem_shared>> -> memref<10112x16xf32, #tpu.memory_space<vmem_shared>>
    %dma_wait3A_193 = tpu.memref_slice %arg13[%dma_wait3A_182] : memref<12x!tpu.dma_semaphore, #tpu.memory_space<semaphore_mem>> -> memref<1x!tpu.dma_semaphore, #tpu.memory_space<semaphore_mem>>
    %dma_wait3A_194 = tpu.memref_squeeze %dma_wait3A_193 : memref<1x!tpu.dma_semaphore, #tpu.memory_space<semaphore_mem>> -> memref<!tpu.dma_semaphore, #tpu.memory_space<semaphore_mem>>
    tpu.wait_indirect_dma semaphore(%dma_wait3A_194 : memref<!tpu.dma_semaphore, #tpu.memory_space<semaphore_mem>>) src(%dma_wait3A_186 : memref<128x16xf32, #tpu.memory_space<vmem>>) dst(%dma_wait3A_192 : memref<10112x16xf32, #tpu.memory_space<vmem_shared>>)
    %dma_wait3A_195 = arith.constant 2 : i32
    %dma_wait3A_196 = arith.constant 74 : i32
    %dma_wait3A_197 = arith.constant 2 : i32
    %dma_wait3A_198 = arith.constant 0 : i32
    %dma_wait3A_199 = arith.constant 0 : i32
    %dma_wait3A_200 = tpu.memref_slice %arg11[%dma_wait3A_195, %dma_wait3A_198, %dma_wait3A_199] : memref<12x128x16xf32, #tpu.memory_space<vmem>> -> memref<1x128x16xf32, #tpu.memory_space<vmem>>
    %dma_wait3A_201 = tpu.memref_squeeze %dma_wait3A_200 : memref<1x128x16xf32, #tpu.memory_space<vmem>> -> memref<128x16xf32, #tpu.memory_space<vmem>>
    %dma_wait3A_202 = arith.constant 0 : i32
    %dma_wait3A_203 = tpu.memref_slice %arg10[%dma_wait3A_196, %dma_wait3A_202] : memref<80x128xi32, #tpu.memory_space<vmem>> -> memref<1x128xi32, #tpu.memory_space<vmem>>
    %dma_wait3A_204 = tpu.memref_squeeze %dma_wait3A_203 : memref<1x128xi32, #tpu.memory_space<vmem>> -> memref<128xi32, #tpu.memory_space<vmem>>
    %dma_wait3A_205 = arith.constant 0 : i32
    %dma_wait3A_206 = arith.constant 0 : i32
    %dma_wait3A_207 = tpu.memref_slice %arg8[%dma_wait3A_205, %dma_wait3A_206] : memref<10112x16xf32, #tpu.memory_space<vmem_shared>> -> memref<10112x16xf32, #tpu.memory_space<vmem_shared>>
    %dma_wait3A_208 = tpu.memref_slice %arg13[%dma_wait3A_197] : memref<12x!tpu.dma_semaphore, #tpu.memory_space<semaphore_mem>> -> memref<1x!tpu.dma_semaphore, #tpu.memory_space<semaphore_mem>>
    %dma_wait3A_209 = tpu.memref_squeeze %dma_wait3A_208 : memref<1x!tpu.dma_semaphore, #tpu.memory_space<semaphore_mem>> -> memref<!tpu.dma_semaphore, #tpu.memory_space<semaphore_mem>>
    tpu.wait_indirect_dma semaphore(%dma_wait3A_209 : memref<!tpu.dma_semaphore, #tpu.memory_space<semaphore_mem>>) src(%dma_wait3A_201 : memref<128x16xf32, #tpu.memory_space<vmem>>) dst(%dma_wait3A_207 : memref<10112x16xf32, #tpu.memory_space<vmem_shared>>)
    %dma_wait3A_210 = arith.constant 3 : i32
    %dma_wait3A_211 = arith.constant 75 : i32
    %dma_wait3A_212 = arith.constant 3 : i32
    %dma_wait3A_213 = arith.constant 0 : i32
    %dma_wait3A_214 = arith.constant 0 : i32
    %dma_wait3A_215 = tpu.memref_slice %arg11[%dma_wait3A_210, %dma_wait3A_213, %dma_wait3A_214] : memref<12x128x16xf32, #tpu.memory_space<vmem>> -> memref<1x128x16xf32, #tpu.memory_space<vmem>>
    %dma_wait3A_216 = tpu.memref_squeeze %dma_wait3A_215 : memref<1x128x16xf32, #tpu.memory_space<vmem>> -> memref<128x16xf32, #tpu.memory_space<vmem>>
    %dma_wait3A_217 = arith.constant 0 : i32
    %dma_wait3A_218 = tpu.memref_slice %arg10[%dma_wait3A_211, %dma_wait3A_217] : memref<80x128xi32, #tpu.memory_space<vmem>> -> memref<1x128xi32, #tpu.memory_space<vmem>>
    %dma_wait3A_219 = tpu.memref_squeeze %dma_wait3A_218 : memref<1x128xi32, #tpu.memory_space<vmem>> -> memref<128xi32, #tpu.memory_space<vmem>>
    %dma_wait3A_220 = arith.constant 0 : i32
    %dma_wait3A_221 = arith.constant 0 : i32
    %dma_wait3A_222 = tpu.memref_slice %arg8[%dma_wait3A_220, %dma_wait3A_221] : memref<10112x16xf32, #tpu.memory_space<vmem_shared>> -> memref<10112x16xf32, #tpu.memory_space<vmem_shared>>
    %dma_wait3A_223 = tpu.memref_slice %arg13[%dma_wait3A_212] : memref<12x!tpu.dma_semaphore, #tpu.memory_space<semaphore_mem>> -> memref<1x!tpu.dma_semaphore, #tpu.memory_space<semaphore_mem>>
    %dma_wait3A_224 = tpu.memref_squeeze %dma_wait3A_223 : memref<1x!tpu.dma_semaphore, #tpu.memory_space<semaphore_mem>> -> memref<!tpu.dma_semaphore, #tpu.memory_space<semaphore_mem>>
    tpu.wait_indirect_dma semaphore(%dma_wait3A_224 : memref<!tpu.dma_semaphore, #tpu.memory_space<semaphore_mem>>) src(%dma_wait3A_216 : memref<128x16xf32, #tpu.memory_space<vmem>>) dst(%dma_wait3A_222 : memref<10112x16xf32, #tpu.memory_space<vmem_shared>>)
    %dma_wait3A_225 = arith.constant 4 : i32
    %dma_wait3A_226 = arith.constant 76 : i32
    %dma_wait3A_227 = arith.constant 4 : i32
    %dma_wait3A_228 = arith.constant 0 : i32
    %dma_wait3A_229 = arith.constant 0 : i32
    %dma_wait3A_230 = tpu.memref_slice %arg11[%dma_wait3A_225, %dma_wait3A_228, %dma_wait3A_229] : memref<12x128x16xf32, #tpu.memory_space<vmem>> -> memref<1x128x16xf32, #tpu.memory_space<vmem>>
    %dma_wait3A_231 = tpu.memref_squeeze %dma_wait3A_230 : memref<1x128x16xf32, #tpu.memory_space<vmem>> -> memref<128x16xf32, #tpu.memory_space<vmem>>
    %dma_wait3A_232 = arith.constant 0 : i32
    %dma_wait3A_233 = tpu.memref_slice %arg10[%dma_wait3A_226, %dma_wait3A_232] : memref<80x128xi32, #tpu.memory_space<vmem>> -> memref<1x128xi32, #tpu.memory_space<vmem>>
    %dma_wait3A_234 = tpu.memref_squeeze %dma_wait3A_233 : memref<1x128xi32, #tpu.memory_space<vmem>> -> memref<128xi32, #tpu.memory_space<vmem>>
    %dma_wait3A_235 = arith.constant 0 : i32
    %dma_wait3A_236 = arith.constant 0 : i32
    %dma_wait3A_237 = tpu.memref_slice %arg8[%dma_wait3A_235, %dma_wait3A_236] : memref<10112x16xf32, #tpu.memory_space<vmem_shared>> -> memref<10112x16xf32, #tpu.memory_space<vmem_shared>>
    %dma_wait3A_238 = tpu.memref_slice %arg13[%dma_wait3A_227] : memref<12x!tpu.dma_semaphore, #tpu.memory_space<semaphore_mem>> -> memref<1x!tpu.dma_semaphore, #tpu.memory_space<semaphore_mem>>
    %dma_wait3A_239 = tpu.memref_squeeze %dma_wait3A_238 : memref<1x!tpu.dma_semaphore, #tpu.memory_space<semaphore_mem>> -> memref<!tpu.dma_semaphore, #tpu.memory_space<semaphore_mem>>
    tpu.wait_indirect_dma semaphore(%dma_wait3A_239 : memref<!tpu.dma_semaphore, #tpu.memory_space<semaphore_mem>>) src(%dma_wait3A_231 : memref<128x16xf32, #tpu.memory_space<vmem>>) dst(%dma_wait3A_237 : memref<10112x16xf32, #tpu.memory_space<vmem_shared>>)
    %dma_wait3A_240 = arith.constant 5 : i32
    %dma_wait3A_241 = arith.constant 77 : i32
    %dma_wait3A_242 = arith.constant 5 : i32
    %dma_wait3A_243 = arith.constant 0 : i32
    %dma_wait3A_244 = arith.constant 0 : i32
    %dma_wait3A_245 = tpu.memref_slice %arg11[%dma_wait3A_240, %dma_wait3A_243, %dma_wait3A_244] : memref<12x128x16xf32, #tpu.memory_space<vmem>> -> memref<1x128x16xf32, #tpu.memory_space<vmem>>
    %dma_wait3A_246 = tpu.memref_squeeze %dma_wait3A_245 : memref<1x128x16xf32, #tpu.memory_space<vmem>> -> memref<128x16xf32, #tpu.memory_space<vmem>>
    %dma_wait3A_247 = arith.constant 0 : i32
    %dma_wait3A_248 = tpu.memref_slice %arg10[%dma_wait3A_241, %dma_wait3A_247] : memref<80x128xi32, #tpu.memory_space<vmem>> -> memref<1x128xi32, #tpu.memory_space<vmem>>
    %dma_wait3A_249 = tpu.memref_squeeze %dma_wait3A_248 : memref<1x128xi32, #tpu.memory_space<vmem>> -> memref<128xi32, #tpu.memory_space<vmem>>
    %dma_wait3A_250 = arith.constant 0 : i32
    %dma_wait3A_251 = arith.constant 0 : i32
    %dma_wait3A_252 = tpu.memref_slice %arg8[%dma_wait3A_250, %dma_wait3A_251] : memref<10112x16xf32, #tpu.memory_space<vmem_shared>> -> memref<10112x16xf32, #tpu.memory_space<vmem_shared>>
    %dma_wait3A_253 = tpu.memref_slice %arg13[%dma_wait3A_242] : memref<12x!tpu.dma_semaphore, #tpu.memory_space<semaphore_mem>> -> memref<1x!tpu.dma_semaphore, #tpu.memory_space<semaphore_mem>>
    %dma_wait3A_254 = tpu.memref_squeeze %dma_wait3A_253 : memref<1x!tpu.dma_semaphore, #tpu.memory_space<semaphore_mem>> -> memref<!tpu.dma_semaphore, #tpu.memory_space<semaphore_mem>>
    tpu.wait_indirect_dma semaphore(%dma_wait3A_254 : memref<!tpu.dma_semaphore, #tpu.memory_space<semaphore_mem>>) src(%dma_wait3A_246 : memref<128x16xf32, #tpu.memory_space<vmem>>) dst(%dma_wait3A_252 : memref<10112x16xf32, #tpu.memory_space<vmem_shared>>)
    %dma_wait3A_255 = arith.constant 6 : i32
    %dma_wait3A_256 = arith.constant 78 : i32
    %dma_wait3A_257 = arith.constant 6 : i32
    %dma_wait3A_258 = arith.constant 0 : i32
    %dma_wait3A_259 = arith.constant 0 : i32
    %dma_wait3A_260 = tpu.memref_slice %arg11[%dma_wait3A_255, %dma_wait3A_258, %dma_wait3A_259] : memref<12x128x16xf32, #tpu.memory_space<vmem>> -> memref<1x128x16xf32, #tpu.memory_space<vmem>>
    %dma_wait3A_261 = tpu.memref_squeeze %dma_wait3A_260 : memref<1x128x16xf32, #tpu.memory_space<vmem>> -> memref<128x16xf32, #tpu.memory_space<vmem>>
    %dma_wait3A_262 = arith.constant 0 : i32
    %dma_wait3A_263 = tpu.memref_slice %arg10[%dma_wait3A_256, %dma_wait3A_262] : memref<80x128xi32, #tpu.memory_space<vmem>> -> memref<1x128xi32, #tpu.memory_space<vmem>>
    %dma_wait3A_264 = tpu.memref_squeeze %dma_wait3A_263 : memref<1x128xi32, #tpu.memory_space<vmem>> -> memref<128xi32, #tpu.memory_space<vmem>>
    %dma_wait3A_265 = arith.constant 0 : i32
    %dma_wait3A_266 = arith.constant 0 : i32
    %dma_wait3A_267 = tpu.memref_slice %arg8[%dma_wait3A_265, %dma_wait3A_266] : memref<10112x16xf32, #tpu.memory_space<vmem_shared>> -> memref<10112x16xf32, #tpu.memory_space<vmem_shared>>
    %dma_wait3A_268 = tpu.memref_slice %arg13[%dma_wait3A_257] : memref<12x!tpu.dma_semaphore, #tpu.memory_space<semaphore_mem>> -> memref<1x!tpu.dma_semaphore, #tpu.memory_space<semaphore_mem>>
    %dma_wait3A_269 = tpu.memref_squeeze %dma_wait3A_268 : memref<1x!tpu.dma_semaphore, #tpu.memory_space<semaphore_mem>> -> memref<!tpu.dma_semaphore, #tpu.memory_space<semaphore_mem>>
    tpu.wait_indirect_dma semaphore(%dma_wait3A_269 : memref<!tpu.dma_semaphore, #tpu.memory_space<semaphore_mem>>) src(%dma_wait3A_261 : memref<128x16xf32, #tpu.memory_space<vmem>>) dst(%dma_wait3A_267 : memref<10112x16xf32, #tpu.memory_space<vmem_shared>>)
    %dma_wait3A_270 = arith.constant 7 : i32
    %dma_wait3A_271 = arith.constant 79 : i32
    %dma_wait3A_272 = arith.constant 7 : i32
    %dma_wait3A_273 = arith.constant 0 : i32
    %dma_wait3A_274 = arith.constant 0 : i32
    %dma_wait3A_275 = tpu.memref_slice %arg11[%dma_wait3A_270, %dma_wait3A_273, %dma_wait3A_274] : memref<12x128x16xf32, #tpu.memory_space<vmem>> -> memref<1x128x16xf32, #tpu.memory_space<vmem>>
    %dma_wait3A_276 = tpu.memref_squeeze %dma_wait3A_275 : memref<1x128x16xf32, #tpu.memory_space<vmem>> -> memref<128x16xf32, #tpu.memory_space<vmem>>
    %dma_wait3A_277 = arith.constant 0 : i32
    %dma_wait3A_278 = tpu.memref_slice %arg10[%dma_wait3A_271, %dma_wait3A_277] : memref<80x128xi32, #tpu.memory_space<vmem>> -> memref<1x128xi32, #tpu.memory_space<vmem>>
    %dma_wait3A_279 = tpu.memref_squeeze %dma_wait3A_278 : memref<1x128xi32, #tpu.memory_space<vmem>> -> memref<128xi32, #tpu.memory_space<vmem>>
    %dma_wait3A_280 = arith.constant 0 : i32
    %dma_wait3A_281 = arith.constant 0 : i32
    %dma_wait3A_282 = tpu.memref_slice %arg8[%dma_wait3A_280, %dma_wait3A_281] : memref<10112x16xf32, #tpu.memory_space<vmem_shared>> -> memref<10112x16xf32, #tpu.memory_space<vmem_shared>>
    %dma_wait3A_283 = tpu.memref_slice %arg13[%dma_wait3A_272] : memref<12x!tpu.dma_semaphore, #tpu.memory_space<semaphore_mem>> -> memref<1x!tpu.dma_semaphore, #tpu.memory_space<semaphore_mem>>
    %dma_wait3A_284 = tpu.memref_squeeze %dma_wait3A_283 : memref<1x!tpu.dma_semaphore, #tpu.memory_space<semaphore_mem>> -> memref<!tpu.dma_semaphore, #tpu.memory_space<semaphore_mem>>
    tpu.wait_indirect_dma semaphore(%dma_wait3A_284 : memref<!tpu.dma_semaphore, #tpu.memory_space<semaphore_mem>>) src(%dma_wait3A_276 : memref<128x16xf32, #tpu.memory_space<vmem>>) dst(%dma_wait3A_282 : memref<10112x16xf32, #tpu.memory_space<vmem_shared>>)
    %barrier3A_285 = arith.constant 0 : index
    tpu.barrier barrier_id(%barrier3A_285)
    %mul3A_286 = arith.constant 632 : i32
    %mul3A_287 = arith.muli %arg1, %mul3A_286 : i32
    %mul3A_288 = arith.constant 632 : i32
    %mul3A_289 = arith.muli %arg1, %mul3A_288 : i32
    "tpu.region"() ({
      %run_scoped3A = tpu.sem_alloc : memref<!tpu.dma_semaphore, #tpu.memory_space<semaphore_mem>>
      %dma_start3A_290 = arith.constant 0 : i32
      %dma_start3A_291 = tpu.memref_slice %arg6[%arg0, %mul3A_289, %dma_start3A_290] : memref<2x10112x16xf32, #tpu.memory_space<hbm>> -> memref<1x632x16xf32, #tpu.memory_space<hbm>>
      %dma_start3A_292 = tpu.memref_squeeze %dma_start3A_291 : memref<1x632x16xf32, #tpu.memory_space<hbm>> -> memref<632x16xf32, #tpu.memory_space<hbm>>
      %dma_start3A_293 = arith.constant 0 : i32
      %dma_start3A_294 = tpu.memref_slice %arg8[%mul3A_287, %dma_start3A_293] : memref<10112x16xf32, #tpu.memory_space<vmem_shared>> -> memref<632x16xf32, #tpu.memory_space<vmem_shared>>
      tpu.enqueue_dma source(%dma_start3A_294 : memref<632x16xf32, #tpu.memory_space<vmem_shared>>) target(%dma_start3A_292 : memref<632x16xf32, #tpu.memory_space<hbm>>) target_semaphore(%run_scoped3A : memref<!tpu.dma_semaphore, #tpu.memory_space<semaphore_mem>>)
      %dma_wait3A_295 = arith.constant 0 : i32
      %dma_wait3A_296 = tpu.memref_slice %arg6[%arg0, %mul3A_289, %dma_wait3A_295] : memref<2x10112x16xf32, #tpu.memory_space<hbm>> -> memref<1x632x16xf32, #tpu.memory_space<hbm>>
      %dma_wait3A_297 = tpu.memref_squeeze %dma_wait3A_296 : memref<1x632x16xf32, #tpu.memory_space<hbm>> -> memref<632x16xf32, #tpu.memory_space<hbm>>
      %dma_wait3A_298 = arith.constant 0 : i32
      %dma_wait3A_299 = tpu.memref_slice %arg8[%mul3A_287, %dma_wait3A_298] : memref<10112x16xf32, #tpu.memory_space<vmem_shared>> -> memref<632x16xf32, #tpu.memory_space<vmem_shared>>
      tpu.wait_dma2 semaphore(%run_scoped3A : memref<!tpu.dma_semaphore, #tpu.memory_space<semaphore_mem>>) src(%dma_wait3A_299 : memref<632x16xf32, #tpu.memory_space<vmem_shared>>) dst(%dma_wait3A_297 : memref<632x16xf32, #tpu.memory_space<hbm>>)
      tpu.yield
    }) : () -> ()
    return
  }
}

#map = affine_map<(d0, d1) -> (0, 0)>
#map1 = affine_map<(d0, d1) -> (0, 0, 0)>
module attributes {stable_mosaic.version = 14 : i64} {
  func.func @body(%arg0: i32, %arg1: i32, %arg2: memref<2560x128xi32, #tpu.memory_space<hbm>>, %arg3: memref<128x16xf32, #tpu.memory_space<hbm>>, %arg4: memref<10112x16xf32, #tpu.memory_space<hbm>>, %arg5: memref<2x10112x16xf32, #tpu.memory_space<hbm>>, %arg6: memref<10112x16xf32, #tpu.memory_space<vmem_shared>>, %arg7: memref<80x128xi32, #tpu.memory_space<vmem>>, %arg8: memref<128x16xf32, #tpu.memory_space<vmem>>, %arg9: memref<4x!tpu.dma_semaphore, #tpu.memory_space<semaphore_mem>>) attributes {dimension_semantics = [#tpu.dimension_semantics<core_parallel>, #tpu.dimension_semantics<subcore_parallel>], iteration_bounds = array<i64: 2, 16>, scalar_prefetch = 0 : i64, scratch_operands = 4 : i64, tpu.core_type = #tpu.core_type<sc_vector_subcore>, window_params = [{transform_indices = #map}, {transform_indices = #map}, {transform_indices = #map}, {transform_indices = #map1}]} {
    %mul3A = arith.constant 2 : i32
    %mul3A_0 = arith.muli %arg1, %mul3A : i32
    %add3A = arith.addi %mul3A_0, %arg0 : i32
    %mul3A_1 = arith.constant 632 : i32
    %mul3A_2 = arith.muli %arg1, %mul3A_1 : i32
    %mul3A_3 = arith.constant 632 : i32
    %mul3A_4 = arith.muli %arg1, %mul3A_3 : i32
    "tpu.region"() ({
      %run_scoped3A = tpu.sem_alloc : memref<!tpu.dma_semaphore, #tpu.memory_space<semaphore_mem>>
      %dma_start3A = arith.constant 0 : i32
      %dma_start3A_55 = tpu.memref_slice %arg6[%mul3A_4, %dma_start3A] : memref<10112x16xf32, #tpu.memory_space<vmem_shared>> -> memref<632x16xf32, #tpu.memory_space<vmem_shared>>
      %dma_start3A_56 = arith.constant 0 : i32
      %dma_start3A_57 = tpu.memref_slice %arg4[%mul3A_2, %dma_start3A_56] : memref<10112x16xf32, #tpu.memory_space<hbm>> -> memref<632x16xf32, #tpu.memory_space<hbm>>
      tpu.enqueue_dma source(%dma_start3A_57 : memref<632x16xf32, #tpu.memory_space<hbm>>) target(%dma_start3A_55 : memref<632x16xf32, #tpu.memory_space<vmem_shared>>) target_semaphore(%run_scoped3A : memref<!tpu.dma_semaphore, #tpu.memory_space<semaphore_mem>>)
      %dma_wait3A_58 = arith.constant 0 : i32
      %dma_wait3A_59 = tpu.memref_slice %arg6[%mul3A_4, %dma_wait3A_58] : memref<10112x16xf32, #tpu.memory_space<vmem_shared>> -> memref<632x16xf32, #tpu.memory_space<vmem_shared>>
      %dma_wait3A_60 = arith.constant 0 : i32
      %dma_wait3A_61 = tpu.memref_slice %arg4[%mul3A_2, %dma_wait3A_60] : memref<10112x16xf32, #tpu.memory_space<hbm>> -> memref<632x16xf32, #tpu.memory_space<hbm>>
      tpu.wait_dma2 semaphore(%run_scoped3A : memref<!tpu.dma_semaphore, #tpu.memory_space<semaphore_mem>>) src(%dma_wait3A_61 : memref<632x16xf32, #tpu.memory_space<hbm>>) dst(%dma_wait3A_59 : memref<632x16xf32, #tpu.memory_space<vmem_shared>>)
      tpu.yield
    }) : () -> ()
    %mul3A_5 = arith.constant 80 : i32
    %mul3A_6 = arith.muli %add3A, %mul3A_5 : i32
    "tpu.region"() ({
      %run_scoped3A = tpu.sem_alloc : memref<!tpu.dma_semaphore, #tpu.memory_space<semaphore_mem>>
      %dma_start3A = arith.constant 0 : i32
      %dma_start3A_55 = tpu.memref_slice %arg2[%mul3A_6, %dma_start3A] : memref<2560x128xi32, #tpu.memory_space<hbm>> -> memref<80x128xi32, #tpu.memory_space<hbm>>
      %dma_start3A_56 = arith.constant 0 : i32
      %dma_start3A_57 = tpu.memref_slice %arg2[%mul3A_6, %dma_start3A_56] : memref<2560x128xi32, #tpu.memory_space<hbm>> -> memref<80x128xi32, #tpu.memory_space<hbm>>
      tpu.enqueue_dma source(%dma_start3A_57 : memref<80x128xi32, #tpu.memory_space<hbm>>) target(%arg7 : memref<80x128xi32, #tpu.memory_space<vmem>>) target_semaphore(%run_scoped3A : memref<!tpu.dma_semaphore, #tpu.memory_space<semaphore_mem>>)
      %dma_wait3A_58 = arith.constant 0 : i32
      %dma_wait3A_59 = tpu.memref_slice %arg2[%mul3A_6, %dma_wait3A_58] : memref<2560x128xi32, #tpu.memory_space<hbm>> -> memref<80x128xi32, #tpu.memory_space<hbm>>
      %dma_wait3A_60 = arith.constant 0 : i32
      %dma_wait3A_61 = tpu.memref_slice %arg2[%mul3A_6, %dma_wait3A_60] : memref<2560x128xi32, #tpu.memory_space<hbm>> -> memref<80x128xi32, #tpu.memory_space<hbm>>
      tpu.wait_dma2 semaphore(%run_scoped3A : memref<!tpu.dma_semaphore, #tpu.memory_space<semaphore_mem>>) src(%dma_wait3A_61 : memref<80x128xi32, #tpu.memory_space<hbm>>) dst(%arg7 : memref<80x128xi32, #tpu.memory_space<vmem>>)
      tpu.yield
    }) : () -> ()
    "tpu.region"() ({
      %run_scoped3A = tpu.sem_alloc : memref<!tpu.dma_semaphore, #tpu.memory_space<semaphore_mem>>
      tpu.enqueue_dma source(%arg3 : memref<128x16xf32, #tpu.memory_space<hbm>>) target(%arg8 : memref<128x16xf32, #tpu.memory_space<vmem>>) target_semaphore(%run_scoped3A : memref<!tpu.dma_semaphore, #tpu.memory_space<semaphore_mem>>)
      tpu.wait_dma2 semaphore(%run_scoped3A : memref<!tpu.dma_semaphore, #tpu.memory_space<semaphore_mem>>) src(%arg3 : memref<128x16xf32, #tpu.memory_space<hbm>>) dst(%arg8 : memref<128x16xf32, #tpu.memory_space<vmem>>)
      tpu.yield
    }) : () -> ()
    %barrier3A = arith.constant 0 : index
    tpu.barrier barrier_id(%barrier3A)
    %scan3A = arith.constant 0 : i32
    %scan3A_7 = arith.constant 80 : i32
    %scan3A_8 = arith.addi %scan3A, %scan3A_7 : i32
    %scan3A_9 = arith.constant 1 : i32
    scf.for %scan3A_55 = %scan3A to %scan3A_8 step %scan3A_9  : i32 {
      %rem3A = arith.constant 4 : i32
      %rem3A_56 = arith.remsi %scan3A_55, %rem3A : i32
      %ge3A = arith.constant 4 : i32
      %ge3A_57 = arith.cmpi sge, %scan3A_55, %ge3A : i32
      %convert_element_type3A = arith.extui %ge3A_57 : i1 to i32
      %cond3A = arith.constant 0 : i32
      %cond3A_58 = arith.cmpi ne, %convert_element_type3A, %cond3A : i32
      scf.if %cond3A_58 {
        %sub3A = arith.constant 4 : i32
        %sub3A_66 = arith.subi %scan3A_55, %sub3A : i32
        %dma_wait3A_67 = arith.constant 0 : i32
        %dma_wait3A_68 = tpu.memref_slice %arg7[%sub3A_66, %dma_wait3A_67] : memref<80x128xi32, #tpu.memory_space<vmem>> -> memref<1x128xi32, #tpu.memory_space<vmem>>
        %dma_wait3A_69 = tpu.memref_squeeze %dma_wait3A_68 : memref<1x128xi32, #tpu.memory_space<vmem>> -> memref<128xi32, #tpu.memory_space<vmem>>
        %dma_wait3A_70 = arith.constant 0 : i32
        %dma_wait3A_71 = arith.constant 0 : i32
        %dma_wait3A_72 = tpu.memref_slice %arg6[%dma_wait3A_70, %dma_wait3A_71] : memref<10112x16xf32, #tpu.memory_space<vmem_shared>> -> memref<10112x16xf32, #tpu.memory_space<vmem_shared>>
        %dma_wait3A_73 = tpu.memref_slice %arg9[%rem3A_56] : memref<4x!tpu.dma_semaphore, #tpu.memory_space<semaphore_mem>> -> memref<1x!tpu.dma_semaphore, #tpu.memory_space<semaphore_mem>>
        %dma_wait3A_74 = tpu.memref_squeeze %dma_wait3A_73 : memref<1x!tpu.dma_semaphore, #tpu.memory_space<semaphore_mem>> -> memref<!tpu.dma_semaphore, #tpu.memory_space<semaphore_mem>>
        tpu.wait_indirect_dma semaphore(%dma_wait3A_74 : memref<!tpu.dma_semaphore, #tpu.memory_space<semaphore_mem>>) src(%arg8 : memref<128x16xf32, #tpu.memory_space<vmem>>) dst(%dma_wait3A_72 : memref<10112x16xf32, #tpu.memory_space<vmem_shared>>)
      } else {
      }
      %dma_start3A = arith.constant 0 : i32
      %dma_start3A_59 = tpu.memref_slice %arg7[%scan3A_55, %dma_start3A] : memref<80x128xi32, #tpu.memory_space<vmem>> -> memref<1x128xi32, #tpu.memory_space<vmem>>
      %dma_start3A_60 = tpu.memref_squeeze %dma_start3A_59 : memref<1x128xi32, #tpu.memory_space<vmem>> -> memref<128xi32, #tpu.memory_space<vmem>>
      %dma_start3A_61 = arith.constant 0 : i32
      %dma_start3A_62 = arith.constant 0 : i32
      %dma_start3A_63 = tpu.memref_slice %arg6[%dma_start3A_61, %dma_start3A_62] : memref<10112x16xf32, #tpu.memory_space<vmem_shared>> -> memref<10112x16xf32, #tpu.memory_space<vmem_shared>>
      %dma_start3A_64 = tpu.memref_slice %arg9[%rem3A_56] : memref<4x!tpu.dma_semaphore, #tpu.memory_space<semaphore_mem>> -> memref<1x!tpu.dma_semaphore, #tpu.memory_space<semaphore_mem>>
      %dma_start3A_65 = tpu.memref_squeeze %dma_start3A_64 : memref<1x!tpu.dma_semaphore, #tpu.memory_space<semaphore_mem>> -> memref<!tpu.dma_semaphore, #tpu.memory_space<semaphore_mem>>
      tpu.enqueue_indirect_dma source(%arg8 : memref<128x16xf32, #tpu.memory_space<vmem>>) target(%dma_start3A_63 : memref<10112x16xf32, #tpu.memory_space<vmem_shared>>) offsets(%dma_start3A_60 : memref<128xi32, #tpu.memory_space<vmem>>) semaphore(%dma_start3A_65 : memref<!tpu.dma_semaphore, #tpu.memory_space<semaphore_mem>>) {add = true}
    }
    %scan3A_10 = arith.constant 80 : i32
    %dma_wait3A = arith.constant 76 : i32
    %dma_wait3A_11 = arith.constant 0 : i32
    %dma_wait3A_12 = arith.constant 0 : i32
    %dma_wait3A_13 = tpu.memref_slice %arg7[%dma_wait3A, %dma_wait3A_12] : memref<80x128xi32, #tpu.memory_space<vmem>> -> memref<1x128xi32, #tpu.memory_space<vmem>>
    %dma_wait3A_14 = tpu.memref_squeeze %dma_wait3A_13 : memref<1x128xi32, #tpu.memory_space<vmem>> -> memref<128xi32, #tpu.memory_space<vmem>>
    %dma_wait3A_15 = arith.constant 0 : i32
    %dma_wait3A_16 = arith.constant 0 : i32
    %dma_wait3A_17 = tpu.memref_slice %arg6[%dma_wait3A_15, %dma_wait3A_16] : memref<10112x16xf32, #tpu.memory_space<vmem_shared>> -> memref<10112x16xf32, #tpu.memory_space<vmem_shared>>
    %dma_wait3A_18 = tpu.memref_slice %arg9[%dma_wait3A_11] : memref<4x!tpu.dma_semaphore, #tpu.memory_space<semaphore_mem>> -> memref<1x!tpu.dma_semaphore, #tpu.memory_space<semaphore_mem>>
    %dma_wait3A_19 = tpu.memref_squeeze %dma_wait3A_18 : memref<1x!tpu.dma_semaphore, #tpu.memory_space<semaphore_mem>> -> memref<!tpu.dma_semaphore, #tpu.memory_space<semaphore_mem>>
    tpu.wait_indirect_dma semaphore(%dma_wait3A_19 : memref<!tpu.dma_semaphore, #tpu.memory_space<semaphore_mem>>) src(%arg8 : memref<128x16xf32, #tpu.memory_space<vmem>>) dst(%dma_wait3A_17 : memref<10112x16xf32, #tpu.memory_space<vmem_shared>>)
    %dma_wait3A_20 = arith.constant 77 : i32
    %dma_wait3A_21 = arith.constant 1 : i32
    %dma_wait3A_22 = arith.constant 0 : i32
    %dma_wait3A_23 = tpu.memref_slice %arg7[%dma_wait3A_20, %dma_wait3A_22] : memref<80x128xi32, #tpu.memory_space<vmem>> -> memref<1x128xi32, #tpu.memory_space<vmem>>
    %dma_wait3A_24 = tpu.memref_squeeze %dma_wait3A_23 : memref<1x128xi32, #tpu.memory_space<vmem>> -> memref<128xi32, #tpu.memory_space<vmem>>
    %dma_wait3A_25 = arith.constant 0 : i32
    %dma_wait3A_26 = arith.constant 0 : i32
    %dma_wait3A_27 = tpu.memref_slice %arg6[%dma_wait3A_25, %dma_wait3A_26] : memref<10112x16xf32, #tpu.memory_space<vmem_shared>> -> memref<10112x16xf32, #tpu.memory_space<vmem_shared>>
    %dma_wait3A_28 = tpu.memref_slice %arg9[%dma_wait3A_21] : memref<4x!tpu.dma_semaphore, #tpu.memory_space<semaphore_mem>> -> memref<1x!tpu.dma_semaphore, #tpu.memory_space<semaphore_mem>>
    %dma_wait3A_29 = tpu.memref_squeeze %dma_wait3A_28 : memref<1x!tpu.dma_semaphore, #tpu.memory_space<semaphore_mem>> -> memref<!tpu.dma_semaphore, #tpu.memory_space<semaphore_mem>>
    tpu.wait_indirect_dma semaphore(%dma_wait3A_29 : memref<!tpu.dma_semaphore, #tpu.memory_space<semaphore_mem>>) src(%arg8 : memref<128x16xf32, #tpu.memory_space<vmem>>) dst(%dma_wait3A_27 : memref<10112x16xf32, #tpu.memory_space<vmem_shared>>)
    %dma_wait3A_30 = arith.constant 78 : i32
    %dma_wait3A_31 = arith.constant 2 : i32
    %dma_wait3A_32 = arith.constant 0 : i32
    %dma_wait3A_33 = tpu.memref_slice %arg7[%dma_wait3A_30, %dma_wait3A_32] : memref<80x128xi32, #tpu.memory_space<vmem>> -> memref<1x128xi32, #tpu.memory_space<vmem>>
    %dma_wait3A_34 = tpu.memref_squeeze %dma_wait3A_33 : memref<1x128xi32, #tpu.memory_space<vmem>> -> memref<128xi32, #tpu.memory_space<vmem>>
    %dma_wait3A_35 = arith.constant 0 : i32
    %dma_wait3A_36 = arith.constant 0 : i32
    %dma_wait3A_37 = tpu.memref_slice %arg6[%dma_wait3A_35, %dma_wait3A_36] : memref<10112x16xf32, #tpu.memory_space<vmem_shared>> -> memref<10112x16xf32, #tpu.memory_space<vmem_shared>>
    %dma_wait3A_38 = tpu.memref_slice %arg9[%dma_wait3A_31] : memref<4x!tpu.dma_semaphore, #tpu.memory_space<semaphore_mem>> -> memref<1x!tpu.dma_semaphore, #tpu.memory_space<semaphore_mem>>
    %dma_wait3A_39 = tpu.memref_squeeze %dma_wait3A_38 : memref<1x!tpu.dma_semaphore, #tpu.memory_space<semaphore_mem>> -> memref<!tpu.dma_semaphore, #tpu.memory_space<semaphore_mem>>
    tpu.wait_indirect_dma semaphore(%dma_wait3A_39 : memref<!tpu.dma_semaphore, #tpu.memory_space<semaphore_mem>>) src(%arg8 : memref<128x16xf32, #tpu.memory_space<vmem>>) dst(%dma_wait3A_37 : memref<10112x16xf32, #tpu.memory_space<vmem_shared>>)
    %dma_wait3A_40 = arith.constant 79 : i32
    %dma_wait3A_41 = arith.constant 3 : i32
    %dma_wait3A_42 = arith.constant 0 : i32
    %dma_wait3A_43 = tpu.memref_slice %arg7[%dma_wait3A_40, %dma_wait3A_42] : memref<80x128xi32, #tpu.memory_space<vmem>> -> memref<1x128xi32, #tpu.memory_space<vmem>>
    %dma_wait3A_44 = tpu.memref_squeeze %dma_wait3A_43 : memref<1x128xi32, #tpu.memory_space<vmem>> -> memref<128xi32, #tpu.memory_space<vmem>>
    %dma_wait3A_45 = arith.constant 0 : i32
    %dma_wait3A_46 = arith.constant 0 : i32
    %dma_wait3A_47 = tpu.memref_slice %arg6[%dma_wait3A_45, %dma_wait3A_46] : memref<10112x16xf32, #tpu.memory_space<vmem_shared>> -> memref<10112x16xf32, #tpu.memory_space<vmem_shared>>
    %dma_wait3A_48 = tpu.memref_slice %arg9[%dma_wait3A_41] : memref<4x!tpu.dma_semaphore, #tpu.memory_space<semaphore_mem>> -> memref<1x!tpu.dma_semaphore, #tpu.memory_space<semaphore_mem>>
    %dma_wait3A_49 = tpu.memref_squeeze %dma_wait3A_48 : memref<1x!tpu.dma_semaphore, #tpu.memory_space<semaphore_mem>> -> memref<!tpu.dma_semaphore, #tpu.memory_space<semaphore_mem>>
    tpu.wait_indirect_dma semaphore(%dma_wait3A_49 : memref<!tpu.dma_semaphore, #tpu.memory_space<semaphore_mem>>) src(%arg8 : memref<128x16xf32, #tpu.memory_space<vmem>>) dst(%dma_wait3A_47 : memref<10112x16xf32, #tpu.memory_space<vmem_shared>>)
    %barrier3A_50 = arith.constant 0 : index
    tpu.barrier barrier_id(%barrier3A_50)
    %mul3A_51 = arith.constant 632 : i32
    %mul3A_52 = arith.muli %arg1, %mul3A_51 : i32
    %mul3A_53 = arith.constant 632 : i32
    %mul3A_54 = arith.muli %arg1, %mul3A_53 : i32
    "tpu.region"() ({
      %run_scoped3A = tpu.sem_alloc : memref<!tpu.dma_semaphore, #tpu.memory_space<semaphore_mem>>
      %dma_start3A = arith.constant 0 : i32
      %dma_start3A_55 = tpu.memref_slice %arg5[%arg0, %mul3A_54, %dma_start3A] : memref<2x10112x16xf32, #tpu.memory_space<hbm>> -> memref<1x632x16xf32, #tpu.memory_space<hbm>>
      %dma_start3A_56 = tpu.memref_squeeze %dma_start3A_55 : memref<1x632x16xf32, #tpu.memory_space<hbm>> -> memref<632x16xf32, #tpu.memory_space<hbm>>
      %dma_start3A_57 = arith.constant 0 : i32
      %dma_start3A_58 = tpu.memref_slice %arg6[%mul3A_52, %dma_start3A_57] : memref<10112x16xf32, #tpu.memory_space<vmem_shared>> -> memref<632x16xf32, #tpu.memory_space<vmem_shared>>
      tpu.enqueue_dma source(%dma_start3A_58 : memref<632x16xf32, #tpu.memory_space<vmem_shared>>) target(%dma_start3A_56 : memref<632x16xf32, #tpu.memory_space<hbm>>) target_semaphore(%run_scoped3A : memref<!tpu.dma_semaphore, #tpu.memory_space<semaphore_mem>>)
      %dma_wait3A_59 = arith.constant 0 : i32
      %dma_wait3A_60 = tpu.memref_slice %arg5[%arg0, %mul3A_54, %dma_wait3A_59] : memref<2x10112x16xf32, #tpu.memory_space<hbm>> -> memref<1x632x16xf32, #tpu.memory_space<hbm>>
      %dma_wait3A_61 = tpu.memref_squeeze %dma_wait3A_60 : memref<1x632x16xf32, #tpu.memory_space<hbm>> -> memref<632x16xf32, #tpu.memory_space<hbm>>
      %dma_wait3A_62 = arith.constant 0 : i32
      %dma_wait3A_63 = tpu.memref_slice %arg6[%mul3A_52, %dma_wait3A_62] : memref<10112x16xf32, #tpu.memory_space<vmem_shared>> -> memref<632x16xf32, #tpu.memory_space<vmem_shared>>
      tpu.wait_dma2 semaphore(%run_scoped3A : memref<!tpu.dma_semaphore, #tpu.memory_space<semaphore_mem>>) src(%dma_wait3A_63 : memref<632x16xf32, #tpu.memory_space<vmem_shared>>) dst(%dma_wait3A_61 : memref<632x16xf32, #tpu.memory_space<hbm>>)
      tpu.yield
    }) : () -> ()
    return
  }
}

#map = affine_map<(d0, d1) -> (0, 0)>
#map1 = affine_map<(d0, d1) -> (0, 0, 0)>
module attributes {stable_mosaic.version = 14 : i64} {
  func.func @body(%arg0: i32, %arg1: i32, %arg2: memref<2560x128xi32, #tpu.memory_space<hbm>>, %arg3: memref<2560x128xi32, #tpu.memory_space<hbm>>, %arg4: memref<10112x16xf32, #tpu.memory_space<hbm>>, %arg5: memref<10112x16xf32, #tpu.memory_space<hbm>>, %arg6: memref<2x10112x16xf32, #tpu.memory_space<hbm>>, %arg7: memref<10112x16xf32, #tpu.memory_space<vmem_shared>>, %arg8: memref<10112x16xf32, #tpu.memory_space<vmem_shared>>, %arg9: memref<80x128xi32, #tpu.memory_space<vmem>>, %arg10: memref<80x128xi32, #tpu.memory_space<vmem>>, %arg11: memref<12x128x16xf32, #tpu.memory_space<vmem>>, %arg12: memref<12x!tpu.dma_semaphore, #tpu.memory_space<semaphore_mem>>, %arg13: memref<12x!tpu.dma_semaphore, #tpu.memory_space<semaphore_mem>>) attributes {dimension_semantics = [#tpu.dimension_semantics<core_parallel>, #tpu.dimension_semantics<subcore_parallel>], iteration_bounds = array<i64: 2, 16>, scalar_prefetch = 0 : i64, scratch_operands = 7 : i64, tpu.core_type = #tpu.core_type<sc_vector_subcore>, window_params = [{transform_indices = #map}, {transform_indices = #map}, {transform_indices = #map}, {transform_indices = #map}, {transform_indices = #map1}]} {
    %mul3A = arith.constant 2 : i32
    %mul3A_0 = arith.muli %arg1, %mul3A : i32
    %add3A = arith.addi %mul3A_0, %arg0 : i32
    %mul3A_1 = arith.constant 632 : i32
    %mul3A_2 = arith.muli %arg1, %mul3A_1 : i32
    %mul3A_3 = arith.constant 632 : i32
    %mul3A_4 = arith.muli %arg1, %mul3A_3 : i32
    "tpu.region"() ({
      %run_scoped3A = tpu.sem_alloc : memref<!tpu.dma_semaphore, #tpu.memory_space<semaphore_mem>>
      %dma_start3A_290 = arith.constant 0 : i32
      %dma_start3A_291 = tpu.memref_slice %arg8[%mul3A_4, %dma_start3A_290] : memref<10112x16xf32, #tpu.memory_space<vmem_shared>> -> memref<632x16xf32, #tpu.memory_space<vmem_shared>>
      %dma_start3A_292 = arith.constant 0 : i32
      %dma_start3A_293 = tpu.memref_slice %arg5[%mul3A_2, %dma_start3A_292] : memref<10112x16xf32, #tpu.memory_space<hbm>> -> memref<632x16xf32, #tpu.memory_space<hbm>>
      tpu.enqueue_dma source(%dma_start3A_293 : memref<632x16xf32, #tpu.memory_space<hbm>>) target(%dma_start3A_291 : memref<632x16xf32, #tpu.memory_space<vmem_shared>>) target_semaphore(%run_scoped3A : memref<!tpu.dma_semaphore, #tpu.memory_space<semaphore_mem>>)
      %dma_wait3A_294 = arith.constant 0 : i32
      %dma_wait3A_295 = tpu.memref_slice %arg8[%mul3A_4, %dma_wait3A_294] : memref<10112x16xf32, #tpu.memory_space<vmem_shared>> -> memref<632x16xf32, #tpu.memory_space<vmem_shared>>
      %dma_wait3A_296 = arith.constant 0 : i32
      %dma_wait3A_297 = tpu.memref_slice %arg5[%mul3A_2, %dma_wait3A_296] : memref<10112x16xf32, #tpu.memory_space<hbm>> -> memref<632x16xf32, #tpu.memory_space<hbm>>
      tpu.wait_dma2 semaphore(%run_scoped3A : memref<!tpu.dma_semaphore, #tpu.memory_space<semaphore_mem>>) src(%dma_wait3A_297 : memref<632x16xf32, #tpu.memory_space<hbm>>) dst(%dma_wait3A_295 : memref<632x16xf32, #tpu.memory_space<vmem_shared>>)
      tpu.yield
    }) : () -> ()
    %mul3A_5 = arith.constant 632 : i32
    %mul3A_6 = arith.muli %arg1, %mul3A_5 : i32
    %mul3A_7 = arith.constant 632 : i32
    %mul3A_8 = arith.muli %arg1, %mul3A_7 : i32
    "tpu.region"() ({
      %run_scoped3A = tpu.sem_alloc : memref<!tpu.dma_semaphore, #tpu.memory_space<semaphore_mem>>
      %dma_start3A_290 = arith.constant 0 : i32
      %dma_start3A_291 = tpu.memref_slice %arg7[%mul3A_8, %dma_start3A_290] : memref<10112x16xf32, #tpu.memory_space<vmem_shared>> -> memref<632x16xf32, #tpu.memory_space<vmem_shared>>
      %dma_start3A_292 = arith.constant 0 : i32
      %dma_start3A_293 = tpu.memref_slice %arg4[%mul3A_6, %dma_start3A_292] : memref<10112x16xf32, #tpu.memory_space<hbm>> -> memref<632x16xf32, #tpu.memory_space<hbm>>
      tpu.enqueue_dma source(%dma_start3A_293 : memref<632x16xf32, #tpu.memory_space<hbm>>) target(%dma_start3A_291 : memref<632x16xf32, #tpu.memory_space<vmem_shared>>) target_semaphore(%run_scoped3A : memref<!tpu.dma_semaphore, #tpu.memory_space<semaphore_mem>>)
      %dma_wait3A_294 = arith.constant 0 : i32
      %dma_wait3A_295 = tpu.memref_slice %arg7[%mul3A_8, %dma_wait3A_294] : memref<10112x16xf32, #tpu.memory_space<vmem_shared>> -> memref<632x16xf32, #tpu.memory_space<vmem_shared>>
      %dma_wait3A_296 = arith.constant 0 : i32
      %dma_wait3A_297 = tpu.memref_slice %arg4[%mul3A_6, %dma_wait3A_296] : memref<10112x16xf32, #tpu.memory_space<hbm>> -> memref<632x16xf32, #tpu.memory_space<hbm>>
      tpu.wait_dma2 semaphore(%run_scoped3A : memref<!tpu.dma_semaphore, #tpu.memory_space<semaphore_mem>>) src(%dma_wait3A_297 : memref<632x16xf32, #tpu.memory_space<hbm>>) dst(%dma_wait3A_295 : memref<632x16xf32, #tpu.memory_space<vmem_shared>>)
      tpu.yield
    }) : () -> ()
    %mul3A_9 = arith.constant 80 : i32
    %mul3A_10 = arith.muli %add3A, %mul3A_9 : i32
    "tpu.region"() ({
      %run_scoped3A = tpu.sem_alloc : memref<!tpu.dma_semaphore, #tpu.memory_space<semaphore_mem>>
      %dma_start3A_290 = arith.constant 0 : i32
      %dma_start3A_291 = tpu.memref_slice %arg2[%mul3A_10, %dma_start3A_290] : memref<2560x128xi32, #tpu.memory_space<hbm>> -> memref<80x128xi32, #tpu.memory_space<hbm>>
      %dma_start3A_292 = arith.constant 0 : i32
      %dma_start3A_293 = tpu.memref_slice %arg2[%mul3A_10, %dma_start3A_292] : memref<2560x128xi32, #tpu.memory_space<hbm>> -> memref<80x128xi32, #tpu.memory_space<hbm>>
      tpu.enqueue_dma source(%dma_start3A_293 : memref<80x128xi32, #tpu.memory_space<hbm>>) target(%arg9 : memref<80x128xi32, #tpu.memory_space<vmem>>) target_semaphore(%run_scoped3A : memref<!tpu.dma_semaphore, #tpu.memory_space<semaphore_mem>>)
      %dma_wait3A_294 = arith.constant 0 : i32
      %dma_wait3A_295 = tpu.memref_slice %arg2[%mul3A_10, %dma_wait3A_294] : memref<2560x128xi32, #tpu.memory_space<hbm>> -> memref<80x128xi32, #tpu.memory_space<hbm>>
      %dma_wait3A_296 = arith.constant 0 : i32
      %dma_wait3A_297 = tpu.memref_slice %arg2[%mul3A_10, %dma_wait3A_296] : memref<2560x128xi32, #tpu.memory_space<hbm>> -> memref<80x128xi32, #tpu.memory_space<hbm>>
      tpu.wait_dma2 semaphore(%run_scoped3A : memref<!tpu.dma_semaphore, #tpu.memory_space<semaphore_mem>>) src(%dma_wait3A_297 : memref<80x128xi32, #tpu.memory_space<hbm>>) dst(%arg9 : memref<80x128xi32, #tpu.memory_space<vmem>>)
      tpu.yield
    }) : () -> ()
    %mul3A_11 = arith.constant 80 : i32
    %mul3A_12 = arith.muli %add3A, %mul3A_11 : i32
    "tpu.region"() ({
      %run_scoped3A = tpu.sem_alloc : memref<!tpu.dma_semaphore, #tpu.memory_space<semaphore_mem>>
      %dma_start3A_290 = arith.constant 0 : i32
      %dma_start3A_291 = tpu.memref_slice %arg3[%mul3A_12, %dma_start3A_290] : memref<2560x128xi32, #tpu.memory_space<hbm>> -> memref<80x128xi32, #tpu.memory_space<hbm>>
      %dma_start3A_292 = arith.constant 0 : i32
      %dma_start3A_293 = tpu.memref_slice %arg3[%mul3A_12, %dma_start3A_292] : memref<2560x128xi32, #tpu.memory_space<hbm>> -> memref<80x128xi32, #tpu.memory_space<hbm>>
      tpu.enqueue_dma source(%dma_start3A_293 : memref<80x128xi32, #tpu.memory_space<hbm>>) target(%arg10 : memref<80x128xi32, #tpu.memory_space<vmem>>) target_semaphore(%run_scoped3A : memref<!tpu.dma_semaphore, #tpu.memory_space<semaphore_mem>>)
      %dma_wait3A_294 = arith.constant 0 : i32
      %dma_wait3A_295 = tpu.memref_slice %arg3[%mul3A_12, %dma_wait3A_294] : memref<2560x128xi32, #tpu.memory_space<hbm>> -> memref<80x128xi32, #tpu.memory_space<hbm>>
      %dma_wait3A_296 = arith.constant 0 : i32
      %dma_wait3A_297 = tpu.memref_slice %arg3[%mul3A_12, %dma_wait3A_296] : memref<2560x128xi32, #tpu.memory_space<hbm>> -> memref<80x128xi32, #tpu.memory_space<hbm>>
      tpu.wait_dma2 semaphore(%run_scoped3A : memref<!tpu.dma_semaphore, #tpu.memory_space<semaphore_mem>>) src(%dma_wait3A_297 : memref<80x128xi32, #tpu.memory_space<hbm>>) dst(%arg10 : memref<80x128xi32, #tpu.memory_space<vmem>>)
      tpu.yield
    }) : () -> ()
    %barrier3A = arith.constant 0 : index
    tpu.barrier barrier_id(%barrier3A)
    %dma_start3A = arith.constant 0 : i32
    %dma_start3A_13 = arith.constant 0 : i32
    %dma_start3A_14 = arith.constant 0 : i32
    %dma_start3A_15 = arith.constant 0 : i32
    %dma_start3A_16 = arith.constant 0 : i32
    %dma_start3A_17 = tpu.memref_slice %arg11[%dma_start3A_13, %dma_start3A_15, %dma_start3A_16] : memref<12x128x16xf32, #tpu.memory_space<vmem>> -> memref<1x128x16xf32, #tpu.memory_space<vmem>>
    %dma_start3A_18 = tpu.memref_squeeze %dma_start3A_17 : memref<1x128x16xf32, #tpu.memory_space<vmem>> -> memref<128x16xf32, #tpu.memory_space<vmem>>
    %dma_start3A_19 = arith.constant 0 : i32
    %dma_start3A_20 = tpu.memref_slice %arg9[%dma_start3A, %dma_start3A_19] : memref<80x128xi32, #tpu.memory_space<vmem>> -> memref<1x128xi32, #tpu.memory_space<vmem>>
    %dma_start3A_21 = tpu.memref_squeeze %dma_start3A_20 : memref<1x128xi32, #tpu.memory_space<vmem>> -> memref<128xi32, #tpu.memory_space<vmem>>
    %dma_start3A_22 = arith.constant 0 : i32
    %dma_start3A_23 = arith.constant 0 : i32
    %dma_start3A_24 = tpu.memref_slice %arg7[%dma_start3A_22, %dma_start3A_23] : memref<10112x16xf32, #tpu.memory_space<vmem_shared>> -> memref<10112x16xf32, #tpu.memory_space<vmem_shared>>
    %dma_start3A_25 = tpu.memref_slice %arg12[%dma_start3A_14] : memref<12x!tpu.dma_semaphore, #tpu.memory_space<semaphore_mem>> -> memref<1x!tpu.dma_semaphore, #tpu.memory_space<semaphore_mem>>
    %dma_start3A_26 = tpu.memref_squeeze %dma_start3A_25 : memref<1x!tpu.dma_semaphore, #tpu.memory_space<semaphore_mem>> -> memref<!tpu.dma_semaphore, #tpu.memory_space<semaphore_mem>>
    tpu.enqueue_indirect_dma source(%dma_start3A_24 : memref<10112x16xf32, #tpu.memory_space<vmem_shared>>) target(%dma_start3A_18 : memref<128x16xf32, #tpu.memory_space<vmem>>) offsets(%dma_start3A_21 : memref<128xi32, #tpu.memory_space<vmem>>) semaphore(%dma_start3A_26 : memref<!tpu.dma_semaphore, #tpu.memory_space<semaphore_mem>>)
    %dma_start3A_27 = arith.constant 1 : i32
    %dma_start3A_28 = arith.constant 1 : i32
    %dma_start3A_29 = arith.constant 1 : i32
    %dma_start3A_30 = arith.constant 0 : i32
    %dma_start3A_31 = arith.constant 0 : i32
    %dma_start3A_32 = tpu.memref_slice %arg11[%dma_start3A_28, %dma_start3A_30, %dma_start3A_31] : memref<12x128x16xf32, #tpu.memory_space<vmem>> -> memref<1x128x16xf32, #tpu.memory_space<vmem>>
    %dma_start3A_33 = tpu.memref_squeeze %dma_start3A_32 : memref<1x128x16xf32, #tpu.memory_space<vmem>> -> memref<128x16xf32, #tpu.memory_space<vmem>>
    %dma_start3A_34 = arith.constant 0 : i32
    %dma_start3A_35 = tpu.memref_slice %arg9[%dma_start3A_27, %dma_start3A_34] : memref<80x128xi32, #tpu.memory_space<vmem>> -> memref<1x128xi32, #tpu.memory_space<vmem>>
    %dma_start3A_36 = tpu.memref_squeeze %dma_start3A_35 : memref<1x128xi32, #tpu.memory_space<vmem>> -> memref<128xi32, #tpu.memory_space<vmem>>
    %dma_start3A_37 = arith.constant 0 : i32
    %dma_start3A_38 = arith.constant 0 : i32
    %dma_start3A_39 = tpu.memref_slice %arg7[%dma_start3A_37, %dma_start3A_38] : memref<10112x16xf32, #tpu.memory_space<vmem_shared>> -> memref<10112x16xf32, #tpu.memory_space<vmem_shared>>
    %dma_start3A_40 = tpu.memref_slice %arg12[%dma_start3A_29] : memref<12x!tpu.dma_semaphore, #tpu.memory_space<semaphore_mem>> -> memref<1x!tpu.dma_semaphore, #tpu.memory_space<semaphore_mem>>
    %dma_start3A_41 = tpu.memref_squeeze %dma_start3A_40 : memref<1x!tpu.dma_semaphore, #tpu.memory_space<semaphore_mem>> -> memref<!tpu.dma_semaphore, #tpu.memory_space<semaphore_mem>>
    tpu.enqueue_indirect_dma source(%dma_start3A_39 : memref<10112x16xf32, #tpu.memory_space<vmem_shared>>) target(%dma_start3A_33 : memref<128x16xf32, #tpu.memory_space<vmem>>) offsets(%dma_start3A_36 : memref<128xi32, #tpu.memory_space<vmem>>) semaphore(%dma_start3A_41 : memref<!tpu.dma_semaphore, #tpu.memory_space<semaphore_mem>>)
    %dma_start3A_42 = arith.constant 2 : i32
    %dma_start3A_43 = arith.constant 2 : i32
    %dma_start3A_44 = arith.constant 2 : i32
    %dma_start3A_45 = arith.constant 0 : i32
    %dma_start3A_46 = arith.constant 0 : i32
    %dma_start3A_47 = tpu.memref_slice %arg11[%dma_start3A_43, %dma_start3A_45, %dma_start3A_46] : memref<12x128x16xf32, #tpu.memory_space<vmem>> -> memref<1x128x16xf32, #tpu.memory_space<vmem>>
    %dma_start3A_48 = tpu.memref_squeeze %dma_start3A_47 : memref<1x128x16xf32, #tpu.memory_space<vmem>> -> memref<128x16xf32, #tpu.memory_space<vmem>>
    %dma_start3A_49 = arith.constant 0 : i32
    %dma_start3A_50 = tpu.memref_slice %arg9[%dma_start3A_42, %dma_start3A_49] : memref<80x128xi32, #tpu.memory_space<vmem>> -> memref<1x128xi32, #tpu.memory_space<vmem>>
    %dma_start3A_51 = tpu.memref_squeeze %dma_start3A_50 : memref<1x128xi32, #tpu.memory_space<vmem>> -> memref<128xi32, #tpu.memory_space<vmem>>
    %dma_start3A_52 = arith.constant 0 : i32
    %dma_start3A_53 = arith.constant 0 : i32
    %dma_start3A_54 = tpu.memref_slice %arg7[%dma_start3A_52, %dma_start3A_53] : memref<10112x16xf32, #tpu.memory_space<vmem_shared>> -> memref<10112x16xf32, #tpu.memory_space<vmem_shared>>
    %dma_start3A_55 = tpu.memref_slice %arg12[%dma_start3A_44] : memref<12x!tpu.dma_semaphore, #tpu.memory_space<semaphore_mem>> -> memref<1x!tpu.dma_semaphore, #tpu.memory_space<semaphore_mem>>
    %dma_start3A_56 = tpu.memref_squeeze %dma_start3A_55 : memref<1x!tpu.dma_semaphore, #tpu.memory_space<semaphore_mem>> -> memref<!tpu.dma_semaphore, #tpu.memory_space<semaphore_mem>>
    tpu.enqueue_indirect_dma source(%dma_start3A_54 : memref<10112x16xf32, #tpu.memory_space<vmem_shared>>) target(%dma_start3A_48 : memref<128x16xf32, #tpu.memory_space<vmem>>) offsets(%dma_start3A_51 : memref<128xi32, #tpu.memory_space<vmem>>) semaphore(%dma_start3A_56 : memref<!tpu.dma_semaphore, #tpu.memory_space<semaphore_mem>>)
    %dma_start3A_57 = arith.constant 3 : i32
    %dma_start3A_58 = arith.constant 3 : i32
    %dma_start3A_59 = arith.constant 3 : i32
    %dma_start3A_60 = arith.constant 0 : i32
    %dma_start3A_61 = arith.constant 0 : i32
    %dma_start3A_62 = tpu.memref_slice %arg11[%dma_start3A_58, %dma_start3A_60, %dma_start3A_61] : memref<12x128x16xf32, #tpu.memory_space<vmem>> -> memref<1x128x16xf32, #tpu.memory_space<vmem>>
    %dma_start3A_63 = tpu.memref_squeeze %dma_start3A_62 : memref<1x128x16xf32, #tpu.memory_space<vmem>> -> memref<128x16xf32, #tpu.memory_space<vmem>>
    %dma_start3A_64 = arith.constant 0 : i32
    %dma_start3A_65 = tpu.memref_slice %arg9[%dma_start3A_57, %dma_start3A_64] : memref<80x128xi32, #tpu.memory_space<vmem>> -> memref<1x128xi32, #tpu.memory_space<vmem>>
    %dma_start3A_66 = tpu.memref_squeeze %dma_start3A_65 : memref<1x128xi32, #tpu.memory_space<vmem>> -> memref<128xi32, #tpu.memory_space<vmem>>
    %dma_start3A_67 = arith.constant 0 : i32
    %dma_start3A_68 = arith.constant 0 : i32
    %dma_start3A_69 = tpu.memref_slice %arg7[%dma_start3A_67, %dma_start3A_68] : memref<10112x16xf32, #tpu.memory_space<vmem_shared>> -> memref<10112x16xf32, #tpu.memory_space<vmem_shared>>
    %dma_start3A_70 = tpu.memref_slice %arg12[%dma_start3A_59] : memref<12x!tpu.dma_semaphore, #tpu.memory_space<semaphore_mem>> -> memref<1x!tpu.dma_semaphore, #tpu.memory_space<semaphore_mem>>
    %dma_start3A_71 = tpu.memref_squeeze %dma_start3A_70 : memref<1x!tpu.dma_semaphore, #tpu.memory_space<semaphore_mem>> -> memref<!tpu.dma_semaphore, #tpu.memory_space<semaphore_mem>>
    tpu.enqueue_indirect_dma source(%dma_start3A_69 : memref<10112x16xf32, #tpu.memory_space<vmem_shared>>) target(%dma_start3A_63 : memref<128x16xf32, #tpu.memory_space<vmem>>) offsets(%dma_start3A_66 : memref<128xi32, #tpu.memory_space<vmem>>) semaphore(%dma_start3A_71 : memref<!tpu.dma_semaphore, #tpu.memory_space<semaphore_mem>>)
    %dma_start3A_72 = arith.constant 4 : i32
    %dma_start3A_73 = arith.constant 4 : i32
    %dma_start3A_74 = arith.constant 4 : i32
    %dma_start3A_75 = arith.constant 0 : i32
    %dma_start3A_76 = arith.constant 0 : i32
    %dma_start3A_77 = tpu.memref_slice %arg11[%dma_start3A_73, %dma_start3A_75, %dma_start3A_76] : memref<12x128x16xf32, #tpu.memory_space<vmem>> -> memref<1x128x16xf32, #tpu.memory_space<vmem>>
    %dma_start3A_78 = tpu.memref_squeeze %dma_start3A_77 : memref<1x128x16xf32, #tpu.memory_space<vmem>> -> memref<128x16xf32, #tpu.memory_space<vmem>>
    %dma_start3A_79 = arith.constant 0 : i32
    %dma_start3A_80 = tpu.memref_slice %arg9[%dma_start3A_72, %dma_start3A_79] : memref<80x128xi32, #tpu.memory_space<vmem>> -> memref<1x128xi32, #tpu.memory_space<vmem>>
    %dma_start3A_81 = tpu.memref_squeeze %dma_start3A_80 : memref<1x128xi32, #tpu.memory_space<vmem>> -> memref<128xi32, #tpu.memory_space<vmem>>
    %dma_start3A_82 = arith.constant 0 : i32
    %dma_start3A_83 = arith.constant 0 : i32
    %dma_start3A_84 = tpu.memref_slice %arg7[%dma_start3A_82, %dma_start3A_83] : memref<10112x16xf32, #tpu.memory_space<vmem_shared>> -> memref<10112x16xf32, #tpu.memory_space<vmem_shared>>
    %dma_start3A_85 = tpu.memref_slice %arg12[%dma_start3A_74] : memref<12x!tpu.dma_semaphore, #tpu.memory_space<semaphore_mem>> -> memref<1x!tpu.dma_semaphore, #tpu.memory_space<semaphore_mem>>
    %dma_start3A_86 = tpu.memref_squeeze %dma_start3A_85 : memref<1x!tpu.dma_semaphore, #tpu.memory_space<semaphore_mem>> -> memref<!tpu.dma_semaphore, #tpu.memory_space<semaphore_mem>>
    tpu.enqueue_indirect_dma source(%dma_start3A_84 : memref<10112x16xf32, #tpu.memory_space<vmem_shared>>) target(%dma_start3A_78 : memref<128x16xf32, #tpu.memory_space<vmem>>) offsets(%dma_start3A_81 : memref<128xi32, #tpu.memory_space<vmem>>) semaphore(%dma_start3A_86 : memref<!tpu.dma_semaphore, #tpu.memory_space<semaphore_mem>>)
    %dma_start3A_87 = arith.constant 5 : i32
    %dma_start3A_88 = arith.constant 5 : i32
    %dma_start3A_89 = arith.constant 5 : i32
    %dma_start3A_90 = arith.constant 0 : i32
    %dma_start3A_91 = arith.constant 0 : i32
    %dma_start3A_92 = tpu.memref_slice %arg11[%dma_start3A_88, %dma_start3A_90, %dma_start3A_91] : memref<12x128x16xf32, #tpu.memory_space<vmem>> -> memref<1x128x16xf32, #tpu.memory_space<vmem>>
    %dma_start3A_93 = tpu.memref_squeeze %dma_start3A_92 : memref<1x128x16xf32, #tpu.memory_space<vmem>> -> memref<128x16xf32, #tpu.memory_space<vmem>>
    %dma_start3A_94 = arith.constant 0 : i32
    %dma_start3A_95 = tpu.memref_slice %arg9[%dma_start3A_87, %dma_start3A_94] : memref<80x128xi32, #tpu.memory_space<vmem>> -> memref<1x128xi32, #tpu.memory_space<vmem>>
    %dma_start3A_96 = tpu.memref_squeeze %dma_start3A_95 : memref<1x128xi32, #tpu.memory_space<vmem>> -> memref<128xi32, #tpu.memory_space<vmem>>
    %dma_start3A_97 = arith.constant 0 : i32
    %dma_start3A_98 = arith.constant 0 : i32
    %dma_start3A_99 = tpu.memref_slice %arg7[%dma_start3A_97, %dma_start3A_98] : memref<10112x16xf32, #tpu.memory_space<vmem_shared>> -> memref<10112x16xf32, #tpu.memory_space<vmem_shared>>
    %dma_start3A_100 = tpu.memref_slice %arg12[%dma_start3A_89] : memref<12x!tpu.dma_semaphore, #tpu.memory_space<semaphore_mem>> -> memref<1x!tpu.dma_semaphore, #tpu.memory_space<semaphore_mem>>
    %dma_start3A_101 = tpu.memref_squeeze %dma_start3A_100 : memref<1x!tpu.dma_semaphore, #tpu.memory_space<semaphore_mem>> -> memref<!tpu.dma_semaphore, #tpu.memory_space<semaphore_mem>>
    tpu.enqueue_indirect_dma source(%dma_start3A_99 : memref<10112x16xf32, #tpu.memory_space<vmem_shared>>) target(%dma_start3A_93 : memref<128x16xf32, #tpu.memory_space<vmem>>) offsets(%dma_start3A_96 : memref<128xi32, #tpu.memory_space<vmem>>) semaphore(%dma_start3A_101 : memref<!tpu.dma_semaphore, #tpu.memory_space<semaphore_mem>>)
    %scan3A = arith.constant 0 : i32
    %scan3A_102 = arith.constant 80 : i32
    %scan3A_103 = arith.addi %scan3A, %scan3A_102 : i32
    %scan3A_104 = arith.constant 1 : i32
    scf.for %scan3A_290 = %scan3A to %scan3A_103 step %scan3A_104  : i32 {
      %rem3A = arith.constant 12 : i32
      %rem3A_291 = arith.remsi %scan3A_290, %rem3A : i32
      %dma_wait3A_292 = arith.constant 0 : i32
      %dma_wait3A_293 = arith.constant 0 : i32
      %dma_wait3A_294 = tpu.memref_slice %arg11[%rem3A_291, %dma_wait3A_292, %dma_wait3A_293] : memref<12x128x16xf32, #tpu.memory_space<vmem>> -> memref<1x128x16xf32, #tpu.memory_space<vmem>>
      %dma_wait3A_295 = tpu.memref_squeeze %dma_wait3A_294 : memref<1x128x16xf32, #tpu.memory_space<vmem>> -> memref<128x16xf32, #tpu.memory_space<vmem>>
      %dma_wait3A_296 = arith.constant 0 : i32
      %dma_wait3A_297 = tpu.memref_slice %arg9[%scan3A_290, %dma_wait3A_296] : memref<80x128xi32, #tpu.memory_space<vmem>> -> memref<1x128xi32, #tpu.memory_space<vmem>>
      %dma_wait3A_298 = tpu.memref_squeeze %dma_wait3A_297 : memref<1x128xi32, #tpu.memory_space<vmem>> -> memref<128xi32, #tpu.memory_space<vmem>>
      %dma_wait3A_299 = arith.constant 0 : i32
      %dma_wait3A_300 = arith.constant 0 : i32
      %dma_wait3A_301 = tpu.memref_slice %arg7[%dma_wait3A_299, %dma_wait3A_300] : memref<10112x16xf32, #tpu.memory_space<vmem_shared>> -> memref<10112x16xf32, #tpu.memory_space<vmem_shared>>
      %dma_wait3A_302 = tpu.memref_slice %arg12[%rem3A_291] : memref<12x!tpu.dma_semaphore, #tpu.memory_space<semaphore_mem>> -> memref<1x!tpu.dma_semaphore, #tpu.memory_space<semaphore_mem>>
      %dma_wait3A_303 = tpu.memref_squeeze %dma_wait3A_302 : memref<1x!tpu.dma_semaphore, #tpu.memory_space<semaphore_mem>> -> memref<!tpu.dma_semaphore, #tpu.memory_space<semaphore_mem>>
      tpu.wait_indirect_dma semaphore(%dma_wait3A_303 : memref<!tpu.dma_semaphore, #tpu.memory_space<semaphore_mem>>) src(%dma_wait3A_301 : memref<10112x16xf32, #tpu.memory_space<vmem_shared>>) dst(%dma_wait3A_295 : memref<128x16xf32, #tpu.memory_space<vmem>>)
      %dma_start3A_304 = arith.constant 0 : i32
      %dma_start3A_305 = arith.constant 0 : i32
      %dma_start3A_306 = tpu.memref_slice %arg11[%rem3A_291, %dma_start3A_304, %dma_start3A_305] : memref<12x128x16xf32, #tpu.memory_space<vmem>> -> memref<1x128x16xf32, #tpu.memory_space<vmem>>
      %dma_start3A_307 = tpu.memref_squeeze %dma_start3A_306 : memref<1x128x16xf32, #tpu.memory_space<vmem>> -> memref<128x16xf32, #tpu.memory_space<vmem>>
      %dma_start3A_308 = arith.constant 0 : i32
      %dma_start3A_309 = tpu.memref_slice %arg10[%scan3A_290, %dma_start3A_308] : memref<80x128xi32, #tpu.memory_space<vmem>> -> memref<1x128xi32, #tpu.memory_space<vmem>>
      %dma_start3A_310 = tpu.memref_squeeze %dma_start3A_309 : memref<1x128xi32, #tpu.memory_space<vmem>> -> memref<128xi32, #tpu.memory_space<vmem>>
      %dma_start3A_311 = arith.constant 0 : i32
      %dma_start3A_312 = arith.constant 0 : i32
      %dma_start3A_313 = tpu.memref_slice %arg8[%dma_start3A_311, %dma_start3A_312] : memref<10112x16xf32, #tpu.memory_space<vmem_shared>> -> memref<10112x16xf32, #tpu.memory_space<vmem_shared>>
      %dma_start3A_314 = tpu.memref_slice %arg13[%rem3A_291] : memref<12x!tpu.dma_semaphore, #tpu.memory_space<semaphore_mem>> -> memref<1x!tpu.dma_semaphore, #tpu.memory_space<semaphore_mem>>
      %dma_start3A_315 = tpu.memref_squeeze %dma_start3A_314 : memref<1x!tpu.dma_semaphore, #tpu.memory_space<semaphore_mem>> -> memref<!tpu.dma_semaphore, #tpu.memory_space<semaphore_mem>>
      tpu.enqueue_indirect_dma source(%dma_start3A_307 : memref<128x16xf32, #tpu.memory_space<vmem>>) target(%dma_start3A_313 : memref<10112x16xf32, #tpu.memory_space<vmem_shared>>) offsets(%dma_start3A_310 : memref<128xi32, #tpu.memory_space<vmem>>) semaphore(%dma_start3A_315 : memref<!tpu.dma_semaphore, #tpu.memory_space<semaphore_mem>>) {add = true}
      %add3A_316 = arith.constant 6 : i32
      %add3A_317 = arith.addi %scan3A_290, %add3A_316 : i32
      %lt3A = arith.constant 80 : i32
      %lt3A_318 = arith.cmpi slt, %add3A_317, %lt3A : i32
      %convert_element_type3A = arith.extui %lt3A_318 : i1 to i32
      %cond3A = arith.constant 0 : i32
      %cond3A_319 = arith.cmpi ne, %convert_element_type3A, %cond3A : i32
      scf.if %cond3A_319 {
        %rem3A_320 = arith.constant 12 : i32
        %rem3A_321 = arith.remsi %add3A_317, %rem3A_320 : i32
        %ge3A = arith.constant 6 : i32
        %ge3A_322 = arith.cmpi sge, %scan3A_290, %ge3A : i32
        %convert_element_type3A_323 = arith.extui %ge3A_322 : i1 to i32
        %cond3A_324 = arith.constant 0 : i32
        %cond3A_325 = arith.cmpi ne, %convert_element_type3A_323, %cond3A_324 : i32
        scf.if %cond3A_325 {
          %sub3A = arith.constant 12 : i32
          %sub3A_338 = arith.subi %add3A_317, %sub3A : i32
          %dma_wait3A_339 = arith.constant 0 : i32
          %dma_wait3A_340 = arith.constant 0 : i32
          %dma_wait3A_341 = tpu.memref_slice %arg11[%rem3A_321, %dma_wait3A_339, %dma_wait3A_340] : memref<12x128x16xf32, #tpu.memory_space<vmem>> -> memref<1x128x16xf32, #tpu.memory_space<vmem>>
          %dma_wait3A_342 = tpu.memref_squeeze %dma_wait3A_341 : memref<1x128x16xf32, #tpu.memory_space<vmem>> -> memref<128x16xf32, #tpu.memory_space<vmem>>
          %dma_wait3A_343 = arith.constant 0 : i32
          %dma_wait3A_344 = tpu.memref_slice %arg10[%sub3A_338, %dma_wait3A_343] : memref<80x128xi32, #tpu.memory_space<vmem>> -> memref<1x128xi32, #tpu.memory_space<vmem>>
          %dma_wait3A_345 = tpu.memref_squeeze %dma_wait3A_344 : memref<1x128xi32, #tpu.memory_space<vmem>> -> memref<128xi32, #tpu.memory_space<vmem>>
          %dma_wait3A_346 = arith.constant 0 : i32
          %dma_wait3A_347 = arith.constant 0 : i32
          %dma_wait3A_348 = tpu.memref_slice %arg8[%dma_wait3A_346, %dma_wait3A_347] : memref<10112x16xf32, #tpu.memory_space<vmem_shared>> -> memref<10112x16xf32, #tpu.memory_space<vmem_shared>>
          %dma_wait3A_349 = tpu.memref_slice %arg13[%rem3A_321] : memref<12x!tpu.dma_semaphore, #tpu.memory_space<semaphore_mem>> -> memref<1x!tpu.dma_semaphore, #tpu.memory_space<semaphore_mem>>
          %dma_wait3A_350 = tpu.memref_squeeze %dma_wait3A_349 : memref<1x!tpu.dma_semaphore, #tpu.memory_space<semaphore_mem>> -> memref<!tpu.dma_semaphore, #tpu.memory_space<semaphore_mem>>
          tpu.wait_indirect_dma semaphore(%dma_wait3A_350 : memref<!tpu.dma_semaphore, #tpu.memory_space<semaphore_mem>>) src(%dma_wait3A_342 : memref<128x16xf32, #tpu.memory_space<vmem>>) dst(%dma_wait3A_348 : memref<10112x16xf32, #tpu.memory_space<vmem_shared>>)
        } else {
        }
        %dma_start3A_326 = arith.constant 0 : i32
        %dma_start3A_327 = arith.constant 0 : i32
        %dma_start3A_328 = tpu.memref_slice %arg11[%rem3A_321, %dma_start3A_326, %dma_start3A_327] : memref<12x128x16xf32, #tpu.memory_space<vmem>> -> memref<1x128x16xf32, #tpu.memory_space<vmem>>
        %dma_start3A_329 = tpu.memref_squeeze %dma_start3A_328 : memref<1x128x16xf32, #tpu.memory_space<vmem>> -> memref<128x16xf32, #tpu.memory_space<vmem>>
        %dma_start3A_330 = arith.constant 0 : i32
        %dma_start3A_331 = tpu.memref_slice %arg9[%add3A_317, %dma_start3A_330] : memref<80x128xi32, #tpu.memory_space<vmem>> -> memref<1x128xi32, #tpu.memory_space<vmem>>
        %dma_start3A_332 = tpu.memref_squeeze %dma_start3A_331 : memref<1x128xi32, #tpu.memory_space<vmem>> -> memref<128xi32, #tpu.memory_space<vmem>>
        %dma_start3A_333 = arith.constant 0 : i32
        %dma_start3A_334 = arith.constant 0 : i32
        %dma_start3A_335 = tpu.memref_slice %arg7[%dma_start3A_333, %dma_start3A_334] : memref<10112x16xf32, #tpu.memory_space<vmem_shared>> -> memref<10112x16xf32, #tpu.memory_space<vmem_shared>>
        %dma_start3A_336 = tpu.memref_slice %arg12[%rem3A_321] : memref<12x!tpu.dma_semaphore, #tpu.memory_space<semaphore_mem>> -> memref<1x!tpu.dma_semaphore, #tpu.memory_space<semaphore_mem>>
        %dma_start3A_337 = tpu.memref_squeeze %dma_start3A_336 : memref<1x!tpu.dma_semaphore, #tpu.memory_space<semaphore_mem>> -> memref<!tpu.dma_semaphore, #tpu.memory_space<semaphore_mem>>
        tpu.enqueue_indirect_dma source(%dma_start3A_335 : memref<10112x16xf32, #tpu.memory_space<vmem_shared>>) target(%dma_start3A_329 : memref<128x16xf32, #tpu.memory_space<vmem>>) offsets(%dma_start3A_332 : memref<128xi32, #tpu.memory_space<vmem>>) semaphore(%dma_start3A_337 : memref<!tpu.dma_semaphore, #tpu.memory_space<semaphore_mem>>)
      } else {
      }
    }
    %scan3A_105 = arith.constant 80 : i32
    %dma_wait3A = arith.constant 8 : i32
    %dma_wait3A_106 = arith.constant 68 : i32
    %dma_wait3A_107 = arith.constant 8 : i32
    %dma_wait3A_108 = arith.constant 0 : i32
    %dma_wait3A_109 = arith.constant 0 : i32
    %dma_wait3A_110 = tpu.memref_slice %arg11[%dma_wait3A, %dma_wait3A_108, %dma_wait3A_109] : memref<12x128x16xf32, #tpu.memory_space<vmem>> -> memref<1x128x16xf32, #tpu.memory_space<vmem>>
    %dma_wait3A_111 = tpu.memref_squeeze %dma_wait3A_110 : memref<1x128x16xf32, #tpu.memory_space<vmem>> -> memref<128x16xf32, #tpu.memory_space<vmem>>
    %dma_wait3A_112 = arith.constant 0 : i32
    %dma_wait3A_113 = tpu.memref_slice %arg10[%dma_wait3A_106, %dma_wait3A_112] : memref<80x128xi32, #tpu.memory_space<vmem>> -> memref<1x128xi32, #tpu.memory_space<vmem>>
    %dma_wait3A_114 = tpu.memref_squeeze %dma_wait3A_113 : memref<1x128xi32, #tpu.memory_space<vmem>> -> memref<128xi32, #tpu.memory_space<vmem>>
    %dma_wait3A_115 = arith.constant 0 : i32
    %dma_wait3A_116 = arith.constant 0 : i32
    %dma_wait3A_117 = tpu.memref_slice %arg8[%dma_wait3A_115, %dma_wait3A_116] : memref<10112x16xf32, #tpu.memory_space<vmem_shared>> -> memref<10112x16xf32, #tpu.memory_space<vmem_shared>>
    %dma_wait3A_118 = tpu.memref_slice %arg13[%dma_wait3A_107] : memref<12x!tpu.dma_semaphore, #tpu.memory_space<semaphore_mem>> -> memref<1x!tpu.dma_semaphore, #tpu.memory_space<semaphore_mem>>
    %dma_wait3A_119 = tpu.memref_squeeze %dma_wait3A_118 : memref<1x!tpu.dma_semaphore, #tpu.memory_space<semaphore_mem>> -> memref<!tpu.dma_semaphore, #tpu.memory_space<semaphore_mem>>
    tpu.wait_indirect_dma semaphore(%dma_wait3A_119 : memref<!tpu.dma_semaphore, #tpu.memory_space<semaphore_mem>>) src(%dma_wait3A_111 : memref<128x16xf32, #tpu.memory_space<vmem>>) dst(%dma_wait3A_117 : memref<10112x16xf32, #tpu.memory_space<vmem_shared>>)
    %dma_wait3A_120 = arith.constant 9 : i32
    %dma_wait3A_121 = arith.constant 69 : i32
    %dma_wait3A_122 = arith.constant 9 : i32
    %dma_wait3A_123 = arith.constant 0 : i32
    %dma_wait3A_124 = arith.constant 0 : i32
    %dma_wait3A_125 = tpu.memref_slice %arg11[%dma_wait3A_120, %dma_wait3A_123, %dma_wait3A_124] : memref<12x128x16xf32, #tpu.memory_space<vmem>> -> memref<1x128x16xf32, #tpu.memory_space<vmem>>
    %dma_wait3A_126 = tpu.memref_squeeze %dma_wait3A_125 : memref<1x128x16xf32, #tpu.memory_space<vmem>> -> memref<128x16xf32, #tpu.memory_space<vmem>>
    %dma_wait3A_127 = arith.constant 0 : i32
    %dma_wait3A_128 = tpu.memref_slice %arg10[%dma_wait3A_121, %dma_wait3A_127] : memref<80x128xi32, #tpu.memory_space<vmem>> -> memref<1x128xi32, #tpu.memory_space<vmem>>
    %dma_wait3A_129 = tpu.memref_squeeze %dma_wait3A_128 : memref<1x128xi32, #tpu.memory_space<vmem>> -> memref<128xi32, #tpu.memory_space<vmem>>
    %dma_wait3A_130 = arith.constant 0 : i32
    %dma_wait3A_131 = arith.constant 0 : i32
    %dma_wait3A_132 = tpu.memref_slice %arg8[%dma_wait3A_130, %dma_wait3A_131] : memref<10112x16xf32, #tpu.memory_space<vmem_shared>> -> memref<10112x16xf32, #tpu.memory_space<vmem_shared>>
    %dma_wait3A_133 = tpu.memref_slice %arg13[%dma_wait3A_122] : memref<12x!tpu.dma_semaphore, #tpu.memory_space<semaphore_mem>> -> memref<1x!tpu.dma_semaphore, #tpu.memory_space<semaphore_mem>>
    %dma_wait3A_134 = tpu.memref_squeeze %dma_wait3A_133 : memref<1x!tpu.dma_semaphore, #tpu.memory_space<semaphore_mem>> -> memref<!tpu.dma_semaphore, #tpu.memory_space<semaphore_mem>>
    tpu.wait_indirect_dma semaphore(%dma_wait3A_134 : memref<!tpu.dma_semaphore, #tpu.memory_space<semaphore_mem>>) src(%dma_wait3A_126 : memref<128x16xf32, #tpu.memory_space<vmem>>) dst(%dma_wait3A_132 : memref<10112x16xf32, #tpu.memory_space<vmem_shared>>)
    %dma_wait3A_135 = arith.constant 10 : i32
    %dma_wait3A_136 = arith.constant 70 : i32
    %dma_wait3A_137 = arith.constant 10 : i32
    %dma_wait3A_138 = arith.constant 0 : i32
    %dma_wait3A_139 = arith.constant 0 : i32
    %dma_wait3A_140 = tpu.memref_slice %arg11[%dma_wait3A_135, %dma_wait3A_138, %dma_wait3A_139] : memref<12x128x16xf32, #tpu.memory_space<vmem>> -> memref<1x128x16xf32, #tpu.memory_space<vmem>>
    %dma_wait3A_141 = tpu.memref_squeeze %dma_wait3A_140 : memref<1x128x16xf32, #tpu.memory_space<vmem>> -> memref<128x16xf32, #tpu.memory_space<vmem>>
    %dma_wait3A_142 = arith.constant 0 : i32
    %dma_wait3A_143 = tpu.memref_slice %arg10[%dma_wait3A_136, %dma_wait3A_142] : memref<80x128xi32, #tpu.memory_space<vmem>> -> memref<1x128xi32, #tpu.memory_space<vmem>>
    %dma_wait3A_144 = tpu.memref_squeeze %dma_wait3A_143 : memref<1x128xi32, #tpu.memory_space<vmem>> -> memref<128xi32, #tpu.memory_space<vmem>>
    %dma_wait3A_145 = arith.constant 0 : i32
    %dma_wait3A_146 = arith.constant 0 : i32
    %dma_wait3A_147 = tpu.memref_slice %arg8[%dma_wait3A_145, %dma_wait3A_146] : memref<10112x16xf32, #tpu.memory_space<vmem_shared>> -> memref<10112x16xf32, #tpu.memory_space<vmem_shared>>
    %dma_wait3A_148 = tpu.memref_slice %arg13[%dma_wait3A_137] : memref<12x!tpu.dma_semaphore, #tpu.memory_space<semaphore_mem>> -> memref<1x!tpu.dma_semaphore, #tpu.memory_space<semaphore_mem>>
    %dma_wait3A_149 = tpu.memref_squeeze %dma_wait3A_148 : memref<1x!tpu.dma_semaphore, #tpu.memory_space<semaphore_mem>> -> memref<!tpu.dma_semaphore, #tpu.memory_space<semaphore_mem>>
    tpu.wait_indirect_dma semaphore(%dma_wait3A_149 : memref<!tpu.dma_semaphore, #tpu.memory_space<semaphore_mem>>) src(%dma_wait3A_141 : memref<128x16xf32, #tpu.memory_space<vmem>>) dst(%dma_wait3A_147 : memref<10112x16xf32, #tpu.memory_space<vmem_shared>>)
    %dma_wait3A_150 = arith.constant 11 : i32
    %dma_wait3A_151 = arith.constant 71 : i32
    %dma_wait3A_152 = arith.constant 11 : i32
    %dma_wait3A_153 = arith.constant 0 : i32
    %dma_wait3A_154 = arith.constant 0 : i32
    %dma_wait3A_155 = tpu.memref_slice %arg11[%dma_wait3A_150, %dma_wait3A_153, %dma_wait3A_154] : memref<12x128x16xf32, #tpu.memory_space<vmem>> -> memref<1x128x16xf32, #tpu.memory_space<vmem>>
    %dma_wait3A_156 = tpu.memref_squeeze %dma_wait3A_155 : memref<1x128x16xf32, #tpu.memory_space<vmem>> -> memref<128x16xf32, #tpu.memory_space<vmem>>
    %dma_wait3A_157 = arith.constant 0 : i32
    %dma_wait3A_158 = tpu.memref_slice %arg10[%dma_wait3A_151, %dma_wait3A_157] : memref<80x128xi32, #tpu.memory_space<vmem>> -> memref<1x128xi32, #tpu.memory_space<vmem>>
    %dma_wait3A_159 = tpu.memref_squeeze %dma_wait3A_158 : memref<1x128xi32, #tpu.memory_space<vmem>> -> memref<128xi32, #tpu.memory_space<vmem>>
    %dma_wait3A_160 = arith.constant 0 : i32
    %dma_wait3A_161 = arith.constant 0 : i32
    %dma_wait3A_162 = tpu.memref_slice %arg8[%dma_wait3A_160, %dma_wait3A_161] : memref<10112x16xf32, #tpu.memory_space<vmem_shared>> -> memref<10112x16xf32, #tpu.memory_space<vmem_shared>>
    %dma_wait3A_163 = tpu.memref_slice %arg13[%dma_wait3A_152] : memref<12x!tpu.dma_semaphore, #tpu.memory_space<semaphore_mem>> -> memref<1x!tpu.dma_semaphore, #tpu.memory_space<semaphore_mem>>
    %dma_wait3A_164 = tpu.memref_squeeze %dma_wait3A_163 : memref<1x!tpu.dma_semaphore, #tpu.memory_space<semaphore_mem>> -> memref<!tpu.dma_semaphore, #tpu.memory_space<semaphore_mem>>
    tpu.wait_indirect_dma semaphore(%dma_wait3A_164 : memref<!tpu.dma_semaphore, #tpu.memory_space<semaphore_mem>>) src(%dma_wait3A_156 : memref<128x16xf32, #tpu.memory_space<vmem>>) dst(%dma_wait3A_162 : memref<10112x16xf32, #tpu.memory_space<vmem_shared>>)
    %dma_wait3A_165 = arith.constant 0 : i32
    %dma_wait3A_166 = arith.constant 72 : i32
    %dma_wait3A_167 = arith.constant 0 : i32
    %dma_wait3A_168 = arith.constant 0 : i32
    %dma_wait3A_169 = arith.constant 0 : i32
    %dma_wait3A_170 = tpu.memref_slice %arg11[%dma_wait3A_165, %dma_wait3A_168, %dma_wait3A_169] : memref<12x128x16xf32, #tpu.memory_space<vmem>> -> memref<1x128x16xf32, #tpu.memory_space<vmem>>
    %dma_wait3A_171 = tpu.memref_squeeze %dma_wait3A_170 : memref<1x128x16xf32, #tpu.memory_space<vmem>> -> memref<128x16xf32, #tpu.memory_space<vmem>>
    %dma_wait3A_172 = arith.constant 0 : i32
    %dma_wait3A_173 = tpu.memref_slice %arg10[%dma_wait3A_166, %dma_wait3A_172] : memref<80x128xi32, #tpu.memory_space<vmem>> -> memref<1x128xi32, #tpu.memory_space<vmem>>
    %dma_wait3A_174 = tpu.memref_squeeze %dma_wait3A_173 : memref<1x128xi32, #tpu.memory_space<vmem>> -> memref<128xi32, #tpu.memory_space<vmem>>
    %dma_wait3A_175 = arith.constant 0 : i32
    %dma_wait3A_176 = arith.constant 0 : i32
    %dma_wait3A_177 = tpu.memref_slice %arg8[%dma_wait3A_175, %dma_wait3A_176] : memref<10112x16xf32, #tpu.memory_space<vmem_shared>> -> memref<10112x16xf32, #tpu.memory_space<vmem_shared>>
    %dma_wait3A_178 = tpu.memref_slice %arg13[%dma_wait3A_167] : memref<12x!tpu.dma_semaphore, #tpu.memory_space<semaphore_mem>> -> memref<1x!tpu.dma_semaphore, #tpu.memory_space<semaphore_mem>>
    %dma_wait3A_179 = tpu.memref_squeeze %dma_wait3A_178 : memref<1x!tpu.dma_semaphore, #tpu.memory_space<semaphore_mem>> -> memref<!tpu.dma_semaphore, #tpu.memory_space<semaphore_mem>>
    tpu.wait_indirect_dma semaphore(%dma_wait3A_179 : memref<!tpu.dma_semaphore, #tpu.memory_space<semaphore_mem>>) src(%dma_wait3A_171 : memref<128x16xf32, #tpu.memory_space<vmem>>) dst(%dma_wait3A_177 : memref<10112x16xf32, #tpu.memory_space<vmem_shared>>)
    %dma_wait3A_180 = arith.constant 1 : i32
    %dma_wait3A_181 = arith.constant 73 : i32
    %dma_wait3A_182 = arith.constant 1 : i32
    %dma_wait3A_183 = arith.constant 0 : i32
    %dma_wait3A_184 = arith.constant 0 : i32
    %dma_wait3A_185 = tpu.memref_slice %arg11[%dma_wait3A_180, %dma_wait3A_183, %dma_wait3A_184] : memref<12x128x16xf32, #tpu.memory_space<vmem>> -> memref<1x128x16xf32, #tpu.memory_space<vmem>>
    %dma_wait3A_186 = tpu.memref_squeeze %dma_wait3A_185 : memref<1x128x16xf32, #tpu.memory_space<vmem>> -> memref<128x16xf32, #tpu.memory_space<vmem>>
    %dma_wait3A_187 = arith.constant 0 : i32
    %dma_wait3A_188 = tpu.memref_slice %arg10[%dma_wait3A_181, %dma_wait3A_187] : memref<80x128xi32, #tpu.memory_space<vmem>> -> memref<1x128xi32, #tpu.memory_space<vmem>>
    %dma_wait3A_189 = tpu.memref_squeeze %dma_wait3A_188 : memref<1x128xi32, #tpu.memory_space<vmem>> -> memref<128xi32, #tpu.memory_space<vmem>>
    %dma_wait3A_190 = arith.constant 0 : i32
    %dma_wait3A_191 = arith.constant 0 : i32
    %dma_wait3A_192 = tpu.memref_slice %arg8[%dma_wait3A_190, %dma_wait3A_191] : memref<10112x16xf32, #tpu.memory_space<vmem_shared>> -> memref<10112x16xf32, #tpu.memory_space<vmem_shared>>
    %dma_wait3A_193 = tpu.memref_slice %arg13[%dma_wait3A_182] : memref<12x!tpu.dma_semaphore, #tpu.memory_space<semaphore_mem>> -> memref<1x!tpu.dma_semaphore, #tpu.memory_space<semaphore_mem>>
    %dma_wait3A_194 = tpu.memref_squeeze %dma_wait3A_193 : memref<1x!tpu.dma_semaphore, #tpu.memory_space<semaphore_mem>> -> memref<!tpu.dma_semaphore, #tpu.memory_space<semaphore_mem>>
    tpu.wait_indirect_dma semaphore(%dma_wait3A_194 : memref<!tpu.dma_semaphore, #tpu.memory_space<semaphore_mem>>) src(%dma_wait3A_186 : memref<128x16xf32, #tpu.memory_space<vmem>>) dst(%dma_wait3A_192 : memref<10112x16xf32, #tpu.memory_space<vmem_shared>>)
    %dma_wait3A_195 = arith.constant 2 : i32
    %dma_wait3A_196 = arith.constant 74 : i32
    %dma_wait3A_197 = arith.constant 2 : i32
    %dma_wait3A_198 = arith.constant 0 : i32
    %dma_wait3A_199 = arith.constant 0 : i32
    %dma_wait3A_200 = tpu.memref_slice %arg11[%dma_wait3A_195, %dma_wait3A_198, %dma_wait3A_199] : memref<12x128x16xf32, #tpu.memory_space<vmem>> -> memref<1x128x16xf32, #tpu.memory_space<vmem>>
    %dma_wait3A_201 = tpu.memref_squeeze %dma_wait3A_200 : memref<1x128x16xf32, #tpu.memory_space<vmem>> -> memref<128x16xf32, #tpu.memory_space<vmem>>
    %dma_wait3A_202 = arith.constant 0 : i32
    %dma_wait3A_203 = tpu.memref_slice %arg10[%dma_wait3A_196, %dma_wait3A_202] : memref<80x128xi32, #tpu.memory_space<vmem>> -> memref<1x128xi32, #tpu.memory_space<vmem>>
    %dma_wait3A_204 = tpu.memref_squeeze %dma_wait3A_203 : memref<1x128xi32, #tpu.memory_space<vmem>> -> memref<128xi32, #tpu.memory_space<vmem>>
    %dma_wait3A_205 = arith.constant 0 : i32
    %dma_wait3A_206 = arith.constant 0 : i32
    %dma_wait3A_207 = tpu.memref_slice %arg8[%dma_wait3A_205, %dma_wait3A_206] : memref<10112x16xf32, #tpu.memory_space<vmem_shared>> -> memref<10112x16xf32, #tpu.memory_space<vmem_shared>>
    %dma_wait3A_208 = tpu.memref_slice %arg13[%dma_wait3A_197] : memref<12x!tpu.dma_semaphore, #tpu.memory_space<semaphore_mem>> -> memref<1x!tpu.dma_semaphore, #tpu.memory_space<semaphore_mem>>
    %dma_wait3A_209 = tpu.memref_squeeze %dma_wait3A_208 : memref<1x!tpu.dma_semaphore, #tpu.memory_space<semaphore_mem>> -> memref<!tpu.dma_semaphore, #tpu.memory_space<semaphore_mem>>
    tpu.wait_indirect_dma semaphore(%dma_wait3A_209 : memref<!tpu.dma_semaphore, #tpu.memory_space<semaphore_mem>>) src(%dma_wait3A_201 : memref<128x16xf32, #tpu.memory_space<vmem>>) dst(%dma_wait3A_207 : memref<10112x16xf32, #tpu.memory_space<vmem_shared>>)
    %dma_wait3A_210 = arith.constant 3 : i32
    %dma_wait3A_211 = arith.constant 75 : i32
    %dma_wait3A_212 = arith.constant 3 : i32
    %dma_wait3A_213 = arith.constant 0 : i32
    %dma_wait3A_214 = arith.constant 0 : i32
    %dma_wait3A_215 = tpu.memref_slice %arg11[%dma_wait3A_210, %dma_wait3A_213, %dma_wait3A_214] : memref<12x128x16xf32, #tpu.memory_space<vmem>> -> memref<1x128x16xf32, #tpu.memory_space<vmem>>
    %dma_wait3A_216 = tpu.memref_squeeze %dma_wait3A_215 : memref<1x128x16xf32, #tpu.memory_space<vmem>> -> memref<128x16xf32, #tpu.memory_space<vmem>>
    %dma_wait3A_217 = arith.constant 0 : i32
    %dma_wait3A_218 = tpu.memref_slice %arg10[%dma_wait3A_211, %dma_wait3A_217] : memref<80x128xi32, #tpu.memory_space<vmem>> -> memref<1x128xi32, #tpu.memory_space<vmem>>
    %dma_wait3A_219 = tpu.memref_squeeze %dma_wait3A_218 : memref<1x128xi32, #tpu.memory_space<vmem>> -> memref<128xi32, #tpu.memory_space<vmem>>
    %dma_wait3A_220 = arith.constant 0 : i32
    %dma_wait3A_221 = arith.constant 0 : i32
    %dma_wait3A_222 = tpu.memref_slice %arg8[%dma_wait3A_220, %dma_wait3A_221] : memref<10112x16xf32, #tpu.memory_space<vmem_shared>> -> memref<10112x16xf32, #tpu.memory_space<vmem_shared>>
    %dma_wait3A_223 = tpu.memref_slice %arg13[%dma_wait3A_212] : memref<12x!tpu.dma_semaphore, #tpu.memory_space<semaphore_mem>> -> memref<1x!tpu.dma_semaphore, #tpu.memory_space<semaphore_mem>>
    %dma_wait3A_224 = tpu.memref_squeeze %dma_wait3A_223 : memref<1x!tpu.dma_semaphore, #tpu.memory_space<semaphore_mem>> -> memref<!tpu.dma_semaphore, #tpu.memory_space<semaphore_mem>>
    tpu.wait_indirect_dma semaphore(%dma_wait3A_224 : memref<!tpu.dma_semaphore, #tpu.memory_space<semaphore_mem>>) src(%dma_wait3A_216 : memref<128x16xf32, #tpu.memory_space<vmem>>) dst(%dma_wait3A_222 : memref<10112x16xf32, #tpu.memory_space<vmem_shared>>)
    %dma_wait3A_225 = arith.constant 4 : i32
    %dma_wait3A_226 = arith.constant 76 : i32
    %dma_wait3A_227 = arith.constant 4 : i32
    %dma_wait3A_228 = arith.constant 0 : i32
    %dma_wait3A_229 = arith.constant 0 : i32
    %dma_wait3A_230 = tpu.memref_slice %arg11[%dma_wait3A_225, %dma_wait3A_228, %dma_wait3A_229] : memref<12x128x16xf32, #tpu.memory_space<vmem>> -> memref<1x128x16xf32, #tpu.memory_space<vmem>>
    %dma_wait3A_231 = tpu.memref_squeeze %dma_wait3A_230 : memref<1x128x16xf32, #tpu.memory_space<vmem>> -> memref<128x16xf32, #tpu.memory_space<vmem>>
    %dma_wait3A_232 = arith.constant 0 : i32
    %dma_wait3A_233 = tpu.memref_slice %arg10[%dma_wait3A_226, %dma_wait3A_232] : memref<80x128xi32, #tpu.memory_space<vmem>> -> memref<1x128xi32, #tpu.memory_space<vmem>>
    %dma_wait3A_234 = tpu.memref_squeeze %dma_wait3A_233 : memref<1x128xi32, #tpu.memory_space<vmem>> -> memref<128xi32, #tpu.memory_space<vmem>>
    %dma_wait3A_235 = arith.constant 0 : i32
    %dma_wait3A_236 = arith.constant 0 : i32
    %dma_wait3A_237 = tpu.memref_slice %arg8[%dma_wait3A_235, %dma_wait3A_236] : memref<10112x16xf32, #tpu.memory_space<vmem_shared>> -> memref<10112x16xf32, #tpu.memory_space<vmem_shared>>
    %dma_wait3A_238 = tpu.memref_slice %arg13[%dma_wait3A_227] : memref<12x!tpu.dma_semaphore, #tpu.memory_space<semaphore_mem>> -> memref<1x!tpu.dma_semaphore, #tpu.memory_space<semaphore_mem>>
    %dma_wait3A_239 = tpu.memref_squeeze %dma_wait3A_238 : memref<1x!tpu.dma_semaphore, #tpu.memory_space<semaphore_mem>> -> memref<!tpu.dma_semaphore, #tpu.memory_space<semaphore_mem>>
    tpu.wait_indirect_dma semaphore(%dma_wait3A_239 : memref<!tpu.dma_semaphore, #tpu.memory_space<semaphore_mem>>) src(%dma_wait3A_231 : memref<128x16xf32, #tpu.memory_space<vmem>>) dst(%dma_wait3A_237 : memref<10112x16xf32, #tpu.memory_space<vmem_shared>>)
    %dma_wait3A_240 = arith.constant 5 : i32
    %dma_wait3A_241 = arith.constant 77 : i32
    %dma_wait3A_242 = arith.constant 5 : i32
    %dma_wait3A_243 = arith.constant 0 : i32
    %dma_wait3A_244 = arith.constant 0 : i32
    %dma_wait3A_245 = tpu.memref_slice %arg11[%dma_wait3A_240, %dma_wait3A_243, %dma_wait3A_244] : memref<12x128x16xf32, #tpu.memory_space<vmem>> -> memref<1x128x16xf32, #tpu.memory_space<vmem>>
    %dma_wait3A_246 = tpu.memref_squeeze %dma_wait3A_245 : memref<1x128x16xf32, #tpu.memory_space<vmem>> -> memref<128x16xf32, #tpu.memory_space<vmem>>
    %dma_wait3A_247 = arith.constant 0 : i32
    %dma_wait3A_248 = tpu.memref_slice %arg10[%dma_wait3A_241, %dma_wait3A_247] : memref<80x128xi32, #tpu.memory_space<vmem>> -> memref<1x128xi32, #tpu.memory_space<vmem>>
    %dma_wait3A_249 = tpu.memref_squeeze %dma_wait3A_248 : memref<1x128xi32, #tpu.memory_space<vmem>> -> memref<128xi32, #tpu.memory_space<vmem>>
    %dma_wait3A_250 = arith.constant 0 : i32
    %dma_wait3A_251 = arith.constant 0 : i32
    %dma_wait3A_252 = tpu.memref_slice %arg8[%dma_wait3A_250, %dma_wait3A_251] : memref<10112x16xf32, #tpu.memory_space<vmem_shared>> -> memref<10112x16xf32, #tpu.memory_space<vmem_shared>>
    %dma_wait3A_253 = tpu.memref_slice %arg13[%dma_wait3A_242] : memref<12x!tpu.dma_semaphore, #tpu.memory_space<semaphore_mem>> -> memref<1x!tpu.dma_semaphore, #tpu.memory_space<semaphore_mem>>
    %dma_wait3A_254 = tpu.memref_squeeze %dma_wait3A_253 : memref<1x!tpu.dma_semaphore, #tpu.memory_space<semaphore_mem>> -> memref<!tpu.dma_semaphore, #tpu.memory_space<semaphore_mem>>
    tpu.wait_indirect_dma semaphore(%dma_wait3A_254 : memref<!tpu.dma_semaphore, #tpu.memory_space<semaphore_mem>>) src(%dma_wait3A_246 : memref<128x16xf32, #tpu.memory_space<vmem>>) dst(%dma_wait3A_252 : memref<10112x16xf32, #tpu.memory_space<vmem_shared>>)
    %dma_wait3A_255 = arith.constant 6 : i32
    %dma_wait3A_256 = arith.constant 78 : i32
    %dma_wait3A_257 = arith.constant 6 : i32
    %dma_wait3A_258 = arith.constant 0 : i32
    %dma_wait3A_259 = arith.constant 0 : i32
    %dma_wait3A_260 = tpu.memref_slice %arg11[%dma_wait3A_255, %dma_wait3A_258, %dma_wait3A_259] : memref<12x128x16xf32, #tpu.memory_space<vmem>> -> memref<1x128x16xf32, #tpu.memory_space<vmem>>
    %dma_wait3A_261 = tpu.memref_squeeze %dma_wait3A_260 : memref<1x128x16xf32, #tpu.memory_space<vmem>> -> memref<128x16xf32, #tpu.memory_space<vmem>>
    %dma_wait3A_262 = arith.constant 0 : i32
    %dma_wait3A_263 = tpu.memref_slice %arg10[%dma_wait3A_256, %dma_wait3A_262] : memref<80x128xi32, #tpu.memory_space<vmem>> -> memref<1x128xi32, #tpu.memory_space<vmem>>
    %dma_wait3A_264 = tpu.memref_squeeze %dma_wait3A_263 : memref<1x128xi32, #tpu.memory_space<vmem>> -> memref<128xi32, #tpu.memory_space<vmem>>
    %dma_wait3A_265 = arith.constant 0 : i32
    %dma_wait3A_266 = arith.constant 0 : i32
    %dma_wait3A_267 = tpu.memref_slice %arg8[%dma_wait3A_265, %dma_wait3A_266] : memref<10112x16xf32, #tpu.memory_space<vmem_shared>> -> memref<10112x16xf32, #tpu.memory_space<vmem_shared>>
    %dma_wait3A_268 = tpu.memref_slice %arg13[%dma_wait3A_257] : memref<12x!tpu.dma_semaphore, #tpu.memory_space<semaphore_mem>> -> memref<1x!tpu.dma_semaphore, #tpu.memory_space<semaphore_mem>>
    %dma_wait3A_269 = tpu.memref_squeeze %dma_wait3A_268 : memref<1x!tpu.dma_semaphore, #tpu.memory_space<semaphore_mem>> -> memref<!tpu.dma_semaphore, #tpu.memory_space<semaphore_mem>>
    tpu.wait_indirect_dma semaphore(%dma_wait3A_269 : memref<!tpu.dma_semaphore, #tpu.memory_space<semaphore_mem>>) src(%dma_wait3A_261 : memref<128x16xf32, #tpu.memory_space<vmem>>) dst(%dma_wait3A_267 : memref<10112x16xf32, #tpu.memory_space<vmem_shared>>)
    %dma_wait3A_270 = arith.constant 7 : i32
    %dma_wait3A_271 = arith.constant 79 : i32
    %dma_wait3A_272 = arith.constant 7 : i32
    %dma_wait3A_273 = arith.constant 0 : i32
    %dma_wait3A_274 = arith.constant 0 : i32
    %dma_wait3A_275 = tpu.memref_slice %arg11[%dma_wait3A_270, %dma_wait3A_273, %dma_wait3A_274] : memref<12x128x16xf32, #tpu.memory_space<vmem>> -> memref<1x128x16xf32, #tpu.memory_space<vmem>>
    %dma_wait3A_276 = tpu.memref_squeeze %dma_wait3A_275 : memref<1x128x16xf32, #tpu.memory_space<vmem>> -> memref<128x16xf32, #tpu.memory_space<vmem>>
    %dma_wait3A_277 = arith.constant 0 : i32
    %dma_wait3A_278 = tpu.memref_slice %arg10[%dma_wait3A_271, %dma_wait3A_277] : memref<80x128xi32, #tpu.memory_space<vmem>> -> memref<1x128xi32, #tpu.memory_space<vmem>>
    %dma_wait3A_279 = tpu.memref_squeeze %dma_wait3A_278 : memref<1x128xi32, #tpu.memory_space<vmem>> -> memref<128xi32, #tpu.memory_space<vmem>>
    %dma_wait3A_280 = arith.constant 0 : i32
    %dma_wait3A_281 = arith.constant 0 : i32
    %dma_wait3A_282 = tpu.memref_slice %arg8[%dma_wait3A_280, %dma_wait3A_281] : memref<10112x16xf32, #tpu.memory_space<vmem_shared>> -> memref<10112x16xf32, #tpu.memory_space<vmem_shared>>
    %dma_wait3A_283 = tpu.memref_slice %arg13[%dma_wait3A_272] : memref<12x!tpu.dma_semaphore, #tpu.memory_space<semaphore_mem>> -> memref<1x!tpu.dma_semaphore, #tpu.memory_space<semaphore_mem>>
    %dma_wait3A_284 = tpu.memref_squeeze %dma_wait3A_283 : memref<1x!tpu.dma_semaphore, #tpu.memory_space<semaphore_mem>> -> memref<!tpu.dma_semaphore, #tpu.memory_space<semaphore_mem>>
    tpu.wait_indirect_dma semaphore(%dma_wait3A_284 : memref<!tpu.dma_semaphore, #tpu.memory_space<semaphore_mem>>) src(%dma_wait3A_276 : memref<128x16xf32, #tpu.memory_space<vmem>>) dst(%dma_wait3A_282 : memref<10112x16xf32, #tpu.memory_space<vmem_shared>>)
    %barrier3A_285 = arith.constant 0 : index
    tpu.barrier barrier_id(%barrier3A_285)
    %mul3A_286 = arith.constant 632 : i32
    %mul3A_287 = arith.muli %arg1, %mul3A_286 : i32
    %mul3A_288 = arith.constant 632 : i32
    %mul3A_289 = arith.muli %arg1, %mul3A_288 : i32
    "tpu.region"() ({
      %run_scoped3A = tpu.sem_alloc : memref<!tpu.dma_semaphore, #tpu.memory_space<semaphore_mem>>
      %dma_start3A_290 = arith.constant 0 : i32
      %dma_start3A_291 = tpu.memref_slice %arg6[%arg0, %mul3A_289, %dma_start3A_290] : memref<2x10112x16xf32, #tpu.memory_space<hbm>> -> memref<1x632x16xf32, #tpu.memory_space<hbm>>
      %dma_start3A_292 = tpu.memref_squeeze %dma_start3A_291 : memref<1x632x16xf32, #tpu.memory_space<hbm>> -> memref<632x16xf32, #tpu.memory_space<hbm>>
      %dma_start3A_293 = arith.constant 0 : i32
      %dma_start3A_294 = tpu.memref_slice %arg8[%mul3A_287, %dma_start3A_293] : memref<10112x16xf32, #tpu.memory_space<vmem_shared>> -> memref<632x16xf32, #tpu.memory_space<vmem_shared>>
      tpu.enqueue_dma source(%dma_start3A_294 : memref<632x16xf32, #tpu.memory_space<vmem_shared>>) target(%dma_start3A_292 : memref<632x16xf32, #tpu.memory_space<hbm>>) target_semaphore(%run_scoped3A : memref<!tpu.dma_semaphore, #tpu.memory_space<semaphore_mem>>)
      %dma_wait3A_295 = arith.constant 0 : i32
      %dma_wait3A_296 = tpu.memref_slice %arg6[%arg0, %mul3A_289, %dma_wait3A_295] : memref<2x10112x16xf32, #tpu.memory_space<hbm>> -> memref<1x632x16xf32, #tpu.memory_space<hbm>>
      %dma_wait3A_297 = tpu.memref_squeeze %dma_wait3A_296 : memref<1x632x16xf32, #tpu.memory_space<hbm>> -> memref<632x16xf32, #tpu.memory_space<hbm>>
      %dma_wait3A_298 = arith.constant 0 : i32
      %dma_wait3A_299 = tpu.memref_slice %arg8[%mul3A_287, %dma_wait3A_298] : memref<10112x16xf32, #tpu.memory_space<vmem_shared>> -> memref<632x16xf32, #tpu.memory_space<vmem_shared>>
      tpu.wait_dma2 semaphore(%run_scoped3A : memref<!tpu.dma_semaphore, #tpu.memory_space<semaphore_mem>>) src(%dma_wait3A_299 : memref<632x16xf32, #tpu.memory_space<vmem_shared>>) dst(%dma_wait3A_297 : memref<632x16xf32, #tpu.memory_space<hbm>>)
      tpu.yield
    }) : () -> ()
    return
  }
}

module attributes {stable_mosaic.version = 14 : i64} {
  func.func @body(%arg0: i32, %arg1: memref<2x16384xi32, #tpu.memory_space<vmem>>, %arg2: memref<128x128xi32, #tpu.memory_space<vmem>>, %arg3: memref<128x128xi32, #tpu.memory_space<vmem>>) attributes {dimension_semantics = [#tpu.dimension_semantics<arbitrary>], iteration_bounds = array<i64: 20>, scalar_prefetch = 0 : i64, scratch_operands = 0 : i64, tpu.core_type = #tpu.core_type<tc>, window_params = [{transform_indices = @transform_0, window_bounds = array<i64: 2, 16384>}, {transform_indices = @transform_1, window_bounds = array<i64: 128, 128>}, {transform_indices = @transform_2, window_bounds = array<i64: 128, 128>}]} {
    %get3A = arith.constant 0 : index
    %get3A_0 = arith.constant 0 : index
    %get3A_1 = vector.load %arg1[%get3A, %get3A_0] : memref<2x16384xi32, #tpu.memory_space<vmem>>, vector<2x16384xi32>
    %mul3A = arith.constant 16384 : i32
    %mul3A_2 = arith.muli %arg0, %mul3A : i32
    %iota3A = tpu.iota {dimensions = array<i32: 1>} : vector<2x16384xi32>
    %add3A = vector.broadcast %mul3A_2 : i32 to vector<2x16384xi32>
    %add3A_3 = arith.addi %add3A, %iota3A : vector<2x16384xi32>
    %lt3A = arith.constant 320000 : i32
    %lt3A_4 = vector.broadcast %lt3A : i32 to vector<2x16384xi32>
    %lt3A_5 = arith.cmpi slt, %add3A_3, %lt3A_4 : vector<2x16384xi32>
    %and3A = arith.constant 63 : i32
    %and3A_6 = vector.broadcast %and3A : i32 to vector<2x16384xi32>
    %and3A_7 = arith.andi %add3A_3, %and3A_6 : vector<2x16384xi32>
    %add3A_8 = arith.constant 10000 : i32
    %add3A_9 = vector.broadcast %add3A_8 : i32 to vector<2x16384xi32>
    %add3A_10 = arith.addi %add3A_9, %and3A_7 : vector<2x16384xi32>
    %select_n3A = arith.select %lt3A_5, %get3A_1, %add3A_10 : vector<2x16384xi1>, vector<2x16384xi32>
    %convert_element_type3A = arith.sitofp %select_n3A : vector<2x16384xi32> to vector<2x16384xf32>
    %add3A_11 = arith.constant 5.000000e-01 : f32
    %add3A_12 = vector.broadcast %add3A_11 : f32 to vector<2x16384xf32>
    %add3A_13 = arith.addf %convert_element_type3A, %add3A_12 : vector<2x16384xf32>
    %mul3A_14 = arith.constant 7.9113926E-4 : f32
    %mul3A_15 = vector.broadcast %mul3A_14 : f32 to vector<2x16384xf32>
    %mul3A_16 = arith.mulf %add3A_13, %mul3A_15 : vector<2x16384xf32>
    %floor3A = math.floor %mul3A_16 : vector<2x16384xf32>
    %convert_element_type3A_17 = arith.fptosi %floor3A : vector<2x16384xf32> to vector<2x16384xi32>
    %mul3A_18 = arith.constant 1264 : i32
    %mul3A_19 = vector.broadcast %mul3A_18 : i32 to vector<2x16384xi32>
    %mul3A_20 = arith.muli %convert_element_type3A_17, %mul3A_19 : vector<2x16384xi32>
    %sub3A = arith.subi %select_n3A, %mul3A_20 : vector<2x16384xi32>
    %mul3A_21 = arith.constant 8 : i32
    %mul3A_22 = vector.broadcast %mul3A_21 : i32 to vector<2x16384xi32>
    %mul3A_23 = arith.muli %mul3A_22, %sub3A : vector<2x16384xi32>
    %add3A_24 = arith.addi %mul3A_23, %convert_element_type3A_17 : vector<2x16384xi32>
    %slice3A = vector.extract_strided_slice %add3A_24 {offsets = [0, 0], sizes = [1, 16384], strides = [1, 1]} : vector<2x16384xi32> to vector<1x16384xi32>
    %squeeze3A = vector.shape_cast %slice3A : vector<1x16384xi32> to vector<16384xi32>
    %reshape3A = vector.shape_cast %squeeze3A : vector<16384xi32> to vector<128x128xi32>
    %swap3A = arith.constant 0 : index
    %swap3A_25 = arith.constant 0 : index
    %swap3A_26 = vector.load %arg2[%swap3A, %swap3A_25] : memref<128x128xi32, #tpu.memory_space<vmem>>, vector<128x128xi32>
    tpu.vector_store %arg2[%swap3A, %swap3A_25], %reshape3A {strides = array<i32>} : memref<128x128xi32, #tpu.memory_space<vmem>>, vector<128x128xi32>,
    %slice3A_27 = vector.extract_strided_slice %add3A_24 {offsets = [1, 0], sizes = [1, 16384], strides = [1, 1]} : vector<2x16384xi32> to vector<1x16384xi32>
    %squeeze3A_28 = vector.shape_cast %slice3A_27 : vector<1x16384xi32> to vector<16384xi32>
    %reshape3A_29 = vector.shape_cast %squeeze3A_28 : vector<16384xi32> to vector<128x128xi32>
    %swap3A_30 = arith.constant 0 : index
    %swap3A_31 = arith.constant 0 : index
    %swap3A_32 = vector.load %arg3[%swap3A_30, %swap3A_31] : memref<128x128xi32, #tpu.memory_space<vmem>>, vector<128x128xi32>
    tpu.vector_store %arg3[%swap3A_30, %swap3A_31], %reshape3A_29 {strides = array<i32>} : memref<128x128xi32, #tpu.memory_space<vmem>>, vector<128x128xi32>,
    return
  }
  func.func @transform_0(%arg0: i32) -> (i32, i32) {
    %c0_i32 = arith.constant 0 : i32
    %c0_i32_0 = arith.constant 0 : i32
    return %c0_i32, %arg0 : i32, i32
  }
  func.func @transform_1(%arg0: i32) -> (i32, i32) {
    %c0_i32 = arith.constant 0 : i32
    %c0_i32_0 = arith.constant 0 : i32
    return %arg0, %c0_i32 : i32, i32
  }
  func.func @transform_2(%arg0: i32) -> (i32, i32) {
    %c0_i32 = arith.constant 0 : i32
    %c0_i32_0 = arith.constant 0 : i32
    return %arg0, %c0_i32 : i32, i32
  }
}

module attributes {stable_mosaic.version = 14 : i64} {
  func.func @body(%arg0: memref<10000x128xf32, #tpu.memory_space<vmem>>, %arg1: memref<128x16xf32, #tpu.memory_space<vmem>>, %arg2: memref<1264x128xf32, #tpu.memory_space<vmem>>) attributes {dimension_semantics = [], scalar_prefetch = 0 : i64, scratch_operands = 0 : i64, tpu.core_type = #tpu.core_type<tc>} {
    %get3A = arith.constant 0 : index
    %get3A_0 = arith.constant 0 : index
    %get3A_1 = vector.load %arg0[%get3A, %get3A_0] : memref<10000x128xf32, #tpu.memory_space<vmem>>, vector<10000x128xf32>
    %get3A_2 = arith.constant 0 : index
    %get3A_3 = arith.constant 0 : index
    %get3A_4 = vector.load %arg1[%get3A_2, %get3A_3] : memref<128x16xf32, #tpu.memory_space<vmem>>, vector<128x16xf32>
    %dot_general3A = arith.constant dense<0.000000e+00> : vector<10000x16xf32>
    %dot_general3A_5 = tpu.matmul %get3A_1, %get3A_4, %dot_general3A {dimension_numbers = #tpu.dot_dimension_numbers<[1], [0], [0], [1], [0, 0, 1, 1], [], []>, transpose_lhs_hint = false} : vector<10000x128xf32>, vector<128x16xf32>, vector<10000x16xf32> -> vector<10000x16xf32>
    %broadcast_in_dim3A = arith.constant 0.000000e+00 : f32
    %broadcast_in_dim3A_6 = vector.broadcast %broadcast_in_dim3A : f32 to vector<112x16xf32>
    %concatenate3A = tpu.concatenate %dot_general3A_5, %broadcast_in_dim3A_6 in 0 : vector<10000x16xf32>, vector<112x16xf32> -> vector<10112x16xf32>
    %slice3A = vector.extract_strided_slice %concatenate3A {offsets = [0, 0], sizes = [1264, 16], strides = [1, 1]} : vector<10112x16xf32> to vector<1264x16xf32>
    %slice3A_7 = vector.extract_strided_slice %concatenate3A {offsets = [1264, 0], sizes = [1264, 16], strides = [1, 1]} : vector<10112x16xf32> to vector<1264x16xf32>
    %slice3A_8 = vector.extract_strided_slice %concatenate3A {offsets = [2528, 0], sizes = [1264, 16], strides = [1, 1]} : vector<10112x16xf32> to vector<1264x16xf32>
    %slice3A_9 = vector.extract_strided_slice %concatenate3A {offsets = [3792, 0], sizes = [1264, 16], strides = [1, 1]} : vector<10112x16xf32> to vector<1264x16xf32>
    %slice3A_10 = vector.extract_strided_slice %concatenate3A {offsets = [5056, 0], sizes = [1264, 16], strides = [1, 1]} : vector<10112x16xf32> to vector<1264x16xf32>
    %slice3A_11 = vector.extract_strided_slice %concatenate3A {offsets = [6320, 0], sizes = [1264, 16], strides = [1, 1]} : vector<10112x16xf32> to vector<1264x16xf32>
    %slice3A_12 = vector.extract_strided_slice %concatenate3A {offsets = [7584, 0], sizes = [1264, 16], strides = [1, 1]} : vector<10112x16xf32> to vector<1264x16xf32>
    %slice3A_13 = vector.extract_strided_slice %concatenate3A {offsets = [8848, 0], sizes = [1264, 16], strides = [1, 1]} : vector<10112x16xf32> to vector<1264x16xf32>
    %concatenate3A_14 = tpu.concatenate %slice3A, %slice3A_7, %slice3A_8, %slice3A_9, %slice3A_10, %slice3A_11, %slice3A_12, %slice3A_13 in 1 : vector<1264x16xf32>, vector<1264x16xf32>, vector<1264x16xf32>, vector<1264x16xf32>, vector<1264x16xf32>, vector<1264x16xf32>, vector<1264x16xf32>, vector<1264x16xf32> -> vector<1264x128xf32>
    %swap3A = arith.constant 0 : index
    %swap3A_15 = arith.constant 0 : index
    %swap3A_16 = vector.load %arg2[%swap3A, %swap3A_15] : memref<1264x128xf32, #tpu.memory_space<vmem>>, vector<1264x128xf32>
    tpu.vector_store %arg2[%swap3A, %swap3A_15], %concatenate3A_14 {strides = array<i32>} : memref<1264x128xf32, #tpu.memory_space<vmem>>, vector<1264x128xf32>,
    return
  }
}

module attributes {stable_mosaic.version = 14 : i64} {
  func.func @body(%arg0: memref<1264x128xf32, #tpu.memory_space<vmem>>, %arg1: memref<2x1264x128xf32, #tpu.memory_space<vmem>>, %arg2: memref<1264x128xf32, #tpu.memory_space<vmem>>, %arg3: memref<1264x128xf32, #tpu.memory_space<vmem>>) attributes {dimension_semantics = [], scalar_prefetch = 0 : i64, scratch_operands = 0 : i64, tpu.core_type = #tpu.core_type<tc>} {
    %get3A = arith.constant 0 : index
    %get3A_0 = arith.constant 0 : index
    %get3A_1 = arith.constant 0 : index
    %get3A_2 = vector.load %arg1[%get3A, %get3A_0, %get3A_1] : memref<2x1264x128xf32, #tpu.memory_space<vmem>>, vector<1x1264x128xf32>
    %get3A_3 = vector.shape_cast %get3A_2 : vector<1x1264x128xf32> to vector<1264x128xf32>
    %get3A_4 = arith.constant 1 : index
    %get3A_5 = arith.constant 0 : index
    %get3A_6 = arith.constant 0 : index
    %get3A_7 = vector.load %arg1[%get3A_4, %get3A_5, %get3A_6] : memref<2x1264x128xf32, #tpu.memory_space<vmem>>, vector<1x1264x128xf32>
    %get3A_8 = vector.shape_cast %get3A_7 : vector<1x1264x128xf32> to vector<1264x128xf32>
    %add3A = arith.addf %get3A_3, %get3A_8 : vector<1264x128xf32>
    %iota3A = tpu.iota {dimensions = array<i32: 0>} : vector<128x128xi32>
    %iota3A_9 = tpu.iota {dimensions = array<i32: 1>} : vector<128x128xi32>
    %jit3A = arith.constant 16 : i32
    %div3A = vector.broadcast %jit3A : i32 to vector<128x128xi32>
    %div3A_10 = arith.divsi %iota3A_9, %div3A : vector<128x128xi32>
    %sign3A = arith.constant 0 : i32
    %sign3A_11 = vector.broadcast %sign3A : i32 to vector<128x128xi32>
    %sign3A_12 = arith.cmpi sgt, %iota3A_9, %sign3A_11 : vector<128x128xi32>
    %sign3A_13 = arith.extui %sign3A_12 : vector<128x128xi1> to vector<128x128xi32>
    %sign3A_14 = arith.constant 0 : i32
    %sign3A_15 = vector.broadcast %sign3A_14 : i32 to vector<128x128xi32>
    %sign3A_16 = arith.cmpi slt, %iota3A_9, %sign3A_15 : vector<128x128xi32>
    %sign3A_17 = arith.extui %sign3A_16 : vector<128x128xi1> to vector<128x128xi32>
    %sign3A_18 = arith.subi %sign3A_13, %sign3A_17 : vector<128x128xi32>
    %sign3A_19 = arith.constant 0 : i32
    %sign3A_20 = arith.cmpi sgt, %jit3A, %sign3A_19 : i32
    %sign3A_21 = arith.extui %sign3A_20 : i1 to i32
    %sign3A_22 = arith.constant 0 : i32
    %sign3A_23 = arith.cmpi slt, %jit3A, %sign3A_22 : i32
    %sign3A_24 = arith.extui %sign3A_23 : i1 to i32
    %sign3A_25 = arith.subi %sign3A_21, %sign3A_24 : i32
    %ne3A = vector.broadcast %sign3A_25 : i32 to vector<128x128xi32>
    %ne3A_26 = arith.cmpi ne, %sign3A_18, %ne3A : vector<128x128xi32>
    %rem3A = vector.broadcast %jit3A : i32 to vector<128x128xi32>
    %rem3A_27 = arith.remsi %iota3A_9, %rem3A : vector<128x128xi32>
    %ne3A_28 = arith.constant 0 : i32
    %ne3A_29 = vector.broadcast %ne3A_28 : i32 to vector<128x128xi32>
    %ne3A_30 = arith.cmpi ne, %rem3A_27, %ne3A_29 : vector<128x128xi32>
    %and3A = arith.andi %ne3A_26, %ne3A_30 : vector<128x128xi1>
    %sub3A = arith.constant 1 : i32
    %sub3A_31 = vector.broadcast %sub3A : i32 to vector<128x128xi32>
    %sub3A_32 = arith.subi %div3A_10, %sub3A_31 : vector<128x128xi32>
    %select_n3A = arith.select %and3A, %sub3A_32, %div3A_10 : vector<128x128xi1>, vector<128x128xi32>
    %mul3A = arith.constant 16 : i32
    %mul3A_33 = vector.broadcast %mul3A : i32 to vector<128x128xi32>
    %mul3A_34 = arith.muli %select_n3A, %mul3A_33 : vector<128x128xi32>
    %eq3A = arith.cmpi eq, %mul3A_34, %iota3A : vector<128x128xi32>
    %convert_element_type3A = arith.extui %eq3A : vector<128x128xi1> to vector<128x128xi32>
    %convert_element_type3A_35 = arith.sitofp %convert_element_type3A : vector<128x128xi32> to vector<128x128xf32>
    %dot_general3A = arith.constant dense<0.000000e+00> : vector<1264x128xf32>
    %dot_general3A_36 = tpu.matmul %add3A, %convert_element_type3A_35, %dot_general3A {dimension_numbers = #tpu.dot_dimension_numbers<[1], [0], [0], [1], [0, 0, 1, 1], [], []>, transpose_lhs_hint = false} : vector<1264x128xf32>, vector<128x128xf32>, vector<1264x128xf32> -> vector<1264x128xf32>
    %add3A_37 = arith.constant 1.000000e+00 : f32
    %add3A_38 = vector.broadcast %add3A_37 : f32 to vector<1264x128xf32>
    %add3A_39 = arith.addf %dot_general3A_36, %add3A_38 : vector<1264x128xf32>
    %rsqrt3A = math.rsqrt %add3A_39 : vector<1264x128xf32>
    %get3A_40 = arith.constant 0 : index
    %get3A_41 = arith.constant 0 : index
    %get3A_42 = vector.load %arg0[%get3A_40, %get3A_41] : memref<1264x128xf32, #tpu.memory_space<vmem>>, vector<1264x128xf32>
    %mul3A_43 = arith.mulf %get3A_42, %rsqrt3A : vector<1264x128xf32>
    %swap3A = arith.constant 0 : index
    %swap3A_44 = arith.constant 0 : index
    %swap3A_45 = vector.load %arg2[%swap3A, %swap3A_44] : memref<1264x128xf32, #tpu.memory_space<vmem>>, vector<1264x128xf32>
    tpu.vector_store %arg2[%swap3A, %swap3A_44], %mul3A_43 {strides = array<i32>} : memref<1264x128xf32, #tpu.memory_space<vmem>>, vector<1264x128xf32>,
    %swap3A_46 = arith.constant 0 : index
    %swap3A_47 = arith.constant 0 : index
    %swap3A_48 = vector.load %arg3[%swap3A_46, %swap3A_47] : memref<1264x128xf32, #tpu.memory_space<vmem>>, vector<1264x128xf32>
    tpu.vector_store %arg3[%swap3A_46, %swap3A_47], %rsqrt3A {strides = array<i32>} : memref<1264x128xf32, #tpu.memory_space<vmem>>, vector<1264x128xf32>,
    return
  }
}

module attributes {stable_mosaic.version = 14 : i64} {
  func.func @body(%arg0: memref<2x1264x128xf32, #tpu.memory_space<vmem>>, %arg1: memref<1264x128xf32, #tpu.memory_space<vmem>>, %arg2: memref<1264x128xf32, #tpu.memory_space<vmem>>, %arg3: memref<1x128xf32, #tpu.memory_space<vmem>>, %arg4: memref<1x128xf32, #tpu.memory_space<vmem>>, %arg5: memref<1x128xf32, #tpu.memory_space<vmem>>, %arg6: memref<128x128xf32, #tpu.memory_space<vmem>>, %arg7: memref<1x128xf32, #tpu.memory_space<vmem>>, %arg8: memref<1264x128xf32, #tpu.memory_space<vmem>>) attributes {dimension_semantics = [], scalar_prefetch = 0 : i64, scratch_operands = 0 : i64, tpu.core_type = #tpu.core_type<tc>} {
    %iota3A = tpu.iota {dimensions = array<i32: 0>} : vector<1264x128xi32>
    %iota3A_0 = tpu.iota {dimensions = array<i32: 1>} : vector<1264x128xi32>
    %jit3A = arith.constant 16 : i32
    %div3A = vector.broadcast %jit3A : i32 to vector<1264x128xi32>
    %div3A_1 = arith.divsi %iota3A_0, %div3A : vector<1264x128xi32>
    %sign3A = arith.constant 0 : i32
    %sign3A_2 = vector.broadcast %sign3A : i32 to vector<1264x128xi32>
    %sign3A_3 = arith.cmpi sgt, %iota3A_0, %sign3A_2 : vector<1264x128xi32>
    %sign3A_4 = arith.extui %sign3A_3 : vector<1264x128xi1> to vector<1264x128xi32>
    %sign3A_5 = arith.constant 0 : i32
    %sign3A_6 = vector.broadcast %sign3A_5 : i32 to vector<1264x128xi32>
    %sign3A_7 = arith.cmpi slt, %iota3A_0, %sign3A_6 : vector<1264x128xi32>
    %sign3A_8 = arith.extui %sign3A_7 : vector<1264x128xi1> to vector<1264x128xi32>
    %sign3A_9 = arith.subi %sign3A_4, %sign3A_8 : vector<1264x128xi32>
    %sign3A_10 = arith.constant 0 : i32
    %sign3A_11 = arith.cmpi sgt, %jit3A, %sign3A_10 : i32
    %sign3A_12 = arith.extui %sign3A_11 : i1 to i32
    %sign3A_13 = arith.constant 0 : i32
    %sign3A_14 = arith.cmpi slt, %jit3A, %sign3A_13 : i32
    %sign3A_15 = arith.extui %sign3A_14 : i1 to i32
    %sign3A_16 = arith.subi %sign3A_12, %sign3A_15 : i32
    %ne3A = vector.broadcast %sign3A_16 : i32 to vector<1264x128xi32>
    %ne3A_17 = arith.cmpi ne, %sign3A_9, %ne3A : vector<1264x128xi32>
    %rem3A = vector.broadcast %jit3A : i32 to vector<1264x128xi32>
    %rem3A_18 = arith.remsi %iota3A_0, %rem3A : vector<1264x128xi32>
    %ne3A_19 = arith.constant 0 : i32
    %ne3A_20 = vector.broadcast %ne3A_19 : i32 to vector<1264x128xi32>
    %ne3A_21 = arith.cmpi ne, %rem3A_18, %ne3A_20 : vector<1264x128xi32>
    %and3A = arith.andi %ne3A_17, %ne3A_21 : vector<1264x128xi1>
    %sub3A = arith.constant 1 : i32
    %sub3A_22 = vector.broadcast %sub3A : i32 to vector<1264x128xi32>
    %sub3A_23 = arith.subi %div3A_1, %sub3A_22 : vector<1264x128xi32>
    %select_n3A = arith.select %and3A, %sub3A_23, %div3A_1 : vector<1264x128xi1>, vector<1264x128xi32>
    %mul3A = arith.constant 1264 : i32
    %mul3A_24 = vector.broadcast %mul3A : i32 to vector<1264x128xi32>
    %mul3A_25 = arith.muli %select_n3A, %mul3A_24 : vector<1264x128xi32>
    %add3A = arith.addi %mul3A_25, %iota3A : vector<1264x128xi32>
    %lt3A = arith.constant 10000 : i32
    %lt3A_26 = vector.broadcast %lt3A : i32 to vector<1264x128xi32>
    %lt3A_27 = arith.cmpi slt, %add3A, %lt3A_26 : vector<1264x128xi32>
    %convert_element_type3A = arith.extui %lt3A_27 : vector<1264x128xi1> to vector<1264x128xi32>
    %convert_element_type3A_28 = arith.sitofp %convert_element_type3A : vector<1264x128xi32> to vector<1264x128xf32>
    %get3A = arith.constant 0 : index
    %get3A_29 = arith.constant 0 : index
    %get3A_30 = vector.load %arg2[%get3A, %get3A_29] : memref<1264x128xf32, #tpu.memory_space<vmem>>, vector<1264x128xf32>
    %get3A_31 = arith.constant 0 : index
    %get3A_32 = arith.constant 0 : index
    %get3A_33 = arith.constant 0 : index
    %get3A_34 = vector.load %arg0[%get3A_31, %get3A_32, %get3A_33] : memref<2x1264x128xf32, #tpu.memory_space<vmem>>, vector<1x1264x128xf32>
    %get3A_35 = vector.shape_cast %get3A_34 : vector<1x1264x128xf32> to vector<1264x128xf32>
    %get3A_36 = arith.constant 1 : index
    %get3A_37 = arith.constant 0 : index
    %get3A_38 = arith.constant 0 : index
    %get3A_39 = vector.load %arg0[%get3A_36, %get3A_37, %get3A_38] : memref<2x1264x128xf32, #tpu.memory_space<vmem>>, vector<1x1264x128xf32>
    %get3A_40 = vector.shape_cast %get3A_39 : vector<1x1264x128xf32> to vector<1264x128xf32>
    %add3A_41 = arith.addf %get3A_35, %get3A_40 : vector<1264x128xf32>
    %get3A_42 = arith.constant 0 : index
    %get3A_43 = arith.constant 0 : index
    %get3A_44 = vector.load %arg1[%get3A_42, %get3A_43] : memref<1264x128xf32, #tpu.memory_space<vmem>>, vector<1264x128xf32>
    %add3A_45 = arith.addf %add3A_41, %get3A_44 : vector<1264x128xf32>
    %mul3A_46 = arith.mulf %add3A_45, %get3A_30 : vector<1264x128xf32>
    %get3A_47 = arith.constant 0 : index
    %get3A_48 = arith.constant 0 : index
    %get3A_49 = vector.load %arg3[%get3A_47, %get3A_48] : memref<1x128xf32, #tpu.memory_space<vmem>>, vector<1x128xf32>
    %add3A_50 = vector.broadcast %get3A_49 : vector<1x128xf32> to vector<1264x128xf32>
    %add3A_51 = arith.addf %mul3A_46, %add3A_50 : vector<1264x128xf32>
    %max3A = arith.constant 0.000000e+00 : f32
    %max3A_52 = vector.broadcast %max3A : f32 to vector<1264x128xf32>
    %max3A_53 = arith.maximumf %add3A_51, %max3A_52 : vector<1264x128xf32>
    %mul3A_54 = arith.mulf %max3A_53, %convert_element_type3A_28 : vector<1264x128xf32>
    %reduce_sum3A = arith.constant dense<0.000000e+00> : vector<128xf32>
    %reduce_sum3A_55 = vector.multi_reduction <add>, %mul3A_54, %reduce_sum3A [0] : vector<1264x128xf32> to vector<128xf32>
    %broadcast_in_dim3A = vector.shape_cast %reduce_sum3A_55 : vector<128xf32> to vector<1x128xf32>
    %iota3A_56 = tpu.iota {dimensions = array<i32: 0>} : vector<128x16xi32>
    %iota3A_57 = tpu.iota {dimensions = array<i32: 1>} : vector<128x16xi32>
    %jit3A_58 = arith.constant 16 : i32
    %eq3A = arith.constant 0 : i32
    %eq3A_59 = arith.cmpi eq, %jit3A_58, %eq3A : i32
    %jit3A_60 = arith.constant 1 : i32
    %select_n3A_61 = arith.select %eq3A_59, %jit3A_60, %jit3A_58 : i32
    %rem3A_62 = vector.broadcast %select_n3A_61 : i32 to vector<128x16xi32>
    %rem3A_63 = arith.remsi %iota3A_56, %rem3A_62 : vector<128x16xi32>
    %ne3A_64 = arith.constant 0 : i32
    %ne3A_65 = vector.broadcast %ne3A_64 : i32 to vector<128x16xi32>
    %ne3A_66 = arith.cmpi ne, %rem3A_63, %ne3A_65 : vector<128x16xi32>
    %lt3A_67 = arith.constant 0 : i32
    %lt3A_68 = vector.broadcast %lt3A_67 : i32 to vector<128x16xi32>
    %lt3A_69 = arith.cmpi slt, %rem3A_63, %lt3A_68 : vector<128x16xi32>
    %lt3A_70 = arith.constant 0 : i32
    %lt3A_71 = arith.cmpi slt, %select_n3A_61, %lt3A_70 : i32
    %ne3A_72 = vector.broadcast %lt3A_71 : i1 to vector<128x16xi1>
    %ne3A_73 = vector.broadcast %ne3A_72 : vector<128x16xi1> to vector<128x16xi1>
    %ne3A_74 = arith.xori %lt3A_69, %ne3A_73 : vector<128x16xi1>
    %and3A_75 = arith.andi %ne3A_74, %ne3A_66 : vector<128x16xi1>
    %add3A_76 = vector.broadcast %select_n3A_61 : i32 to vector<128x16xi32>
    %add3A_77 = arith.addi %rem3A_63, %add3A_76 : vector<128x16xi32>
    %select_n3A_78 = arith.select %and3A_75, %add3A_77, %rem3A_63 : vector<128x16xi1>, vector<128x16xi32>
    %eq3A_79 = arith.cmpi eq, %select_n3A_78, %iota3A_57 : vector<128x16xi32>
    %convert_element_type3A_80 = arith.extui %eq3A_79 : vector<128x16xi1> to vector<128x16xi32>
    %convert_element_type3A_81 = arith.sitofp %convert_element_type3A_80 : vector<128x16xi32> to vector<128x16xf32>
    %dot_general3A = arith.constant dense<0.000000e+00> : vector<1x16xf32>
    %dot_general3A_82 = tpu.matmul %broadcast_in_dim3A, %convert_element_type3A_81, %dot_general3A {dimension_numbers = #tpu.dot_dimension_numbers<[1], [0], [0], [1], [0, 0, 1, 1], [], []>, transpose_lhs_hint = false} : vector<1x128xf32>, vector<128x16xf32>, vector<1x16xf32> -> vector<1x16xf32>
    %mul3A_83 = arith.constant 9.99999974E-5 : f32
    %mul3A_84 = vector.broadcast %mul3A_83 : f32 to vector<1x16xf32>
    %mul3A_85 = arith.mulf %dot_general3A_82, %mul3A_84 : vector<1x16xf32>
    %iota3A_86 = tpu.iota {dimensions = array<i32: 0>} : vector<16x128xi32>
    %iota3A_87 = tpu.iota {dimensions = array<i32: 1>} : vector<16x128xi32>
    %jit3A_88 = arith.constant 16 : i32
    %eq3A_89 = arith.constant 0 : i32
    %eq3A_90 = arith.cmpi eq, %jit3A_88, %eq3A_89 : i32
    %jit3A_91 = arith.constant 1 : i32
    %select_n3A_92 = arith.select %eq3A_90, %jit3A_91, %jit3A_88 : i32
    %rem3A_93 = vector.broadcast %select_n3A_92 : i32 to vector<16x128xi32>
    %rem3A_94 = arith.remsi %iota3A_87, %rem3A_93 : vector<16x128xi32>
    %ne3A_95 = arith.constant 0 : i32
    %ne3A_96 = vector.broadcast %ne3A_95 : i32 to vector<16x128xi32>
    %ne3A_97 = arith.cmpi ne, %rem3A_94, %ne3A_96 : vector<16x128xi32>
    %lt3A_98 = arith.constant 0 : i32
    %lt3A_99 = vector.broadcast %lt3A_98 : i32 to vector<16x128xi32>
    %lt3A_100 = arith.cmpi slt, %rem3A_94, %lt3A_99 : vector<16x128xi32>
    %lt3A_101 = arith.constant 0 : i32
    %lt3A_102 = arith.cmpi slt, %select_n3A_92, %lt3A_101 : i32
    %ne3A_103 = vector.broadcast %lt3A_102 : i1 to vector<16x128xi1>
    %ne3A_104 = vector.broadcast %ne3A_103 : vector<16x128xi1> to vector<16x128xi1>
    %ne3A_105 = arith.xori %lt3A_100, %ne3A_104 : vector<16x128xi1>
    %and3A_106 = arith.andi %ne3A_105, %ne3A_97 : vector<16x128xi1>
    %add3A_107 = vector.broadcast %select_n3A_92 : i32 to vector<16x128xi32>
    %add3A_108 = arith.addi %rem3A_94, %add3A_107 : vector<16x128xi32>
    %select_n3A_109 = arith.select %and3A_106, %add3A_108, %rem3A_94 : vector<16x128xi1>, vector<16x128xi32>
    %eq3A_110 = arith.cmpi eq, %select_n3A_109, %iota3A_86 : vector<16x128xi32>
    %convert_element_type3A_111 = arith.extui %eq3A_110 : vector<16x128xi1> to vector<16x128xi32>
    %convert_element_type3A_112 = arith.sitofp %convert_element_type3A_111 : vector<16x128xi32> to vector<16x128xf32>
    %dot_general3A_113 = arith.constant dense<0.000000e+00> : vector<1x128xf32>
    %dot_general3A_114 = tpu.matmul %mul3A_85, %convert_element_type3A_112, %dot_general3A_113 {dimension_numbers = #tpu.dot_dimension_numbers<[1], [0], [0], [1], [0, 0, 1, 1], [], []>, transpose_lhs_hint = false} : vector<1x16xf32>, vector<16x128xf32>, vector<1x128xf32> -> vector<1x128xf32>
    %sub3A_115 = vector.broadcast %dot_general3A_114 : vector<1x128xf32> to vector<1264x128xf32>
    %sub3A_116 = arith.subf %mul3A_54, %sub3A_115 : vector<1264x128xf32>
    %mul3A_117 = arith.mulf %sub3A_116, %convert_element_type3A_28 : vector<1264x128xf32>
    %mul3A_118 = arith.mulf %mul3A_117, %mul3A_117 : vector<1264x128xf32>
    %reduce_sum3A_119 = arith.constant dense<0.000000e+00> : vector<128xf32>
    %reduce_sum3A_120 = vector.multi_reduction <add>, %mul3A_118, %reduce_sum3A_119 [0] : vector<1264x128xf32> to vector<128xf32>
    %broadcast_in_dim3A_121 = vector.shape_cast %reduce_sum3A_120 : vector<128xf32> to vector<1x128xf32>
    %iota3A_122 = tpu.iota {dimensions = array<i32: 0>} : vector<128x16xi32>
    %iota3A_123 = tpu.iota {dimensions = array<i32: 1>} : vector<128x16xi32>
    %jit3A_124 = arith.constant 16 : i32
    %eq3A_125 = arith.constant 0 : i32
    %eq3A_126 = arith.cmpi eq, %jit3A_124, %eq3A_125 : i32
    %jit3A_127 = arith.constant 1 : i32
    %select_n3A_128 = arith.select %eq3A_126, %jit3A_127, %jit3A_124 : i32
    %rem3A_129 = vector.broadcast %select_n3A_128 : i32 to vector<128x16xi32>
    %rem3A_130 = arith.remsi %iota3A_122, %rem3A_129 : vector<128x16xi32>
    %ne3A_131 = arith.constant 0 : i32
    %ne3A_132 = vector.broadcast %ne3A_131 : i32 to vector<128x16xi32>
    %ne3A_133 = arith.cmpi ne, %rem3A_130, %ne3A_132 : vector<128x16xi32>
    %lt3A_134 = arith.constant 0 : i32
    %lt3A_135 = vector.broadcast %lt3A_134 : i32 to vector<128x16xi32>
    %lt3A_136 = arith.cmpi slt, %rem3A_130, %lt3A_135 : vector<128x16xi32>
    %lt3A_137 = arith.constant 0 : i32
    %lt3A_138 = arith.cmpi slt, %select_n3A_128, %lt3A_137 : i32
    %ne3A_139 = vector.broadcast %lt3A_138 : i1 to vector<128x16xi1>
    %ne3A_140 = vector.broadcast %ne3A_139 : vector<128x16xi1> to vector<128x16xi1>
    %ne3A_141 = arith.xori %lt3A_136, %ne3A_140 : vector<128x16xi1>
    %and3A_142 = arith.andi %ne3A_141, %ne3A_133 : vector<128x16xi1>
    %add3A_143 = vector.broadcast %select_n3A_128 : i32 to vector<128x16xi32>
    %add3A_144 = arith.addi %rem3A_130, %add3A_143 : vector<128x16xi32>
    %select_n3A_145 = arith.select %and3A_142, %add3A_144, %rem3A_130 : vector<128x16xi1>, vector<128x16xi32>
    %eq3A_146 = arith.cmpi eq, %select_n3A_145, %iota3A_123 : vector<128x16xi32>
    %convert_element_type3A_147 = arith.extui %eq3A_146 : vector<128x16xi1> to vector<128x16xi32>
    %convert_element_type3A_148 = arith.sitofp %convert_element_type3A_147 : vector<128x16xi32> to vector<128x16xf32>
    %dot_general3A_149 = arith.constant dense<0.000000e+00> : vector<1x16xf32>
    %dot_general3A_150 = tpu.matmul %broadcast_in_dim3A_121, %convert_element_type3A_148, %dot_general3A_149 {dimension_numbers = #tpu.dot_dimension_numbers<[1], [0], [0], [1], [0, 0, 1, 1], [], []>, transpose_lhs_hint = false} : vector<1x128xf32>, vector<128x16xf32>, vector<1x16xf32> -> vector<1x16xf32>
    %mul3A_151 = arith.constant 9.99999974E-5 : f32
    %mul3A_152 = vector.broadcast %mul3A_151 : f32 to vector<1x16xf32>
    %mul3A_153 = arith.mulf %dot_general3A_150, %mul3A_152 : vector<1x16xf32>
    %iota3A_154 = tpu.iota {dimensions = array<i32: 0>} : vector<16x128xi32>
    %iota3A_155 = tpu.iota {dimensions = array<i32: 1>} : vector<16x128xi32>
    %jit3A_156 = arith.constant 16 : i32
    %eq3A_157 = arith.constant 0 : i32
    %eq3A_158 = arith.cmpi eq, %jit3A_156, %eq3A_157 : i32
    %jit3A_159 = arith.constant 1 : i32
    %select_n3A_160 = arith.select %eq3A_158, %jit3A_159, %jit3A_156 : i32
    %rem3A_161 = vector.broadcast %select_n3A_160 : i32 to vector<16x128xi32>
    %rem3A_162 = arith.remsi %iota3A_155, %rem3A_161 : vector<16x128xi32>
    %ne3A_163 = arith.constant 0 : i32
    %ne3A_164 = vector.broadcast %ne3A_163 : i32 to vector<16x128xi32>
    %ne3A_165 = arith.cmpi ne, %rem3A_162, %ne3A_164 : vector<16x128xi32>
    %lt3A_166 = arith.constant 0 : i32
    %lt3A_167 = vector.broadcast %lt3A_166 : i32 to vector<16x128xi32>
    %lt3A_168 = arith.cmpi slt, %rem3A_162, %lt3A_167 : vector<16x128xi32>
    %lt3A_169 = arith.constant 0 : i32
    %lt3A_170 = arith.cmpi slt, %select_n3A_160, %lt3A_169 : i32
    %ne3A_171 = vector.broadcast %lt3A_170 : i1 to vector<16x128xi1>
    %ne3A_172 = vector.broadcast %ne3A_171 : vector<16x128xi1> to vector<16x128xi1>
    %ne3A_173 = arith.xori %lt3A_168, %ne3A_172 : vector<16x128xi1>
    %and3A_174 = arith.andi %ne3A_173, %ne3A_165 : vector<16x128xi1>
    %add3A_175 = vector.broadcast %select_n3A_160 : i32 to vector<16x128xi32>
    %add3A_176 = arith.addi %rem3A_162, %add3A_175 : vector<16x128xi32>
    %select_n3A_177 = arith.select %and3A_174, %add3A_176, %rem3A_162 : vector<16x128xi1>, vector<16x128xi32>
    %eq3A_178 = arith.cmpi eq, %select_n3A_177, %iota3A_154 : vector<16x128xi32>
    %convert_element_type3A_179 = arith.extui %eq3A_178 : vector<16x128xi1> to vector<16x128xi32>
    %convert_element_type3A_180 = arith.sitofp %convert_element_type3A_179 : vector<16x128xi32> to vector<16x128xf32>
    %dot_general3A_181 = arith.constant dense<0.000000e+00> : vector<1x128xf32>
    %dot_general3A_182 = tpu.matmul %mul3A_153, %convert_element_type3A_180, %dot_general3A_181 {dimension_numbers = #tpu.dot_dimension_numbers<[1], [0], [0], [1], [0, 0, 1, 1], [], []>, transpose_lhs_hint = false} : vector<1x16xf32>, vector<16x128xf32>, vector<1x128xf32> -> vector<1x128xf32>
    %add3A_183 = arith.constant 9.99999974E-6 : f32
    %add3A_184 = vector.broadcast %add3A_183 : f32 to vector<1x128xf32>
    %add3A_185 = arith.addf %dot_general3A_182, %add3A_184 : vector<1x128xf32>
    %rsqrt3A = math.rsqrt %add3A_185 : vector<1x128xf32>
    %mul3A_186 = vector.broadcast %rsqrt3A : vector<1x128xf32> to vector<1264x128xf32>
    %mul3A_187 = arith.mulf %mul3A_117, %mul3A_186 : vector<1264x128xf32>
    %get3A_188 = arith.constant 0 : index
    %get3A_189 = arith.constant 0 : index
    %get3A_190 = vector.load %arg4[%get3A_188, %get3A_189] : memref<1x128xf32, #tpu.memory_space<vmem>>, vector<1x128xf32>
    %mul3A_191 = vector.broadcast %get3A_190 : vector<1x128xf32> to vector<1264x128xf32>
    %mul3A_192 = arith.mulf %mul3A_187, %mul3A_191 : vector<1264x128xf32>
    %get3A_193 = arith.constant 0 : index
    %get3A_194 = arith.constant 0 : index
    %get3A_195 = vector.load %arg5[%get3A_193, %get3A_194] : memref<1x128xf32, #tpu.memory_space<vmem>>, vector<1x128xf32>
    %add3A_196 = vector.broadcast %get3A_195 : vector<1x128xf32> to vector<1264x128xf32>
    %add3A_197 = arith.addf %mul3A_192, %add3A_196 : vector<1264x128xf32>
    %get3A_198 = arith.constant 0 : index
    %get3A_199 = arith.constant 0 : index
    %get3A_200 = vector.load %arg6[%get3A_198, %get3A_199] : memref<128x128xf32, #tpu.memory_space<vmem>>, vector<128x128xf32>
    %get3A_201 = arith.constant 0 : index
    %get3A_202 = arith.constant 0 : index
    %get3A_203 = vector.load %arg7[%get3A_201, %get3A_202] : memref<1x128xf32, #tpu.memory_space<vmem>>, vector<1x128xf32>
    %dot_general3A_204 = arith.constant dense<0.000000e+00> : vector<1264x128xf32>
    %dot_general3A_205 = tpu.matmul %add3A_197, %get3A_200, %dot_general3A_204 {dimension_numbers = #tpu.dot_dimension_numbers<[1], [0], [0], [1], [0, 0, 1, 1], [], []>, transpose_lhs_hint = false} : vector<1264x128xf32>, vector<128x128xf32>, vector<1264x128xf32> -> vector<1264x128xf32>
    %add3A_206 = vector.broadcast %get3A_203 : vector<1x128xf32> to vector<1264x128xf32>
    %add3A_207 = arith.addf %dot_general3A_205, %add3A_206 : vector<1264x128xf32>
    %max3A_208 = arith.constant 0.000000e+00 : f32
    %max3A_209 = vector.broadcast %max3A_208 : f32 to vector<1264x128xf32>
    %max3A_210 = arith.maximumf %add3A_207, %max3A_209 : vector<1264x128xf32>
    %mul3A_211 = arith.constant 1.000000e-01 : f32
    %mul3A_212 = vector.broadcast %mul3A_211 : f32 to vector<1264x128xf32>
    %mul3A_213 = arith.mulf %mul3A_212, %max3A_210 : vector<1264x128xf32>
    %mul3A_214 = arith.constant 0.899999976 : f32
    %mul3A_215 = vector.broadcast %mul3A_214 : f32 to vector<1264x128xf32>
    %mul3A_216 = arith.mulf %mul3A_215, %add3A_197 : vector<1264x128xf32>
    %add3A_217 = arith.addf %mul3A_213, %mul3A_216 : vector<1264x128xf32>
    %dot_general3A_218 = arith.constant dense<0.000000e+00> : vector<1264x128xf32>
    %dot_general3A_219 = tpu.matmul %add3A_217, %get3A_200, %dot_general3A_218 {dimension_numbers = #tpu.dot_dimension_numbers<[1], [0], [0], [1], [0, 0, 1, 1], [], []>, transpose_lhs_hint = false} : vector<1264x128xf32>, vector<128x128xf32>, vector<1264x128xf32> -> vector<1264x128xf32>
    %add3A_220 = vector.broadcast %get3A_203 : vector<1x128xf32> to vector<1264x128xf32>
    %add3A_221 = arith.addf %dot_general3A_219, %add3A_220 : vector<1264x128xf32>
    %max3A_222 = arith.constant 0.000000e+00 : f32
    %max3A_223 = vector.broadcast %max3A_222 : f32 to vector<1264x128xf32>
    %max3A_224 = arith.maximumf %add3A_221, %max3A_223 : vector<1264x128xf32>
    %mul3A_225 = arith.constant 1.000000e-01 : f32
    %mul3A_226 = vector.broadcast %mul3A_225 : f32 to vector<1264x128xf32>
    %mul3A_227 = arith.mulf %mul3A_226, %max3A_224 : vector<1264x128xf32>
    %mul3A_228 = arith.constant 0.899999976 : f32
    %mul3A_229 = vector.broadcast %mul3A_228 : f32 to vector<1264x128xf32>
    %mul3A_230 = arith.mulf %mul3A_229, %add3A_217 : vector<1264x128xf32>
    %add3A_231 = arith.addf %mul3A_227, %mul3A_230 : vector<1264x128xf32>
    %dot_general3A_232 = arith.constant dense<0.000000e+00> : vector<1264x128xf32>
    %dot_general3A_233 = tpu.matmul %add3A_231, %get3A_200, %dot_general3A_232 {dimension_numbers = #tpu.dot_dimension_numbers<[1], [0], [0], [1], [0, 0, 1, 1], [], []>, transpose_lhs_hint = false} : vector<1264x128xf32>, vector<128x128xf32>, vector<1264x128xf32> -> vector<1264x128xf32>
    %add3A_234 = vector.broadcast %get3A_203 : vector<1x128xf32> to vector<1264x128xf32>
    %add3A_235 = arith.addf %dot_general3A_233, %add3A_234 : vector<1264x128xf32>
    %max3A_236 = arith.constant 0.000000e+00 : f32
    %max3A_237 = vector.broadcast %max3A_236 : f32 to vector<1264x128xf32>
    %max3A_238 = arith.maximumf %add3A_235, %max3A_237 : vector<1264x128xf32>
    %mul3A_239 = arith.constant 1.000000e-01 : f32
    %mul3A_240 = vector.broadcast %mul3A_239 : f32 to vector<1264x128xf32>
    %mul3A_241 = arith.mulf %mul3A_240, %max3A_238 : vector<1264x128xf32>
    %mul3A_242 = arith.constant 0.899999976 : f32
    %mul3A_243 = vector.broadcast %mul3A_242 : f32 to vector<1264x128xf32>
    %mul3A_244 = arith.mulf %mul3A_243, %add3A_231 : vector<1264x128xf32>
    %add3A_245 = arith.addf %mul3A_241, %mul3A_244 : vector<1264x128xf32>
    %dot_general3A_246 = arith.constant dense<0.000000e+00> : vector<1264x128xf32>
    %dot_general3A_247 = tpu.matmul %add3A_245, %get3A_200, %dot_general3A_246 {dimension_numbers = #tpu.dot_dimension_numbers<[1], [0], [0], [1], [0, 0, 1, 1], [], []>, transpose_lhs_hint = false} : vector<1264x128xf32>, vector<128x128xf32>, vector<1264x128xf32> -> vector<1264x128xf32>
    %add3A_248 = vector.broadcast %get3A_203 : vector<1x128xf32> to vector<1264x128xf32>
    %add3A_249 = arith.addf %dot_general3A_247, %add3A_248 : vector<1264x128xf32>
    %max3A_250 = arith.constant 0.000000e+00 : f32
    %max3A_251 = vector.broadcast %max3A_250 : f32 to vector<1264x128xf32>
    %max3A_252 = arith.maximumf %add3A_249, %max3A_251 : vector<1264x128xf32>
    %mul3A_253 = arith.constant 1.000000e-01 : f32
    %mul3A_254 = vector.broadcast %mul3A_253 : f32 to vector<1264x128xf32>
    %mul3A_255 = arith.mulf %mul3A_254, %max3A_252 : vector<1264x128xf32>
    %mul3A_256 = arith.constant 0.899999976 : f32
    %mul3A_257 = vector.broadcast %mul3A_256 : f32 to vector<1264x128xf32>
    %mul3A_258 = arith.mulf %mul3A_257, %add3A_245 : vector<1264x128xf32>
    %add3A_259 = arith.addf %mul3A_255, %mul3A_258 : vector<1264x128xf32>
    %dot_general3A_260 = arith.constant dense<0.000000e+00> : vector<1264x128xf32>
    %dot_general3A_261 = tpu.matmul %add3A_259, %get3A_200, %dot_general3A_260 {dimension_numbers = #tpu.dot_dimension_numbers<[1], [0], [0], [1], [0, 0, 1, 1], [], []>, transpose_lhs_hint = false} : vector<1264x128xf32>, vector<128x128xf32>, vector<1264x128xf32> -> vector<1264x128xf32>
    %add3A_262 = vector.broadcast %get3A_203 : vector<1x128xf32> to vector<1264x128xf32>
    %add3A_263 = arith.addf %dot_general3A_261, %add3A_262 : vector<1264x128xf32>
    %max3A_264 = arith.constant 0.000000e+00 : f32
    %max3A_265 = vector.broadcast %max3A_264 : f32 to vector<1264x128xf32>
    %max3A_266 = arith.maximumf %add3A_263, %max3A_265 : vector<1264x128xf32>
    %mul3A_267 = arith.constant 1.000000e-01 : f32
    %mul3A_268 = vector.broadcast %mul3A_267 : f32 to vector<1264x128xf32>
    %mul3A_269 = arith.mulf %mul3A_268, %max3A_266 : vector<1264x128xf32>
    %mul3A_270 = arith.constant 0.899999976 : f32
    %mul3A_271 = vector.broadcast %mul3A_270 : f32 to vector<1264x128xf32>
    %mul3A_272 = arith.mulf %mul3A_271, %add3A_259 : vector<1264x128xf32>
    %add3A_273 = arith.addf %mul3A_269, %mul3A_272 : vector<1264x128xf32>
    %dot_general3A_274 = arith.constant dense<0.000000e+00> : vector<1264x128xf32>
    %dot_general3A_275 = tpu.matmul %add3A_273, %get3A_200, %dot_general3A_274 {dimension_numbers = #tpu.dot_dimension_numbers<[1], [0], [0], [1], [0, 0, 1, 1], [], []>, transpose_lhs_hint = false} : vector<1264x128xf32>, vector<128x128xf32>, vector<1264x128xf32> -> vector<1264x128xf32>
    %add3A_276 = vector.broadcast %get3A_203 : vector<1x128xf32> to vector<1264x128xf32>
    %add3A_277 = arith.addf %dot_general3A_275, %add3A_276 : vector<1264x128xf32>
    %max3A_278 = arith.constant 0.000000e+00 : f32
    %max3A_279 = vector.broadcast %max3A_278 : f32 to vector<1264x128xf32>
    %max3A_280 = arith.maximumf %add3A_277, %max3A_279 : vector<1264x128xf32>
    %mul3A_281 = arith.constant 1.000000e-01 : f32
    %mul3A_282 = vector.broadcast %mul3A_281 : f32 to vector<1264x128xf32>
    %mul3A_283 = arith.mulf %mul3A_282, %max3A_280 : vector<1264x128xf32>
    %mul3A_284 = arith.constant 0.899999976 : f32
    %mul3A_285 = vector.broadcast %mul3A_284 : f32 to vector<1264x128xf32>
    %mul3A_286 = arith.mulf %mul3A_285, %add3A_273 : vector<1264x128xf32>
    %add3A_287 = arith.addf %mul3A_283, %mul3A_286 : vector<1264x128xf32>
    %dot_general3A_288 = arith.constant dense<0.000000e+00> : vector<1264x128xf32>
    %dot_general3A_289 = tpu.matmul %add3A_287, %get3A_200, %dot_general3A_288 {dimension_numbers = #tpu.dot_dimension_numbers<[1], [0], [0], [1], [0, 0, 1, 1], [], []>, transpose_lhs_hint = false} : vector<1264x128xf32>, vector<128x128xf32>, vector<1264x128xf32> -> vector<1264x128xf32>
    %add3A_290 = vector.broadcast %get3A_203 : vector<1x128xf32> to vector<1264x128xf32>
    %add3A_291 = arith.addf %dot_general3A_289, %add3A_290 : vector<1264x128xf32>
    %max3A_292 = arith.constant 0.000000e+00 : f32
    %max3A_293 = vector.broadcast %max3A_292 : f32 to vector<1264x128xf32>
    %max3A_294 = arith.maximumf %add3A_291, %max3A_293 : vector<1264x128xf32>
    %mul3A_295 = arith.constant 1.000000e-01 : f32
    %mul3A_296 = vector.broadcast %mul3A_295 : f32 to vector<1264x128xf32>
    %mul3A_297 = arith.mulf %mul3A_296, %max3A_294 : vector<1264x128xf32>
    %mul3A_298 = arith.constant 0.899999976 : f32
    %mul3A_299 = vector.broadcast %mul3A_298 : f32 to vector<1264x128xf32>
    %mul3A_300 = arith.mulf %mul3A_299, %add3A_287 : vector<1264x128xf32>
    %add3A_301 = arith.addf %mul3A_297, %mul3A_300 : vector<1264x128xf32>
    %dot_general3A_302 = arith.constant dense<0.000000e+00> : vector<1264x128xf32>
    %dot_general3A_303 = tpu.matmul %add3A_301, %get3A_200, %dot_general3A_302 {dimension_numbers = #tpu.dot_dimension_numbers<[1], [0], [0], [1], [0, 0, 1, 1], [], []>, transpose_lhs_hint = false} : vector<1264x128xf32>, vector<128x128xf32>, vector<1264x128xf32> -> vector<1264x128xf32>
    %add3A_304 = vector.broadcast %get3A_203 : vector<1x128xf32> to vector<1264x128xf32>
    %add3A_305 = arith.addf %dot_general3A_303, %add3A_304 : vector<1264x128xf32>
    %max3A_306 = arith.constant 0.000000e+00 : f32
    %max3A_307 = vector.broadcast %max3A_306 : f32 to vector<1264x128xf32>
    %max3A_308 = arith.maximumf %add3A_305, %max3A_307 : vector<1264x128xf32>
    %mul3A_309 = arith.constant 1.000000e-01 : f32
    %mul3A_310 = vector.broadcast %mul3A_309 : f32 to vector<1264x128xf32>
    %mul3A_311 = arith.mulf %mul3A_310, %max3A_308 : vector<1264x128xf32>
    %mul3A_312 = arith.constant 0.899999976 : f32
    %mul3A_313 = vector.broadcast %mul3A_312 : f32 to vector<1264x128xf32>
    %mul3A_314 = arith.mulf %mul3A_313, %add3A_301 : vector<1264x128xf32>
    %add3A_315 = arith.addf %mul3A_311, %mul3A_314 : vector<1264x128xf32>
    %dot_general3A_316 = arith.constant dense<0.000000e+00> : vector<1264x128xf32>
    %dot_general3A_317 = tpu.matmul %add3A_315, %get3A_200, %dot_general3A_316 {dimension_numbers = #tpu.dot_dimension_numbers<[1], [0], [0], [1], [0, 0, 1, 1], [], []>, transpose_lhs_hint = false} : vector<1264x128xf32>, vector<128x128xf32>, vector<1264x128xf32> -> vector<1264x128xf32>
    %add3A_318 = vector.broadcast %get3A_203 : vector<1x128xf32> to vector<1264x128xf32>
    %add3A_319 = arith.addf %dot_general3A_317, %add3A_318 : vector<1264x128xf32>
    %max3A_320 = arith.constant 0.000000e+00 : f32
    %max3A_321 = vector.broadcast %max3A_320 : f32 to vector<1264x128xf32>
    %max3A_322 = arith.maximumf %add3A_319, %max3A_321 : vector<1264x128xf32>
    %mul3A_323 = arith.constant 1.000000e-01 : f32
    %mul3A_324 = vector.broadcast %mul3A_323 : f32 to vector<1264x128xf32>
    %mul3A_325 = arith.mulf %mul3A_324, %max3A_322 : vector<1264x128xf32>
    %mul3A_326 = arith.constant 0.899999976 : f32
    %mul3A_327 = vector.broadcast %mul3A_326 : f32 to vector<1264x128xf32>
    %mul3A_328 = arith.mulf %mul3A_327, %add3A_315 : vector<1264x128xf32>
    %add3A_329 = arith.addf %mul3A_325, %mul3A_328 : vector<1264x128xf32>
    %dot_general3A_330 = arith.constant dense<0.000000e+00> : vector<1264x128xf32>
    %dot_general3A_331 = tpu.matmul %add3A_329, %get3A_200, %dot_general3A_330 {dimension_numbers = #tpu.dot_dimension_numbers<[1], [0], [0], [1], [0, 0, 1, 1], [], []>, transpose_lhs_hint = false} : vector<1264x128xf32>, vector<128x128xf32>, vector<1264x128xf32> -> vector<1264x128xf32>
    %add3A_332 = vector.broadcast %get3A_203 : vector<1x128xf32> to vector<1264x128xf32>
    %add3A_333 = arith.addf %dot_general3A_331, %add3A_332 : vector<1264x128xf32>
    %max3A_334 = arith.constant 0.000000e+00 : f32
    %max3A_335 = vector.broadcast %max3A_334 : f32 to vector<1264x128xf32>
    %max3A_336 = arith.maximumf %add3A_333, %max3A_335 : vector<1264x128xf32>
    %mul3A_337 = arith.constant 1.000000e-01 : f32
    %mul3A_338 = vector.broadcast %mul3A_337 : f32 to vector<1264x128xf32>
    %mul3A_339 = arith.mulf %mul3A_338, %max3A_336 : vector<1264x128xf32>
    %mul3A_340 = arith.constant 0.899999976 : f32
    %mul3A_341 = vector.broadcast %mul3A_340 : f32 to vector<1264x128xf32>
    %mul3A_342 = arith.mulf %mul3A_341, %add3A_329 : vector<1264x128xf32>
    %add3A_343 = arith.addf %mul3A_339, %mul3A_342 : vector<1264x128xf32>
    %mul3A_344 = arith.mulf %add3A_343, %get3A_30 : vector<1264x128xf32>
    %mul3A_345 = arith.mulf %mul3A_344, %convert_element_type3A_28 : vector<1264x128xf32>
    %swap3A = arith.constant 0 : index
    %swap3A_346 = arith.constant 0 : index
    %swap3A_347 = vector.load %arg8[%swap3A, %swap3A_346] : memref<1264x128xf32, #tpu.memory_space<vmem>>, vector<1264x128xf32>
    tpu.vector_store %arg8[%swap3A, %swap3A_346], %mul3A_345 {strides = array<i32>} : memref<1264x128xf32, #tpu.memory_space<vmem>>, vector<1264x128xf32>,
    return
  }
}

module attributes {stable_mosaic.version = 14 : i64} {
  func.func @body(%arg0: memref<2x1264x128xf32, #tpu.memory_space<vmem>>, %arg1: memref<1264x128xf32, #tpu.memory_space<vmem>>, %arg2: memref<1264x128xf32, #tpu.memory_space<vmem>>, %arg3: memref<16x7xf32, #tpu.memory_space<vmem>>, %arg4: memref<1x7xf32, #tpu.memory_space<vmem>>, %arg5: memref<10000x7xf32, #tpu.memory_space<vmem>>) attributes {dimension_semantics = [], scalar_prefetch = 0 : i64, scratch_operands = 0 : i64, tpu.core_type = #tpu.core_type<tc>} {
    %get3A = arith.constant 0 : index
    %get3A_0 = arith.constant 0 : index
    %get3A_1 = arith.constant 0 : index
    %get3A_2 = vector.load %arg0[%get3A, %get3A_0, %get3A_1] : memref<2x1264x128xf32, #tpu.memory_space<vmem>>, vector<1x1264x128xf32>
    %get3A_3 = vector.shape_cast %get3A_2 : vector<1x1264x128xf32> to vector<1264x128xf32>
    %get3A_4 = arith.constant 1 : index
    %get3A_5 = arith.constant 0 : index
    %get3A_6 = arith.constant 0 : index
    %get3A_7 = vector.load %arg0[%get3A_4, %get3A_5, %get3A_6] : memref<2x1264x128xf32, #tpu.memory_space<vmem>>, vector<1x1264x128xf32>
    %get3A_8 = vector.shape_cast %get3A_7 : vector<1x1264x128xf32> to vector<1264x128xf32>
    %add3A = arith.addf %get3A_3, %get3A_8 : vector<1264x128xf32>
    %get3A_9 = arith.constant 0 : index
    %get3A_10 = arith.constant 0 : index
    %get3A_11 = vector.load %arg1[%get3A_9, %get3A_10] : memref<1264x128xf32, #tpu.memory_space<vmem>>, vector<1264x128xf32>
    %add3A_12 = arith.addf %add3A, %get3A_11 : vector<1264x128xf32>
    %get3A_13 = arith.constant 0 : index
    %get3A_14 = arith.constant 0 : index
    %get3A_15 = vector.load %arg2[%get3A_13, %get3A_14] : memref<1264x128xf32, #tpu.memory_space<vmem>>, vector<1264x128xf32>
    %mul3A = arith.mulf %add3A_12, %get3A_15 : vector<1264x128xf32>
    %get3A_16 = arith.constant 0 : index
    %get3A_17 = arith.constant 0 : index
    %get3A_18 = vector.load %arg3[%get3A_16, %get3A_17] : memref<16x7xf32, #tpu.memory_space<vmem>>, vector<16x7xf32>
    %get3A_19 = arith.constant 0 : index
    %get3A_20 = arith.constant 0 : index
    %get3A_21 = vector.load %arg4[%get3A_19, %get3A_20] : memref<1x7xf32, #tpu.memory_space<vmem>>, vector<1x7xf32>
    %slice3A = vector.extract_strided_slice %mul3A {offsets = [0, 0], sizes = [1264, 16], strides = [1, 1]} : vector<1264x128xf32> to vector<1264x16xf32>
    %dot_general3A = arith.constant dense<0.000000e+00> : vector<1264x7xf32>
    %dot_general3A_22 = tpu.matmul %slice3A, %get3A_18, %dot_general3A {dimension_numbers = #tpu.dot_dimension_numbers<[1], [0], [0], [1], [0, 0, 1, 1], [], []>, transpose_lhs_hint = false} : vector<1264x16xf32>, vector<16x7xf32>, vector<1264x7xf32> -> vector<1264x7xf32>
    %add3A_23 = vector.broadcast %get3A_21 : vector<1x7xf32> to vector<1264x7xf32>
    %add3A_24 = arith.addf %dot_general3A_22, %add3A_23 : vector<1264x7xf32>
    %reduce_max3A = arith.constant dense<0xFF800000> : vector<1264xf32>
    %reduce_max3A_25 = vector.multi_reduction <maximumf>, %add3A_24, %reduce_max3A [1] : vector<1264x7xf32> to vector<1264xf32>
    %broadcast_in_dim3A = vector.shape_cast %reduce_max3A_25 : vector<1264xf32> to vector<1264x1xf32>
    %sub3A = vector.broadcast %broadcast_in_dim3A : vector<1264x1xf32> to vector<1264x7xf32>
    %sub3A_26 = arith.subf %add3A_24, %sub3A : vector<1264x7xf32>
    %exp3A = math.exp %sub3A_26 : vector<1264x7xf32>
    %reduce_sum3A = arith.constant dense<0.000000e+00> : vector<1264xf32>
    %reduce_sum3A_27 = vector.multi_reduction <add>, %exp3A, %reduce_sum3A [1] : vector<1264x7xf32> to vector<1264xf32>
    %broadcast_in_dim3A_28 = vector.shape_cast %reduce_sum3A_27 : vector<1264xf32> to vector<1264x1xf32>
    %log3A = math.log %broadcast_in_dim3A_28 : vector<1264x1xf32>
    %sub3A_29 = vector.broadcast %log3A : vector<1264x1xf32> to vector<1264x7xf32>
    %sub3A_30 = arith.subf %sub3A_26, %sub3A_29 : vector<1264x7xf32>
    %swap3A = arith.constant 0 : index
    %swap3A_31 = arith.constant 0 : index
    %swap3A_32 = vector.load %arg5[%swap3A, %swap3A_31] : memref<10000x7xf32, #tpu.memory_space<vmem>>, vector<1264x7xf32>
    tpu.vector_store %arg5[%swap3A, %swap3A_31], %sub3A_30 {strides = array<i32>} : memref<10000x7xf32, #tpu.memory_space<vmem>>, vector<1264x7xf32>,
    %slice3A_33 = vector.extract_strided_slice %mul3A {offsets = [0, 16], sizes = [1264, 16], strides = [1, 1]} : vector<1264x128xf32> to vector<1264x16xf32>
    %dot_general3A_34 = arith.constant dense<0.000000e+00> : vector<1264x7xf32>
    %dot_general3A_35 = tpu.matmul %slice3A_33, %get3A_18, %dot_general3A_34 {dimension_numbers = #tpu.dot_dimension_numbers<[1], [0], [0], [1], [0, 0, 1, 1], [], []>, transpose_lhs_hint = false} : vector<1264x16xf32>, vector<16x7xf32>, vector<1264x7xf32> -> vector<1264x7xf32>
    %add3A_36 = vector.broadcast %get3A_21 : vector<1x7xf32> to vector<1264x7xf32>
    %add3A_37 = arith.addf %dot_general3A_35, %add3A_36 : vector<1264x7xf32>
    %reduce_max3A_38 = arith.constant dense<0xFF800000> : vector<1264xf32>
    %reduce_max3A_39 = vector.multi_reduction <maximumf>, %add3A_37, %reduce_max3A_38 [1] : vector<1264x7xf32> to vector<1264xf32>
    %broadcast_in_dim3A_40 = vector.shape_cast %reduce_max3A_39 : vector<1264xf32> to vector<1264x1xf32>
    %sub3A_41 = vector.broadcast %broadcast_in_dim3A_40 : vector<1264x1xf32> to vector<1264x7xf32>
    %sub3A_42 = arith.subf %add3A_37, %sub3A_41 : vector<1264x7xf32>
    %exp3A_43 = math.exp %sub3A_42 : vector<1264x7xf32>
    %reduce_sum3A_44 = arith.constant dense<0.000000e+00> : vector<1264xf32>
    %reduce_sum3A_45 = vector.multi_reduction <add>, %exp3A_43, %reduce_sum3A_44 [1] : vector<1264x7xf32> to vector<1264xf32>
    %broadcast_in_dim3A_46 = vector.shape_cast %reduce_sum3A_45 : vector<1264xf32> to vector<1264x1xf32>
    %log3A_47 = math.log %broadcast_in_dim3A_46 : vector<1264x1xf32>
    %sub3A_48 = vector.broadcast %log3A_47 : vector<1264x1xf32> to vector<1264x7xf32>
    %sub3A_49 = arith.subf %sub3A_42, %sub3A_48 : vector<1264x7xf32>
    %swap3A_50 = arith.constant 1264 : index
    %swap3A_51 = arith.constant 0 : index
    %swap3A_52 = vector.load %arg5[%swap3A_50, %swap3A_51] : memref<10000x7xf32, #tpu.memory_space<vmem>>, vector<1264x7xf32>
    tpu.vector_store %arg5[%swap3A_50, %swap3A_51], %sub3A_49 {strides = array<i32>} : memref<10000x7xf32, #tpu.memory_space<vmem>>, vector<1264x7xf32>,
    %slice3A_53 = vector.extract_strided_slice %mul3A {offsets = [0, 32], sizes = [1264, 16], strides = [1, 1]} : vector<1264x128xf32> to vector<1264x16xf32>
    %dot_general3A_54 = arith.constant dense<0.000000e+00> : vector<1264x7xf32>
    %dot_general3A_55 = tpu.matmul %slice3A_53, %get3A_18, %dot_general3A_54 {dimension_numbers = #tpu.dot_dimension_numbers<[1], [0], [0], [1], [0, 0, 1, 1], [], []>, transpose_lhs_hint = false} : vector<1264x16xf32>, vector<16x7xf32>, vector<1264x7xf32> -> vector<1264x7xf32>
    %add3A_56 = vector.broadcast %get3A_21 : vector<1x7xf32> to vector<1264x7xf32>
    %add3A_57 = arith.addf %dot_general3A_55, %add3A_56 : vector<1264x7xf32>
    %reduce_max3A_58 = arith.constant dense<0xFF800000> : vector<1264xf32>
    %reduce_max3A_59 = vector.multi_reduction <maximumf>, %add3A_57, %reduce_max3A_58 [1] : vector<1264x7xf32> to vector<1264xf32>
    %broadcast_in_dim3A_60 = vector.shape_cast %reduce_max3A_59 : vector<1264xf32> to vector<1264x1xf32>
    %sub3A_61 = vector.broadcast %broadcast_in_dim3A_60 : vector<1264x1xf32> to vector<1264x7xf32>
    %sub3A_62 = arith.subf %add3A_57, %sub3A_61 : vector<1264x7xf32>
    %exp3A_63 = math.exp %sub3A_62 : vector<1264x7xf32>
    %reduce_sum3A_64 = arith.constant dense<0.000000e+00> : vector<1264xf32>
    %reduce_sum3A_65 = vector.multi_reduction <add>, %exp3A_63, %reduce_sum3A_64 [1] : vector<1264x7xf32> to vector<1264xf32>
    %broadcast_in_dim3A_66 = vector.shape_cast %reduce_sum3A_65 : vector<1264xf32> to vector<1264x1xf32>
    %log3A_67 = math.log %broadcast_in_dim3A_66 : vector<1264x1xf32>
    %sub3A_68 = vector.broadcast %log3A_67 : vector<1264x1xf32> to vector<1264x7xf32>
    %sub3A_69 = arith.subf %sub3A_62, %sub3A_68 : vector<1264x7xf32>
    %swap3A_70 = arith.constant 2528 : index
    %swap3A_71 = arith.constant 0 : index
    %swap3A_72 = vector.load %arg5[%swap3A_70, %swap3A_71] : memref<10000x7xf32, #tpu.memory_space<vmem>>, vector<1264x7xf32>
    tpu.vector_store %arg5[%swap3A_70, %swap3A_71], %sub3A_69 {strides = array<i32>} : memref<10000x7xf32, #tpu.memory_space<vmem>>, vector<1264x7xf32>,
    %slice3A_73 = vector.extract_strided_slice %mul3A {offsets = [0, 48], sizes = [1264, 16], strides = [1, 1]} : vector<1264x128xf32> to vector<1264x16xf32>
    %dot_general3A_74 = arith.constant dense<0.000000e+00> : vector<1264x7xf32>
    %dot_general3A_75 = tpu.matmul %slice3A_73, %get3A_18, %dot_general3A_74 {dimension_numbers = #tpu.dot_dimension_numbers<[1], [0], [0], [1], [0, 0, 1, 1], [], []>, transpose_lhs_hint = false} : vector<1264x16xf32>, vector<16x7xf32>, vector<1264x7xf32> -> vector<1264x7xf32>
    %add3A_76 = vector.broadcast %get3A_21 : vector<1x7xf32> to vector<1264x7xf32>
    %add3A_77 = arith.addf %dot_general3A_75, %add3A_76 : vector<1264x7xf32>
    %reduce_max3A_78 = arith.constant dense<0xFF800000> : vector<1264xf32>
    %reduce_max3A_79 = vector.multi_reduction <maximumf>, %add3A_77, %reduce_max3A_78 [1] : vector<1264x7xf32> to vector<1264xf32>
    %broadcast_in_dim3A_80 = vector.shape_cast %reduce_max3A_79 : vector<1264xf32> to vector<1264x1xf32>
    %sub3A_81 = vector.broadcast %broadcast_in_dim3A_80 : vector<1264x1xf32> to vector<1264x7xf32>
    %sub3A_82 = arith.subf %add3A_77, %sub3A_81 : vector<1264x7xf32>
    %exp3A_83 = math.exp %sub3A_82 : vector<1264x7xf32>
    %reduce_sum3A_84 = arith.constant dense<0.000000e+00> : vector<1264xf32>
    %reduce_sum3A_85 = vector.multi_reduction <add>, %exp3A_83, %reduce_sum3A_84 [1] : vector<1264x7xf32> to vector<1264xf32>
    %broadcast_in_dim3A_86 = vector.shape_cast %reduce_sum3A_85 : vector<1264xf32> to vector<1264x1xf32>
    %log3A_87 = math.log %broadcast_in_dim3A_86 : vector<1264x1xf32>
    %sub3A_88 = vector.broadcast %log3A_87 : vector<1264x1xf32> to vector<1264x7xf32>
    %sub3A_89 = arith.subf %sub3A_82, %sub3A_88 : vector<1264x7xf32>
    %swap3A_90 = arith.constant 3792 : index
    %swap3A_91 = arith.constant 0 : index
    %swap3A_92 = vector.load %arg5[%swap3A_90, %swap3A_91] : memref<10000x7xf32, #tpu.memory_space<vmem>>, vector<1264x7xf32>
    tpu.vector_store %arg5[%swap3A_90, %swap3A_91], %sub3A_89 {strides = array<i32>} : memref<10000x7xf32, #tpu.memory_space<vmem>>, vector<1264x7xf32>,
    %slice3A_93 = vector.extract_strided_slice %mul3A {offsets = [0, 64], sizes = [1264, 16], strides = [1, 1]} : vector<1264x128xf32> to vector<1264x16xf32>
    %dot_general3A_94 = arith.constant dense<0.000000e+00> : vector<1264x7xf32>
    %dot_general3A_95 = tpu.matmul %slice3A_93, %get3A_18, %dot_general3A_94 {dimension_numbers = #tpu.dot_dimension_numbers<[1], [0], [0], [1], [0, 0, 1, 1], [], []>, transpose_lhs_hint = false} : vector<1264x16xf32>, vector<16x7xf32>, vector<1264x7xf32> -> vector<1264x7xf32>
    %add3A_96 = vector.broadcast %get3A_21 : vector<1x7xf32> to vector<1264x7xf32>
    %add3A_97 = arith.addf %dot_general3A_95, %add3A_96 : vector<1264x7xf32>
    %reduce_max3A_98 = arith.constant dense<0xFF800000> : vector<1264xf32>
    %reduce_max3A_99 = vector.multi_reduction <maximumf>, %add3A_97, %reduce_max3A_98 [1] : vector<1264x7xf32> to vector<1264xf32>
    %broadcast_in_dim3A_100 = vector.shape_cast %reduce_max3A_99 : vector<1264xf32> to vector<1264x1xf32>
    %sub3A_101 = vector.broadcast %broadcast_in_dim3A_100 : vector<1264x1xf32> to vector<1264x7xf32>
    %sub3A_102 = arith.subf %add3A_97, %sub3A_101 : vector<1264x7xf32>
    %exp3A_103 = math.exp %sub3A_102 : vector<1264x7xf32>
    %reduce_sum3A_104 = arith.constant dense<0.000000e+00> : vector<1264xf32>
    %reduce_sum3A_105 = vector.multi_reduction <add>, %exp3A_103, %reduce_sum3A_104 [1] : vector<1264x7xf32> to vector<1264xf32>
    %broadcast_in_dim3A_106 = vector.shape_cast %reduce_sum3A_105 : vector<1264xf32> to vector<1264x1xf32>
    %log3A_107 = math.log %broadcast_in_dim3A_106 : vector<1264x1xf32>
    %sub3A_108 = vector.broadcast %log3A_107 : vector<1264x1xf32> to vector<1264x7xf32>
    %sub3A_109 = arith.subf %sub3A_102, %sub3A_108 : vector<1264x7xf32>
    %swap3A_110 = arith.constant 5056 : index
    %swap3A_111 = arith.constant 0 : index
    %swap3A_112 = vector.load %arg5[%swap3A_110, %swap3A_111] : memref<10000x7xf32, #tpu.memory_space<vmem>>, vector<1264x7xf32>
    tpu.vector_store %arg5[%swap3A_110, %swap3A_111], %sub3A_109 {strides = array<i32>} : memref<10000x7xf32, #tpu.memory_space<vmem>>, vector<1264x7xf32>,
    %slice3A_113 = vector.extract_strided_slice %mul3A {offsets = [0, 80], sizes = [1264, 16], strides = [1, 1]} : vector<1264x128xf32> to vector<1264x16xf32>
    %dot_general3A_114 = arith.constant dense<0.000000e+00> : vector<1264x7xf32>
    %dot_general3A_115 = tpu.matmul %slice3A_113, %get3A_18, %dot_general3A_114 {dimension_numbers = #tpu.dot_dimension_numbers<[1], [0], [0], [1], [0, 0, 1, 1], [], []>, transpose_lhs_hint = false} : vector<1264x16xf32>, vector<16x7xf32>, vector<1264x7xf32> -> vector<1264x7xf32>
    %add3A_116 = vector.broadcast %get3A_21 : vector<1x7xf32> to vector<1264x7xf32>
    %add3A_117 = arith.addf %dot_general3A_115, %add3A_116 : vector<1264x7xf32>
    %reduce_max3A_118 = arith.constant dense<0xFF800000> : vector<1264xf32>
    %reduce_max3A_119 = vector.multi_reduction <maximumf>, %add3A_117, %reduce_max3A_118 [1] : vector<1264x7xf32> to vector<1264xf32>
    %broadcast_in_dim3A_120 = vector.shape_cast %reduce_max3A_119 : vector<1264xf32> to vector<1264x1xf32>
    %sub3A_121 = vector.broadcast %broadcast_in_dim3A_120 : vector<1264x1xf32> to vector<1264x7xf32>
    %sub3A_122 = arith.subf %add3A_117, %sub3A_121 : vector<1264x7xf32>
    %exp3A_123 = math.exp %sub3A_122 : vector<1264x7xf32>
    %reduce_sum3A_124 = arith.constant dense<0.000000e+00> : vector<1264xf32>
    %reduce_sum3A_125 = vector.multi_reduction <add>, %exp3A_123, %reduce_sum3A_124 [1] : vector<1264x7xf32> to vector<1264xf32>
    %broadcast_in_dim3A_126 = vector.shape_cast %reduce_sum3A_125 : vector<1264xf32> to vector<1264x1xf32>
    %log3A_127 = math.log %broadcast_in_dim3A_126 : vector<1264x1xf32>
    %sub3A_128 = vector.broadcast %log3A_127 : vector<1264x1xf32> to vector<1264x7xf32>
    %sub3A_129 = arith.subf %sub3A_122, %sub3A_128 : vector<1264x7xf32>
    %swap3A_130 = arith.constant 6320 : index
    %swap3A_131 = arith.constant 0 : index
    %swap3A_132 = vector.load %arg5[%swap3A_130, %swap3A_131] : memref<10000x7xf32, #tpu.memory_space<vmem>>, vector<1264x7xf32>
    tpu.vector_store %arg5[%swap3A_130, %swap3A_131], %sub3A_129 {strides = array<i32>} : memref<10000x7xf32, #tpu.memory_space<vmem>>, vector<1264x7xf32>,
    %slice3A_133 = vector.extract_strided_slice %mul3A {offsets = [0, 96], sizes = [1264, 16], strides = [1, 1]} : vector<1264x128xf32> to vector<1264x16xf32>
    %dot_general3A_134 = arith.constant dense<0.000000e+00> : vector<1264x7xf32>
    %dot_general3A_135 = tpu.matmul %slice3A_133, %get3A_18, %dot_general3A_134 {dimension_numbers = #tpu.dot_dimension_numbers<[1], [0], [0], [1], [0, 0, 1, 1], [], []>, transpose_lhs_hint = false} : vector<1264x16xf32>, vector<16x7xf32>, vector<1264x7xf32> -> vector<1264x7xf32>
    %add3A_136 = vector.broadcast %get3A_21 : vector<1x7xf32> to vector<1264x7xf32>
    %add3A_137 = arith.addf %dot_general3A_135, %add3A_136 : vector<1264x7xf32>
    %reduce_max3A_138 = arith.constant dense<0xFF800000> : vector<1264xf32>
    %reduce_max3A_139 = vector.multi_reduction <maximumf>, %add3A_137, %reduce_max3A_138 [1] : vector<1264x7xf32> to vector<1264xf32>
    %broadcast_in_dim3A_140 = vector.shape_cast %reduce_max3A_139 : vector<1264xf32> to vector<1264x1xf32>
    %sub3A_141 = vector.broadcast %broadcast_in_dim3A_140 : vector<1264x1xf32> to vector<1264x7xf32>
    %sub3A_142 = arith.subf %add3A_137, %sub3A_141 : vector<1264x7xf32>
    %exp3A_143 = math.exp %sub3A_142 : vector<1264x7xf32>
    %reduce_sum3A_144 = arith.constant dense<0.000000e+00> : vector<1264xf32>
    %reduce_sum3A_145 = vector.multi_reduction <add>, %exp3A_143, %reduce_sum3A_144 [1] : vector<1264x7xf32> to vector<1264xf32>
    %broadcast_in_dim3A_146 = vector.shape_cast %reduce_sum3A_145 : vector<1264xf32> to vector<1264x1xf32>
    %log3A_147 = math.log %broadcast_in_dim3A_146 : vector<1264x1xf32>
    %sub3A_148 = vector.broadcast %log3A_147 : vector<1264x1xf32> to vector<1264x7xf32>
    %sub3A_149 = arith.subf %sub3A_142, %sub3A_148 : vector<1264x7xf32>
    %swap3A_150 = arith.constant 7584 : index
    %swap3A_151 = arith.constant 0 : index
    %swap3A_152 = vector.load %arg5[%swap3A_150, %swap3A_151] : memref<10000x7xf32, #tpu.memory_space<vmem>>, vector<1264x7xf32>
    tpu.vector_store %arg5[%swap3A_150, %swap3A_151], %sub3A_149 {strides = array<i32>} : memref<10000x7xf32, #tpu.memory_space<vmem>>, vector<1264x7xf32>,
    %slice3A_153 = vector.extract_strided_slice %mul3A {offsets = [0, 112], sizes = [1264, 16], strides = [1, 1]} : vector<1264x128xf32> to vector<1264x16xf32>
    %dot_general3A_154 = arith.constant dense<0.000000e+00> : vector<1264x7xf32>
    %dot_general3A_155 = tpu.matmul %slice3A_153, %get3A_18, %dot_general3A_154 {dimension_numbers = #tpu.dot_dimension_numbers<[1], [0], [0], [1], [0, 0, 1, 1], [], []>, transpose_lhs_hint = false} : vector<1264x16xf32>, vector<16x7xf32>, vector<1264x7xf32> -> vector<1264x7xf32>
    %add3A_156 = vector.broadcast %get3A_21 : vector<1x7xf32> to vector<1264x7xf32>
    %add3A_157 = arith.addf %dot_general3A_155, %add3A_156 : vector<1264x7xf32>
    %reduce_max3A_158 = arith.constant dense<0xFF800000> : vector<1264xf32>
    %reduce_max3A_159 = vector.multi_reduction <maximumf>, %add3A_157, %reduce_max3A_158 [1] : vector<1264x7xf32> to vector<1264xf32>
    %broadcast_in_dim3A_160 = vector.shape_cast %reduce_max3A_159 : vector<1264xf32> to vector<1264x1xf32>
    %sub3A_161 = vector.broadcast %broadcast_in_dim3A_160 : vector<1264x1xf32> to vector<1264x7xf32>
    %sub3A_162 = arith.subf %add3A_157, %sub3A_161 : vector<1264x7xf32>
    %exp3A_163 = math.exp %sub3A_162 : vector<1264x7xf32>
    %reduce_sum3A_164 = arith.constant dense<0.000000e+00> : vector<1264xf32>
    %reduce_sum3A_165 = vector.multi_reduction <add>, %exp3A_163, %reduce_sum3A_164 [1] : vector<1264x7xf32> to vector<1264xf32>
    %broadcast_in_dim3A_166 = vector.shape_cast %reduce_sum3A_165 : vector<1264xf32> to vector<1264x1xf32>
    %log3A_167 = math.log %broadcast_in_dim3A_166 : vector<1264x1xf32>
    %sub3A_168 = vector.broadcast %log3A_167 : vector<1264x1xf32> to vector<1264x7xf32>
    %sub3A_169 = arith.subf %sub3A_162, %sub3A_168 : vector<1264x7xf32>
    %slice3A_170 = vector.extract_strided_slice %sub3A_169 {offsets = [0, 0], sizes = [1152, 7], strides = [1, 1]} : vector<1264x7xf32> to vector<1152x7xf32>
    %swap3A_171 = arith.constant 8848 : index
    %swap3A_172 = arith.constant 0 : index
    %swap3A_173 = vector.load %arg5[%swap3A_171, %swap3A_172] : memref<10000x7xf32, #tpu.memory_space<vmem>>, vector<1152x7xf32>
    tpu.vector_store %arg5[%swap3A_171, %swap3A_172], %slice3A_170 {strides = array<i32>} : memref<10000x7xf32, #tpu.memory_space<vmem>>, vector<1152x7xf32>,
    return
  }
}

</mosaic_0001>

<sc_bundles>
// kernel: kernel.10.cloned.1.call-start
scs
__scs_entry_jumppad:
0x0: {  	(pc) =	sbr.rel $0x88, $3  }
0x1: {  	(tag) =	ssettag $0x0;
	lr =	simm.s32 $0x1  }
0x2: {  	[smem:$0x3F97] =	sst lr;
	_ =	strace $0xD0000000  }
0x3: {  	_ = 	snop  }
0x4: {  	_ = 	snop  }
0x5: {  	_ = 	snop  }
0x6: {  	_ = 	snop  }
0x7: {  	_ = 	snop  }
__scs_overlays_trampoline_lowered:
0x8: {  	[smem:$0x3FA6] =	sst s0  }
0x9: {  	[smem:$0x3FA7] =	sst s1  }
0xa: {  	[smem:$0x3FA8] =	sst s2  }
0xb: {  	[smem:$0x3FA9] =	sst s3  }
0xc: {  	[smem:$0x3FAA] =	sst s4  }
0xd: {  	[smem:$0x3FAB] =	sst s5  }
0xe: {  	[smem:$0x3FAC] =	sst s6  }
0xf: {  	[smem:$0x3FAD] =	sst s7  }
0x10: {  	[smem:$0x3FAE] =	sst s8  }
0x11: {  	[smem:$0x3FAF] =	sst s9;
	s0 =	simm.s32 @!p0 $0x0  }
0x12: {  	s1 =	sld [smem:$0x3F95];
	s0 =	simm.s32 @p0 $0x1  }
0x13: {  	[smem:$0x3FB0] =	sst s0;
	s0 =	simm.s32 @!p1 $0x0  }
0x14: {  	s2 =	sld [smem:$0x3F94];
	s0 =	simm.s32 @p1 $0x1  }
0x15: {  	[smem:$0x3FB1] =	sst s0;
	s0 =	simm.s32 @!p2 $0x0  }
0x16: {  	s3 =	sld [smem:$0x3FDB];
	s0 =	simm.s32 @p2 $0x1  }
0x17: {  	s4 =	simm.s32 $0x1BF5;
	[smem:$0x3FB3] =	sst s0  }
0x18: {  	s0 =	sld [smem:$0x3F96];
	_ =	swait.ge [sflag:s4], $0x0  }
0x19: {  	s7 =	sld [smem:$0x3F97]  }
0x1a: {  	s8 =	sadd.s32 $0xFFFFE003, lr  }
0x1b: {  	s9 =	sadd.s32 $0xFFFFFEF7, lr;
	s5 =	simm.s32 $0xFFFFFFFF;
	p2 =	slt.u32 s8, $0xFFFFF086  }
0x1c: {  	p1 =	slt.u32 s9, $0xF7A;
	s5 =	simm.s32 @!p2 $0x0  }
0x1d: {  	s5 =	simm.s32 @p1 $0x1;
	p0 =	seq.s32 s7, s2  }
0x1e: {  	s7 =	smul.u32 @!p0 $0xF7A, s2;
	p2 =	seq.s32 @!p0 s5, $0x0  }
0x1f: {  	s9 =	smul.u32 $0xF7A, s1;
	s8 =	simm.s32 @!p0 $0x1BF5;
	p2 =	por !p2, p0  }
0x20: {  	[sflag:s8] =	ssyncset.s32 @!p0 $0xFFFFF086;
	s6 =	sadd.s32 @!p0 s3, s7;
	s7 =	simm.s32 @!p0 $0x108  }
0x21: {  	s3 =	sadd.s32 s3, s9;
	s6 =	sadd.s32 @!p0 $0x88, s6;
	s7 =	simm.s32 @p2 $0x1082  }
0x22: {  	[simem:s7], [sflag:s8] =	dma.local @!p0 [hbm:s6], $0xF7A  }
0x23: {  	s9 =	sor.u32 $0xD0000000, s2;
	s6 =	simm.s32 $0x108;
	_ =	swait.ge @!p0 [sflag:s8], $0x0  }
0x24: {  	s3 =	sadd.s32 $0x88, s3;
	s6 =	simm.s32 @!p1 $0x1082;
	[sflag:s4] =	ssyncset.s32 $0xFFFFF086  }
0x25: {  	[simem:s6], [sflag:s4] =	dma.local [hbm:s3], $0xF7A  }
0x26: {  	[smem:$0x3F97] =	sst s1;
	(tag) =	ssettag s2;
	_ =	strace s9  }
0x27: {  	s1 =	sld [smem:$0x3FA7]  }
0x28: {  	s2 =	sld [smem:$0x3FA8]  }
0x29: {  	s4 =	sld [smem:$0x3FAA]  }
0x2a: {  	p0 =	seq.s32 s5, $0x0;
	s5 =	sld [smem:$0x3FAB]  }
0x2b: {  	s6 =	sld [smem:$0x3FAC]  }
0x2c: {  	s7 =	sld [smem:$0x3FAD]  }
0x2d: {  	s3 =	simm.s32 $0x108;
	s8 =	sld [smem:$0x3FAE]  }
0x2e: {  	s3 =	simm.s32 @!p0 $0x1082;
	s9 =	sld [smem:$0x3FAF]  }
0x2f: {  	lr =	sadd.s32 s0, s3;
	s0 =	sld [smem:$0x3FA6]  }
0x30: {  	s3 =	sld [smem:$0x3FA9]  }
0x31: {  	[smem:$0x3FB2] =	sst s10  }
0x32: {  	s10 =	sld [smem:$0x3FB0];
	_ =	sdelay $0x3  }
0x33: {  	p0 =	seq.s32 s10, $0x1;
	s10 =	sld [smem:$0x3FB2];
	_ =	sdelay $0x3  }
0x34: {  	[smem:$0x3FB2] =	sst s10  }
0x35: {  	s10 =	sld [smem:$0x3FB1];
	_ =	sdelay $0x3  }
0x36: {  	p1 =	seq.s32 s10, $0x1;
	s10 =	sld [smem:$0x3FB2];
	_ =	sdelay $0x3  }
0x37: {  	[smem:$0x3FB2] =	sst s10  }
0x38: {  	s10 =	sld [smem:$0x3FB3]  }
0x39: {  	_ = 	snop;
	(pc) =	sbr.ind lr, $3  }
0x3a: {  	_ = 	snop  }
0x3b: {  	_ = 	snop  }
0x3c: {  	p2 =	seq.s32 s10, $0x1;
	s10 =	sld [smem:$0x3FB2]  }
0x3d: {  	_ =	shalt  }
0x3e: {  	_ =	shalt  }
0x3f: {  	_ =	shalt  }
0x40: {  	_ =	shalt  }
0x41: {  	_ =	shalt  }
0x42: {  	_ =	shalt  }
0x43: {  	_ =	shalt  }
0x44: {  	_ =	shalt  }
0x45: {  	_ =	shalt  }
0x46: {  	_ =	shalt  }
0x47: {  	_ =	shalt  }
0x48: {  	_ =	shalt  }
0x49: {  	_ =	shalt  }
0x4a: {  	_ =	shalt  }
0x4b: {  	_ =	shalt  }
0x4c: {  	_ =	shalt  }
0x4d: {  	_ =	shalt  }
0x4e: {  	_ =	shalt  }
0x4f: {  	_ =	shalt  }
0x50: {  	_ =	shalt  }
0x51: {  	_ =	shalt  }
0x52: {  	_ =	shalt  }
0x53: {  	_ =	shalt  }
0x54: {  	_ =	shalt  }
0x55: {  	_ =	shalt  }
0x56: {  	_ =	shalt  }
0x57: {  	_ =	shalt  }
0x58: {  	_ =	shalt  }
0x59: {  	_ =	shalt  }
0x5a: {  	_ =	shalt  }
0x5b: {  	_ =	shalt  }
0x5c: {  	_ =	shalt  }
0x5d: {  	_ =	shalt  }
0x5e: {  	_ =	shalt  }
0x5f: {  	_ =	shalt  }
0x60: {  	_ =	shalt  }
0x61: {  	_ =	shalt  }
0x62: {  	_ =	shalt  }
0x63: {  	_ =	shalt  }
0x64: {  	_ =	shalt  }
0x65: {  	_ =	shalt  }
0x66: {  	_ =	shalt  }
0x67: {  	_ =	shalt  }
0x68: {  	_ =	shalt  }
0x69: {  	_ =	shalt  }
0x6a: {  	_ =	shalt  }
0x6b: {  	_ =	shalt  }
0x6c: {  	_ =	shalt  }
0x6d: {  	_ =	shalt  }
0x6e: {  	_ =	shalt  }
0x6f: {  	_ =	shalt  }
0x70: {  	_ =	shalt  }
0x71: {  	_ =	shalt  }
0x72: {  	_ =	shalt  }
0x73: {  	_ =	shalt  }
0x74: {  	_ =	shalt  }
0x75: {  	_ =	shalt  }
0x76: {  	_ =	shalt  }
0x77: {  	_ =	shalt  }
0x78: {  	_ =	shalt  }
0x79: {  	_ =	shalt  }
0x7a: {  	_ =	shalt  }
0x7b: {  	_ =	shalt  }
0x7c: {  	_ =	shalt  }
0x7d: {  	_ =	shalt  }
0x7e: {  	_ =	shalt  }
0x7f: {  	_ =	shalt  }
0x80: {  	_ =	shalt  }
0x81: {  	_ =	shalt  }
0x82: {  	_ =	shalt  }
0x83: {  	_ =	shalt  }
0x84: {  	_ =	shalt  }
0x85: {  	_ =	shalt  }
0x86: {  	_ =	shalt  }
0x87: {  	_ =	shalt  }
.Lfunc_end0:
.L_simem_size_0:
called_computation_lowered:
.L_overlay_start_0:
0x88: {  	s2 =	sld [smem:$0x3FD9]  }
0x89: {  	s3 =	sld [smem:$0x3FFE];
	_ =	sdelay $0x1  }
0x8a: {  	s1 =	srdreg.scid  }
0x8b: {  	s0 =	sand.u32 $0x1, s1  }
0x8c: {  	s17 =	sshll.u32 s0, $0xA;
	s2 =	sadd.s32 s3, s2  }
0x8d: {  	s2 =	sadd.s32 s2, s17  }
0x8e: {  	[smem:$0x3FBE] =	sst s2  }
0x8f: {  	_ = 	snop  }
0x90: {  	s2 =	sld [smem:$0x3FD0];
	(tm) =	ssettm $0x1  }
0x91: {  	s18 =	sld [smem:$0x3FFB];
	_ =	sdelay $0x3  }
0x92: {  	_ =	strace s18  }
0x93: {  	s3 =	sld [smem:$0x3FFC];
	_ =	sdelay $0x3  }
0x94: {  	_ =	strace s3  }
0x95: {  	s3 =	sld [smem:$0x3FFD];
	_ =	sdelay $0x3  }
0x96: {  	_ =	strace s3  }
0x97: {  	_ =	strace $0x8FFFFFFF  }
0x98: {  	s19 =	sld [smem:$0x3FDB];
	_ =	sdelay $0x1  }
0x99: {  	s4 =	simm.s32 $_scs_section_size  }
0x9a: {  	s5 =	simm.s32 $_size__tile_overlayer_lowered;
	s6 =	simm.s32 $_tile_overlayer_lowered  }
0x9b: {  	s22 =	simm.s32 $0x1BFF;
	s21 =	sshll.u32 s6, $0x1;
	s3 =	sadd.s32 s4, s19  }
0x9c: {  	s7 =	simm.s32 $0x0;
	s20 =	sshll.u32 s5, $0x1;
	s5 =	sadd.s32 s21, s3  }
0x9d: {  	[timem:s7], [sflag:s22] =	dma.local [hbm:s5], s20  }
0x9e: {  	_ =	swait.ge [sflag:s22], s20  }
0x9f: {  	s4 =	ssub.s32 $0x0, s20;
	[sflag:s22] =	ssyncset.done $0x0  }
0xa0: {  	[sflag:s22] =	ssyncadd.s32 s4;
	_ =	sdelay $0x1  }
0xa1: {  	s23 =	simm.s32 $0x1B8B  }
0xa2: {  	_ =	swait.ge [sflag:s23], $0x1  }
0xa3: {  	[sflag:s23] =	ssyncset.done $0x0  }
0xa4: {  	s25 =	simm.s32 $0x1B8E;
	s24 =	sld [smem:$0x3FFE];
	[sflag:s23] =	ssyncadd.s32 $0xFFFFFFFF  }
0xa5: {  	s26 =	simm.s32 $execute0_lowered;
	[smem:$0x3FD2] =	sst s25  }
0xa6: {  	s5 =	sshll.u32 s26, $0x1;
	_ =	strace $0x80000046;
	[dreg:$0x1] =	wrdreg $0xFFFFFFFF  }
0xa7: {  	s28 =	simm.s32 $_size_execute0_lowered;
	s3 =	sadd.s32 s3, s5;
	[dreg:$0x0] =	wrdreg $0x0  }
0xa8: {  	s5 =	sshll.u32 s28, $0x1;
	[dreg:$0x2] =	wrdreg s3  }
0xa9: {  	[dreg:$0x3] =	wrdreg s5  }
0xaa: {  	[dreg:$0x4] =	wrdreg $0xC0  }
0xab: {  	_ =	task [dreg:s7], $0x5FFFF  }
0xac: {  	[dreg:$0x1] =	wrdreg $0xFFFFFFFF  }
0xad: {  	[dreg:$0x0] =	wrdreg $0x60  }
0xae: {  	[dreg:$0x2] =	wrdreg s24  }
0xaf: {  	[dreg:$0x3] =	wrdreg s2  }
0xb0: {  	[dreg:$0x4] =	wrdreg $0x0  }
0xb1: {  	[dreg:$0x5] =	wrdreg $0x9  }
0xb2: {  	_ =	task.clear_ibuf [dreg:s7], $0x6FFFF;
	_ =	strace $0x90000046  }
0xb3: {  	s29 =	simm.s32 $0x9;
	_ =	strace $0x80000048  }
0xb4: {  	_ =	swait.ge [sflag:s29], $0x1  }
0xb5: {  	[sflag:s29] =	ssyncadd.s32 $0xFFFFFFFF  }
0xb6: {  	_ =	strace $0x90000048  }
0xb7: {  	_ =	sfence  }
0xb8: {  	s30 =	sld [smem:$0x0];
	_ =	sdelay $0x2  }
0xb9: {  	s31 =	sshll.u32 s1, $0xD;
	s1 =	sshrl.u32 s1, $0x2  }
0xba: {  	s3 =	sand.u32 $0x4000, s31;
	s1 =	sadd.s32 s1, s30  }
0xbb: {  	s0 =	sor.u32 s3, s0;
	s1 =	sshll.u32 s1, $0x11  }
0xbc: {  	s0 =	sor.u32 s1, s0  }
0xbd: {  	s0 =	sadd.s32 $0x8F2B, s0  }
0xbe: {  	[sflag:s0] =	ssyncadd.remote.s32 $0x1  }
0xbf: {  	_ =	sfence.sel $0xFFFF  }
0xc0: {  	[dreg:$0x0] =	wrdreg $0xFFFFFFFF;
	(pc) =	sbr.abs _section_cstart, $3  }
0xc1: {  	[dreg:$0x1] =	wrdreg $0xFFFFFFFF  }
0xc2: {  	_ =	task.clear_ibuf [dreg:s7], $0x2FFFF;
	_ =	strace $0x9FFFFFFF  }
0xc3: {  	(tm) =	ssettm $0x7FFFFFFF  }
tec
execute0_lowered:
.L_overlay_start_1:
0x0: {  	(tag) =	ssettag $0x1  }
0x1: {  	s6 =	rddreg [dreg:$0x0]  }
0x2: {  	s1 =	srdreg.scid;
	s2 =	rddreg [dreg:$0x1]  }
0x3: {  	s0 =	stileid.u32;
	s3 =	rddreg [dreg:$0x2]  }
0x4: {  	s4 =	simm.s32 $0x0;
	s13 =	simm.s32 $0x4F80;
	s14 =	simm.s32 $0x80  }
0x5: {  	s15 =	simm.s32 $0x2800;
	s16 =	simm.s32 $0x2880;
	s17 =	simm.s32 $0x2900  }
0x6: {  	s18 =	simm.s32 $0x1;
	s19 =	simm.s32 $0x2;
	s20 =	simm.s32 $0x3  }
0x7: {  	s21 =	simm.s32 $0x4;
	s22 =	simm.s32 $0x0;
	s5 =	sand.u32 $0x1, s1  }
0x8: {  	s29 =	sshll.u32 s0, $0x1;
	s8 =	smul.u32 $0x2780, s0;
	[smem:$0x7FF] =	sst s4  }
0x9: {  	s31 =	sshll.u32 s0, $0x6;
	s1 =	sor.u32 s5, s29;
	s9 =	smul.u32 $0x27800, s5  }
0xa: {  	s5 =	ssub.s32 $0x2, s5;
	s7 =	smul.u32 $0x500, s1;
	s1 =	rddreg [dreg:$0x3]  }
0xb: {  	_ =	strace $0x80000047;
	s10 =	sshrl.u32 s8, $0x3;
	s30 =	sshrl.u32 s5, $0x1  }
0xc: {  	s12 =	sadd.s32 s8, s3;
	s9 =	sadd.s32 s8, s9;
	s10 =	sadd.s32 s10, s6  }
0xd: {  	s11 =	ssub.s32 s5, s30;
	s7 =	sadd.s32 s7, s6;
	s9 =	sshrl.u32 s9, $0x3  }
0xe: {  	s5 =	sadd.s32 $0x17C00, s10;
	s10 =	sshrl.u32 s12, $0x3;
	s12 =	simm.s32 $0x2780  }
0xf: {  	s9 =	sadd.s32 s9, s6;
	s6 =	sor.u32 $0x1C05, s31;
	s7 =	sadd.s32 $0x3C00, s7  }
0x10: {  	s8 =	sadd.s32 $0x1CC00, s9;
	s9 =	smax.u32 s11, $0x1;
	s11 =	simm.s32 $0x5  }
.LBB2_1:
0x11: {  	[spmem:s10], [sflag:s6] =	dma.local [hbm:s5], $0x4F0  }
0x12: {  	_ =	swait.ge [sflag:s11], $0x4F0  }
0x13: {  	[sflag:s11] =	ssyncset.done $0x0  }
0x14: {  	[sflag:s11] =	ssyncadd.s32 $0xFFFFFB10  }
0x15: {  	[tilespmem:s12], [sflag:$0x5] =	stream.linear.gather [hbm4b:s7+s4], $0x2800, $0x38;
	[tilespmem:$0x5780] =	vst v63  }
0x16: {  	_ =	swait.ge [sflag:s11], $0x2800  }
0x17: {  	[sflag:s11] =	ssyncset.done $0x0  }
0x18: {  	[sflag:s11] =	ssyncadd.s32 $0xFFFFD800  }
0x19: {  	[tilespmem:s13], [sflag:$0x5] =	stream.linear.gather [hbm4b:s2+s4], $0x800, $0x38;
	[tilespmem:$0x5780] =	vst v63  }
0x1a: {  	_ =	swait.ge [sflag:s11], $0x800  }
0x1b: {  	[sflag:s11] =	ssyncset.done $0x0  }
0x1c: {  	[sflag:s11] =	ssyncadd.s32 $0xFFFFF800  }
0x1d: {  	[bflag:$0x0] =	sbarrier.arrive $0xFFFF  }
0x1e: {  	[spmem:s3] =	stream.indirect.scatter.add.f32 [tilespmem:s13], [sflag:$0x1], $0x10, s12, s14, $0xb8;
	[tilespmem:$0x5780] =	vst v63  }
0x1f: {  	_ = 	snop  }
0x20: {  	[spmem:s3] =	stream.indirect.scatter.add.f32 [tilespmem:s13], [sflag:$0x2], $0x10, s15, s14, $0xb8;
	[tilespmem:$0x5780] =	vst v63  }
0x21: {  	s23 =	sand.u32 $0x3, s21  }
0x22: {  	[spmem:s3] =	stream.indirect.scatter.add.f32 [tilespmem:s13], [sflag:$0x3], $0x10, s16, s14, $0xb8;
	[tilespmem:$0x5780] =	vst v63  }
0x23: {  	s24 =	sadd.s32 $0x1, s23  }
0x24: {  	[spmem:s3] =	stream.indirect.scatter.add.f32 [tilespmem:s13], [sflag:$0x4], $0x10, s17, s14, $0xb8;
	[tilespmem:$0x5780] =	vst v63  }
0x25: {  	_ =	swait.ge [sflag:s24], $0x800  }
0x26: {  	s25 =	simm.s32 $0x5;
	[sflag:s24] =	ssyncset.done $0x0  }
0x27: {  	s23 =	simm.s32 $0x2980;
	s25 =	sand.u32 $0x3, s25;
	[sflag:s24] =	ssyncadd.s32 $0xFFFFF800  }
0x28: {  	[spmem:s3] =	stream.indirect.scatter.add.f32 [tilespmem:s13], [sflag:s24], $0x10, s23, s14, $0xb8;
	[tilespmem:$0x5780] =	vst v63  }
0x29: {  	s24 =	sadd.s32 $0x1, s25  }
0x2a: {  	s25 =	simm.s32 $0x6;
	_ =	swait.ge [sflag:s24], $0x800  }
.LBB2_2:
0x2b: {  	s26 =	sand.u32 $0x3, s25  }
0x2c: {  	[sflag:s24] =	ssyncset.done $0x0;
	s23 =	sadd.s32 $0x80, s23;
	p0 =	sne.s32 s25, $0x4F  }
.Ltmp0:
0x2d: {  	s26 =	sadd.s32 $0x1, s26;
	[sflag:s24] =	ssyncadd.s32 $0xFFFFF800;
	(pc) =	sbr.rel @p0 .LBB2_2-.Ltmp0, $3  }
0x2e: {  	[spmem:s3] =	stream.indirect.scatter.add.f32 [tilespmem:s13], [sflag:s24], $0x10, s23, s14, $0xb8;
	[tilespmem:$0x5780] =	vst v63  }
0x2f: {  	s24 =	smov.u32 s26;
	_ =	swait.ge [sflag:s26], $0x800;
	_ =	sdelay $0x1  }
0x30: {  	s25 =	sadd.s32 $0x1, s25  }
0x31: {  	[sflag:s24] =	ssyncset.done $0x0  }
0x32: {  	s23 =	sadd.s32 $0x80, s23;
	[sflag:s24] =	ssyncadd.s32 $0xFFFFF800  }
0x33: {  	[spmem:s3] =	stream.indirect.scatter.add.f32 [tilespmem:s13], [sflag:s24], $0x10, s23, s14, $0xb8;
	[tilespmem:$0x5780] =	vst v63  }
0x34: {  	_ =	swait.ge [sflag:s18], $0x800  }
0x35: {  	[sflag:s18] =	ssyncset.done $0x0  }
0x36: {  	[sflag:s18] =	ssyncadd.s32 $0xFFFFF800  }
0x37: {  	_ =	swait.ge [sflag:s19], $0x800  }
0x38: {  	[sflag:s19] =	ssyncset.done $0x0  }
0x39: {  	[sflag:s19] =	ssyncadd.s32 $0xFFFFF800  }
0x3a: {  	_ =	swait.ge [sflag:s20], $0x800  }
0x3b: {  	[sflag:s20] =	ssyncset.done $0x0  }
0x3c: {  	[sflag:s20] =	ssyncadd.s32 $0xFFFFF800  }
0x3d: {  	_ =	swait.ge [sflag:s21], $0x800  }
0x3e: {  	s22 =	sadd.s32 $0x1, s22;
	[sflag:s21] =	ssyncset.done $0x0  }
0x3f: {  	p0 =	sne.s32 s22, s9;
	[sflag:s21] =	ssyncadd.s32 $0xFFFFF800  }
.Ltmp1:
0x40: {  	[bflag:$0x0] =	sbarrier.arrive $0xFFFF;
	(pc) =	sbr.rel @p0 .LBB2_1-.Ltmp1, $4  }
0x41: {  	[hbm:s8], [sflag:s6] =	dma.local [spmem:s10], $0x4F0  }
0x42: {  	_ =	swait.ge [sflag:s11], $0x4F0  }
0x43: {  	[sflag:s11] =	ssyncset.done $0x0  }
0x44: {  	[sflag:s11] =	ssyncadd.s32 $0xFFFFFB10  }
0x45: {  	_ =	sfence.sel $0x180000  }
0x46: {  	[bflag:$0x0] =	sbarrier.arrive $0xFFFF  }
0x47: {  	p0 =	sne.s32 s0, $0x0;
	_ =	strace $0x90000047  }
0x48: {  	s0 =	sadd.s32 @!p0 $0x100000, s1;
	[bflag:$0x2] =	sbarrier.arrive $0xFFFF  }
0x49: {  	[sflag:s0] =	ssyncadd.tile.s32 @!p0 $0x1;
	_ =	shalt  }
.Lfunc_end2:
_tile_overlayer_lowered:
.L_overlay_start_2:
0x4a: {  	(tag) =	ssettag $0x2  }
0x4b: {  	s0 =	rddreg [dreg:$0x0];
	s2 =	stileid.u32  }
0x4c: {  	s1 =	rddreg [dreg:$0x1];
	p0 =	sne.s32 s2, $0x0  }
0x4d: {  	s3 =	rddreg [dreg:$0x2];
	[bflag:$0x3] =	sbarrier.arrive $0xFFFF;
	s2 =	simm.s32 @!p0 $0x1C05  }
0x4e: {  	[timem:s3], [sflag:s2] =	dma.local @!p0 [hbm:s0], s1  }
0x4f: {  	s0 =	simm.s32 @!p0 $0x5  }
0x50: {  	_ =	swait.ge @!p0 [sflag:s0], s1  }
0x51: {  	s1 =	ssub.s32 @!p0 $0x0, s1;
	[sflag:s0] =	ssyncset.done @!p0 $0x0  }
0x52: {  	[sflag:s0] =	ssyncadd.s32 @!p0 s1  }
0x53: {  	[bflag:$0x3] =	sbarrier.arrive $0xFFFF  }
0x54: {  	_ =	shalt  }

// kernel: kernel.13.cloned.1.call-start
scs
__scs_entry_jumppad:
0x0: {  	(pc) =	sbr.rel $0x88, $3  }
0x1: {  	(tag) =	ssettag $0x0;
	lr =	simm.s32 $0x1  }
0x2: {  	[smem:$0x3F97] =	sst lr;
	_ =	strace $0xD0000000  }
0x3: {  	_ = 	snop  }
0x4: {  	_ = 	snop  }
0x5: {  	_ = 	snop  }
0x6: {  	_ = 	snop  }
0x7: {  	_ = 	snop  }
__scs_overlays_trampoline_lowered:
0x8: {  	[smem:$0x3FA6] =	sst s0  }
0x9: {  	[smem:$0x3FA7] =	sst s1  }
0xa: {  	[smem:$0x3FA8] =	sst s2  }
0xb: {  	[smem:$0x3FA9] =	sst s3  }
0xc: {  	[smem:$0x3FAA] =	sst s4  }
0xd: {  	[smem:$0x3FAB] =	sst s5  }
0xe: {  	[smem:$0x3FAC] =	sst s6  }
0xf: {  	[smem:$0x3FAD] =	sst s7  }
0x10: {  	[smem:$0x3FAE] =	sst s8  }
0x11: {  	[smem:$0x3FAF] =	sst s9;
	s0 =	simm.s32 @!p0 $0x0  }
0x12: {  	s1 =	sld [smem:$0x3F95];
	s0 =	simm.s32 @p0 $0x1  }
0x13: {  	[smem:$0x3FB0] =	sst s0;
	s0 =	simm.s32 @!p1 $0x0  }
0x14: {  	s2 =	sld [smem:$0x3F94];
	s0 =	simm.s32 @p1 $0x1  }
0x15: {  	[smem:$0x3FB1] =	sst s0;
	s0 =	simm.s32 @!p2 $0x0  }
0x16: {  	s3 =	sld [smem:$0x3FDB];
	s0 =	simm.s32 @p2 $0x1  }
0x17: {  	s4 =	simm.s32 $0x1BF5;
	[smem:$0x3FB3] =	sst s0  }
0x18: {  	s0 =	sld [smem:$0x3F96];
	_ =	swait.ge [sflag:s4], $0x0  }
0x19: {  	s7 =	sld [smem:$0x3F97]  }
0x1a: {  	s8 =	sadd.s32 $0xFFFFE003, lr  }
0x1b: {  	s9 =	sadd.s32 $0xFFFFFEF7, lr;
	s5 =	simm.s32 $0xFFFFFFFF;
	p2 =	slt.u32 s8, $0xFFFFF086  }
0x1c: {  	p1 =	slt.u32 s9, $0xF7A;
	s5 =	simm.s32 @!p2 $0x0  }
0x1d: {  	s5 =	simm.s32 @p1 $0x1;
	p0 =	seq.s32 s7, s2  }
0x1e: {  	s7 =	smul.u32 @!p0 $0xF7A, s2;
	p2 =	seq.s32 @!p0 s5, $0x0  }
0x1f: {  	s9 =	smul.u32 $0xF7A, s1;
	s8 =	simm.s32 @!p0 $0x1BF5;
	p2 =	por !p2, p0  }
0x20: {  	[sflag:s8] =	ssyncset.s32 @!p0 $0xFFFFF086;
	s6 =	sadd.s32 @!p0 s3, s7;
	s7 =	simm.s32 @!p0 $0x108  }
0x21: {  	s3 =	sadd.s32 s3, s9;
	s6 =	sadd.s32 @!p0 $0x88, s6;
	s7 =	simm.s32 @p2 $0x1082  }
0x22: {  	[simem:s7], [sflag:s8] =	dma.local @!p0 [hbm:s6], $0xF7A  }
0x23: {  	s9 =	sor.u32 $0xD0000000, s2;
	s6 =	simm.s32 $0x108;
	_ =	swait.ge @!p0 [sflag:s8], $0x0  }
0x24: {  	s3 =	sadd.s32 $0x88, s3;
	s6 =	simm.s32 @!p1 $0x1082;
	[sflag:s4] =	ssyncset.s32 $0xFFFFF086  }
0x25: {  	[simem:s6], [sflag:s4] =	dma.local [hbm:s3], $0xF7A  }
0x26: {  	[smem:$0x3F97] =	sst s1;
	(tag) =	ssettag s2;
	_ =	strace s9  }
0x27: {  	s1 =	sld [smem:$0x3FA7]  }
0x28: {  	s2 =	sld [smem:$0x3FA8]  }
0x29: {  	s4 =	sld [smem:$0x3FAA]  }
0x2a: {  	p0 =	seq.s32 s5, $0x0;
	s5 =	sld [smem:$0x3FAB]  }
0x2b: {  	s6 =	sld [smem:$0x3FAC]  }
0x2c: {  	s7 =	sld [smem:$0x3FAD]  }
0x2d: {  	s3 =	simm.s32 $0x108;
	s8 =	sld [smem:$0x3FAE]  }
0x2e: {  	s3 =	simm.s32 @!p0 $0x1082;
	s9 =	sld [smem:$0x3FAF]  }
0x2f: {  	lr =	sadd.s32 s0, s3;
	s0 =	sld [smem:$0x3FA6]  }
0x30: {  	s3 =	sld [smem:$0x3FA9]  }
0x31: {  	[smem:$0x3FB2] =	sst s10  }
0x32: {  	s10 =	sld [smem:$0x3FB0];
	_ =	sdelay $0x3  }
0x33: {  	p0 =	seq.s32 s10, $0x1;
	s10 =	sld [smem:$0x3FB2];
	_ =	sdelay $0x3  }
0x34: {  	[smem:$0x3FB2] =	sst s10  }
0x35: {  	s10 =	sld [smem:$0x3FB1];
	_ =	sdelay $0x3  }
0x36: {  	p1 =	seq.s32 s10, $0x1;
	s10 =	sld [smem:$0x3FB2];
	_ =	sdelay $0x3  }
0x37: {  	[smem:$0x3FB2] =	sst s10  }
0x38: {  	s10 =	sld [smem:$0x3FB3]  }
0x39: {  	_ = 	snop;
	(pc) =	sbr.ind lr, $3  }
0x3a: {  	_ = 	snop  }
0x3b: {  	_ = 	snop  }
0x3c: {  	p2 =	seq.s32 s10, $0x1;
	s10 =	sld [smem:$0x3FB2]  }
0x3d: {  	_ =	shalt  }
0x3e: {  	_ =	shalt  }
0x3f: {  	_ =	shalt  }
0x40: {  	_ =	shalt  }
0x41: {  	_ =	shalt  }
0x42: {  	_ =	shalt  }
0x43: {  	_ =	shalt  }
0x44: {  	_ =	shalt  }
0x45: {  	_ =	shalt  }
0x46: {  	_ =	shalt  }
0x47: {  	_ =	shalt  }
0x48: {  	_ =	shalt  }
0x49: {  	_ =	shalt  }
0x4a: {  	_ =	shalt  }
0x4b: {  	_ =	shalt  }
0x4c: {  	_ =	shalt  }
0x4d: {  	_ =	shalt  }
0x4e: {  	_ =	shalt  }
0x4f: {  	_ =	shalt  }
0x50: {  	_ =	shalt  }
0x51: {  	_ =	shalt  }
0x52: {  	_ =	shalt  }
0x53: {  	_ =	shalt  }
0x54: {  	_ =	shalt  }
0x55: {  	_ =	shalt  }
0x56: {  	_ =	shalt  }
0x57: {  	_ =	shalt  }
0x58: {  	_ =	shalt  }
0x59: {  	_ =	shalt  }
0x5a: {  	_ =	shalt  }
0x5b: {  	_ =	shalt  }
0x5c: {  	_ =	shalt  }
0x5d: {  	_ =	shalt  }
0x5e: {  	_ =	shalt  }
0x5f: {  	_ =	shalt  }
0x60: {  	_ =	shalt  }
0x61: {  	_ =	shalt  }
0x62: {  	_ =	shalt  }
0x63: {  	_ =	shalt  }
0x64: {  	_ =	shalt  }
0x65: {  	_ =	shalt  }
0x66: {  	_ =	shalt  }
0x67: {  	_ =	shalt  }
0x68: {  	_ =	shalt  }
0x69: {  	_ =	shalt  }
0x6a: {  	_ =	shalt  }
0x6b: {  	_ =	shalt  }
0x6c: {  	_ =	shalt  }
0x6d: {  	_ =	shalt  }
0x6e: {  	_ =	shalt  }
0x6f: {  	_ =	shalt  }
0x70: {  	_ =	shalt  }
0x71: {  	_ =	shalt  }
0x72: {  	_ =	shalt  }
0x73: {  	_ =	shalt  }
0x74: {  	_ =	shalt  }
0x75: {  	_ =	shalt  }
0x76: {  	_ =	shalt  }
0x77: {  	_ =	shalt  }
0x78: {  	_ =	shalt  }
0x79: {  	_ =	shalt  }
0x7a: {  	_ =	shalt  }
0x7b: {  	_ =	shalt  }
0x7c: {  	_ =	shalt  }
0x7d: {  	_ =	shalt  }
0x7e: {  	_ =	shalt  }
0x7f: {  	_ =	shalt  }
0x80: {  	_ =	shalt  }
0x81: {  	_ =	shalt  }
0x82: {  	_ =	shalt  }
0x83: {  	_ =	shalt  }
0x84: {  	_ =	shalt  }
0x85: {  	_ =	shalt  }
0x86: {  	_ =	shalt  }
0x87: {  	_ =	shalt  }
.Lfunc_end0:
.L_simem_size_0:
called_computation.1_lowered:
.L_overlay_start_0:
0x88: {  	s2 =	sld [smem:$0x3FD9]  }
0x89: {  	s3 =	sld [smem:$0x3FFE];
	_ =	sdelay $0x1  }
0x8a: {  	s1 =	srdreg.scid  }
0x8b: {  	s0 =	sand.u32 $0x1, s1  }
0x8c: {  	s16 =	sshll.u32 s0, $0xA;
	s2 =	sadd.s32 s3, s2  }
0x8d: {  	s2 =	sadd.s32 s2, s16  }
0x8e: {  	[smem:$0x3FBE] =	sst s2  }
0x8f: {  	_ = 	snop  }
0x90: {  	(tm) =	ssettm $0x1  }
0x91: {  	s17 =	sld [smem:$0x3FFB];
	_ =	sdelay $0x3  }
0x92: {  	_ =	strace s17  }
0x93: {  	s2 =	sld [smem:$0x3FFC];
	_ =	sdelay $0x3  }
0x94: {  	_ =	strace s2  }
0x95: {  	s2 =	sld [smem:$0x3FFD];
	_ =	sdelay $0x3  }
0x96: {  	_ =	strace s2  }
0x97: {  	_ =	strace $0x8FFFFFFF  }
0x98: {  	s18 =	sld [smem:$0x3FDB];
	_ =	sdelay $0x1  }
0x99: {  	s19 =	simm.s32 $_scs_section_size  }
0x9a: {  	s4 =	simm.s32 $_size__tile_overlayer_lowered;
	s5 =	simm.s32 $_tile_overlayer_lowered  }
0x9b: {  	s22 =	simm.s32 $0x1BFF;
	s21 =	sshll.u32 s5, $0x1;
	s2 =	sadd.s32 s19, s18  }
0x9c: {  	s6 =	simm.s32 $0x0;
	s20 =	sshll.u32 s4, $0x1;
	s4 =	sadd.s32 s21, s2  }
0x9d: {  	[timem:s6], [sflag:s22] =	dma.local [hbm:s4], s20  }
0x9e: {  	_ =	swait.ge [sflag:s22], s20  }
0x9f: {  	s3 =	ssub.s32 $0x0, s20;
	[sflag:s22] =	ssyncset.done $0x0  }
0xa0: {  	[sflag:s22] =	ssyncadd.s32 s3;
	_ =	sdelay $0x1  }
0xa1: {  	s23 =	simm.s32 $0x1B8B  }
0xa2: {  	_ =	swait.ge [sflag:s23], $0x1  }
0xa3: {  	[sflag:s23] =	ssyncset.done $0x0  }
0xa4: {  	s25 =	simm.s32 $0x1B8E;
	s24 =	sld [smem:$0x3FFE];
	[sflag:s23] =	ssyncadd.s32 $0xFFFFFFFF  }
0xa5: {  	s26 =	simm.s32 $execute0_lowered;
	[smem:$0x3FD2] =	sst s25  }
0xa6: {  	s4 =	sshll.u32 s26, $0x1;
	_ =	strace $0x80000049;
	[dreg:$0x1] =	wrdreg $0xFFFFFFFF  }
0xa7: {  	s28 =	simm.s32 $_size_execute0_lowered;
	s2 =	sadd.s32 s2, s4;
	[dreg:$0x0] =	wrdreg $0x0  }
0xa8: {  	s4 =	sshll.u32 s28, $0x1;
	[dreg:$0x2] =	wrdreg s2  }
0xa9: {  	[dreg:$0x3] =	wrdreg s4  }
0xaa: {  	[dreg:$0x4] =	wrdreg $0xC0  }
0xab: {  	_ =	task [dreg:s6], $0x5FFFF  }
0xac: {  	[dreg:$0x1] =	wrdreg $0xFFFFFFFF  }
0xad: {  	[dreg:$0x0] =	wrdreg $0x60  }
0xae: {  	[dreg:$0x2] =	wrdreg s24  }
0xaf: {  	[dreg:$0x3] =	wrdreg $0x27800  }
0xb0: {  	[dreg:$0x4] =	wrdreg $0x0  }
0xb1: {  	[dreg:$0x5] =	wrdreg $0x9  }
0xb2: {  	_ =	task.clear_ibuf [dreg:s6], $0x6FFFF;
	_ =	strace $0x90000049  }
0xb3: {  	s29 =	simm.s32 $0x9;
	_ =	strace $0x8000004B  }
0xb4: {  	_ =	swait.ge [sflag:s29], $0x1  }
0xb5: {  	[sflag:s29] =	ssyncadd.s32 $0xFFFFFFFF  }
0xb6: {  	_ =	strace $0x9000004B  }
0xb7: {  	_ =	sfence  }
0xb8: {  	s30 =	sld [smem:$0x0];
	_ =	sdelay $0x2  }
0xb9: {  	s31 =	sshll.u32 s1, $0xD;
	s1 =	sshrl.u32 s1, $0x2  }
0xba: {  	s3 =	sand.u32 $0x4000, s31;
	s1 =	sadd.s32 s1, s30  }
0xbb: {  	s0 =	sor.u32 s3, s0;
	s1 =	sshll.u32 s1, $0x11  }
0xbc: {  	s0 =	sor.u32 s1, s0  }
0xbd: {  	s0 =	sadd.s32 $0x8F2B, s0  }
0xbe: {  	[sflag:s0] =	ssyncadd.remote.s32 $0x1  }
0xbf: {  	_ =	sfence.sel $0xFFFF  }
0xc0: {  	[dreg:$0x0] =	wrdreg $0xFFFFFFFF;
	(pc) =	sbr.abs _section_cstart, $3  }
0xc1: {  	[dreg:$0x1] =	wrdreg $0xFFFFFFFF  }
0xc2: {  	_ =	task.clear_ibuf [dreg:s6], $0x2FFFF;
	_ =	strace $0x9FFFFFFF  }
0xc3: {  	(tm) =	ssettm $0x7FFFFFFF  }
tec
execute0_lowered:
.L_overlay_start_1:
0x0: {  	(tag) =	ssettag $0x1  }
0x1: {  	s0 =	srdreg.scid;
	s1 =	rddreg [dreg:$0x0]  }
0x2: {  	s10 =	stileid.u32;
	s2 =	rddreg [dreg:$0x1];
	s21 =	simm.s32 $0x0  }
0x3: {  	s13 =	simm.s32 $0x19;
	s16 =	simm.s32 $0x80;
	s30 =	simm.s32 $0x16  }
0x4: {  	s31 =	simm.s32 $0x17;
	s17 =	simm.s32 $0xE;
	s18 =	simm.s32 $0xF  }
0x5: {  	s19 =	simm.s32 $0x10;
	s20 =	simm.s32 $0x11;
	s0 =	sand.u32 $0x1, s0  }
0x6: {  	s3 =	sshll.u32 s10, $0x1;
	s7 =	smul.u32 $0x2780, s10;
	[smem:$0x7FF] =	sst s21  }
0x7: {  	s24 =	sshll.u32 s10, $0x6;
	s21 =	simm.s32 $0x12;
	s4 =	sor.u32 s0, s3  }
0x8: {  	s3 =	rddreg [dreg:$0x2];
	s6 =	smul.u32 $0x27800, s0;
	_ =	strace $0x8000004A  }
0x9: {  	s0 =	ssub.s32 $0x2, s0;
	s5 =	smul.u32 $0x500, s4;
	s8 =	sshrl.u32 s7, $0x3  }
0xa: {  	s9 =	sshrl.u32 s0, $0x1;
	s22 =	sadd.s32 s7, s2;
	s6 =	sadd.s32 s7, s6  }
0xb: {  	s8 =	sadd.s32 s8, s1;
	s0 =	ssub.s32 s0, s9;
	s7 =	sadd.s32 s7, s3  }
0xc: {  	s12 =	sshrl.u32 s22, $0x3;
	s22 =	simm.s32 $0x13;
	s23 =	sadd.s32 $0x17C00, s8  }
0xd: {  	s5 =	sadd.s32 s5, s1;
	s25 =	sadd.s32 $0x1CC00, s8;
	[dreg:$0x4] =	wrdreg s23  }
0xe: {  	s6 =	sshrl.u32 s6, $0x3;
	s0 =	smax.u32 s0, $0x1;
	[dreg:$0x5] =	wrdreg s25  }
0xf: {  	s29 =	sshrl.u32 s7, $0x3;
	s1 =	sadd.s32 s6, s1;
	[dreg:$0x9] =	wrdreg s0  }
0x10: {  	s6 =	sor.u32 $0x1C19, s24;
	s26 =	sadd.s32 $0xDC00, s5;
	[dreg:$0xa] =	wrdreg s29  }
0x11: {  	s28 =	sadd.s32 $0x3C00, s5;
	s0 =	simm.s32 $0xD;
	[dreg:$0x6] =	wrdreg s26  }
0x12: {  	s23 =	simm.s32 $0x14;
	[dreg:$0x7] =	wrdreg s28;
	s1 =	sadd.s32 $0x21C00, s1  }
0x13: {  	s24 =	simm.s32 $0x0;
	[dreg:$0x8] =	wrdreg s1;
	s1 =	simm.s32 $0x18  }
.LBB2_1:
0x14: {  	s4 =	rddreg [dreg:$0x4]  }
0x15: {  	[spmem:s12], [sflag:s6] =	dma.local [hbm:s4], $0x4F0  }
0x16: {  	_ =	swait.ge [sflag:s13], $0x4F0  }
0x17: {  	[sflag:s13] =	ssyncset.done $0x0;
	s9 =	rddreg [dreg:$0x5]  }
0x18: {  	s5 =	rddreg [dreg:$0xa];
	[sflag:s13] =	ssyncadd.s32 $0xFFFFFB10  }
0x19: {  	[spmem:s5], [sflag:s6] =	dma.local [hbm:s9], $0x4F0  }
0x1a: {  	_ =	swait.ge [sflag:s13], $0x4F0  }
0x1b: {  	s7 =	simm.s32 $0x4F00;
	[sflag:s13] =	ssyncset.done $0x0  }
0x1c: {  	s4 =	simm.s32 $0x0;
	s10 =	rddreg [dreg:$0x6];
	[sflag:s13] =	ssyncadd.s32 $0xFFFFFB10  }
0x1d: {  	[tilespmem:s7], [sflag:$0x19] =	stream.linear.gather [hbm4b:s10+s4], $0x2800, $0x38;
	[tilespmem:$0xFF00] =	vst v63  }
0x1e: {  	_ =	swait.ge [sflag:s13], $0x2800  }
0x1f: {  	[sflag:s13] =	ssyncset.done $0x0  }
0x20: {  	s8 =	simm.s32 $0x7700;
	s11 =	rddreg [dreg:$0x7];
	[sflag:s13] =	ssyncadd.s32 $0xFFFFD800  }
0x21: {  	[tilespmem:s8], [sflag:$0x19] =	stream.linear.gather [hbm4b:s11+s4], $0x2800, $0x38;
	[tilespmem:$0xFF00] =	vst v63  }
0x22: {  	_ =	swait.ge [sflag:s13], $0x2800  }
0x23: {  	s14 =	simm.s32 $0x9F00;
	[sflag:s13] =	ssyncset.done $0x0  }
0x24: {  	s15 =	simm.s32 $0x4F80;
	s25 =	simm.s32 $0xA700;
	[sflag:s13] =	ssyncadd.s32 $0xFFFFD800  }
0x25: {  	s26 =	simm.s32 $0x5000;
	p1 =	por $0x0, $0x0;
	[bflag:$0x0] =	sbarrier.arrive $0xFFFF  }
0x26: {  	[tilespmem:s14], [sflag:$0x1] =	stream.indirect.gather [spmem:s3], $0x10, s7, s16, $0xb8;
	[tilespmem:$0xFF00] =	vst v63  }
0x27: {  	s29 =	simm.s32 $0xAF00;
	s28 =	simm.s32 $0x7780;
	p0 =	por p1, p1  }
0x28: {  	[tilespmem:s25], [sflag:$0x2] =	stream.indirect.gather [spmem:s3], $0x10, s15, s16, $0xb8;
	[tilespmem:$0xFF00] =	vst v63  }
0x29: {  	s9 =	simm.s32 $0x5080;
	s10 =	simm.s32 $0xB700;
	s15 =	smul.u32 $0xAB, s4  }
0x2a: {  	[tilespmem:s29], [sflag:$0x3] =	stream.indirect.gather [spmem:s3], $0x10, s26, s16, $0xb8;
	[tilespmem:$0xFF00] =	vst v63  }
0x2b: {  	s11 =	simm.s32 $0x5100;
	s7 =	simm.s32 $0x6;
	s5 =	sshrl.u32 s15, $0xB  }
0x2c: {  	s14 =	simm.s32 $0xBF00;
	s7 =	smul.u32 @!p1 $0xAB, s7;
	s5 =	sand.u32 $0x1F, s5  }
0x2d: {  	[tilespmem:s10], [sflag:$0x4] =	stream.indirect.gather [spmem:s3], $0x10, s9, s16, $0xb8;
	[tilespmem:$0xFF00] =	vst v63  }
0x2e: {  	p1 =	por @!p1 $0x1, $0x1;
	s25 =	simm.s32 $0x5180;
	s9 =	smul.u32 $0xC, s5  }
0x2f: {  	[tilespmem:s14], [sflag:$0x5] =	stream.indirect.gather [spmem:s3], $0x10, s11, s16, $0xb8;
	[tilespmem:$0xFF00] =	vst v63  }
0x30: {  	p1 =	por p1, p0;
	s10 =	sshrl.u32 @!p0 s7, $0xB;
	s9 =	ssub.s32 $0x0, s9  }
0x31: {  	s26 =	simm.s32 $0xC700;
	s10 =	sand.u32 @!p0 $0x1F, s10;
	s9 =	sand.u32 $0xFF, s9  }
0x32: {  	[tilespmem:s26], [sflag:$0x6] =	stream.indirect.gather [spmem:s3], $0x10, s25, s16, $0xb8;
	[tilespmem:$0xFF00] =	vst v63  }
0x33: {  	s5 =	simm.s32 $0x5200;
	s10 =	smul.u32 @!p0 $0xC, s10;
	s11 =	sadd.s32 $0x1, s9  }
0x34: {  	s7 =	simm.s32 $0x2;
	s26 =	simm.s32 $0x1;
	_ =	swait.ge [sflag:s11], $0x800  }
0x35: {  	s15 =	sshll.u32 s9, $0xB;
	s10 =	ssub.s32 @!p0 $0x6, s10;
	[sflag:s11] =	ssyncset.done $0x0  }
0x36: {  	s9 =	sadd.s32 $0xD, s9;
	s29 =	sadd.s32 $0x9F00, s15;
	[sflag:s11] =	ssyncadd.s32 $0xFFFFF800  }
0x37: {  	[spmem:s2] =	stream.indirect.scatter.add.f32 [tilespmem:s29], [sflag:s9], $0x10, s8, s16, $0xb8;
	[tilespmem:$0xFF00] =	vst v63  }
0x38: {  	s25 =	simm.s32 $0x5280;
	s8 =	simm.s32 @!p0 $0x80;
	s9 =	sand.u32 @!p0 $0xFF, s10  }
0x39: {  	s10 =	smul.u32 $0xAB, s26;
	s11 =	sadd.s32 @!p1 $0xD, s9;
	s15 =	sshll.u32 @!p0 s9, $0xB  }
.LBB2_2:
0x3a: {  	s14 =	sadd.s32 $0x6, s26;
	p3 =	sgt.u32 s26, $0x49  }
0x3b: {  	_ =	swait.ge @!p1 [sflag:s11], $0x800;
	s4 =	smov.u32 s7;
	s29 =	smov.u32 s28  }
0x3c: {  	s10 =	sshrl.u32 s10, $0xB;
	s15 =	sadd.s32 @!p0 $0x9F00, s15;
	[sflag:s11] =	ssyncset.done @!p1 $0x0  }
0x3d: {  	s9 =	sadd.s32 @!p0 $0x1, s9;
	s10 =	sand.u32 $0x1F, s10;
	[sflag:s11] =	ssyncadd.s32 @!p1 $0xFFFFF800  }
0x3e: {  	[tilespmem:s15], [sflag:s9] =	stream.indirect.gather @!p0 [spmem:s3], $0x10, s5, s8, $0xb8;
	[tilespmem:$0xFF00] =	vst v63  }
0x3f: {  	s7 =	sadd.s32 $0x1, s7;
	p1 =	slt.u32 @!p3 s26, $0x6;
	s8 =	smul.u32 $0xC, s10  }
0x40: {  	p2 =	sne.s32 s7, $0x50;
	s9 =	smul.u32 @!p3 $0xAB, s14;
	s5 =	smov.u32 s25  }
0x41: {  	p0 =	por p3, p3;
	s8 =	ssub.s32 s26, s8;
	s26 =	smov.u32 s4  }
0x42: {  	s28 =	sadd.s32 $0x80, s28;
	s4 =	sand.u32 $0xFF, s8;
	s8 =	sshrl.u32 @!p0 s9, $0xB  }
0x43: {  	s25 =	sadd.s32 $0x80, s25;
	s11 =	sshll.u32 s4, $0xB;
	s8 =	sand.u32 @!p0 $0x1F, s8  }
0x44: {  	p1 =	por p1, p0;
	s9 =	sadd.s32 $0x1, s4;
	s15 =	smul.u32 @!p0 $0xC, s8  }
.Ltmp0:
0x45: {  	s8 =	simm.s32 @!p0 $0x80;
	_ =	swait.ge [sflag:s9], $0x800;
	(pc) =	sbr.rel @p2 .LBB2_2-.Ltmp0, $4  }
0x46: {  	s10 =	smul.u32 $0xAB, s26;
	s14 =	ssub.s32 @!p0 s14, s15;
	[sflag:s9] =	ssyncset.done $0x0  }
0x47: {  	s4 =	sadd.s32 $0xD, s4;
	[sflag:s9] =	ssyncadd.s32 $0xFFFFF800;
	s9 =	sand.u32 @!p0 $0xFF, s14  }
0x48: {  	s14 =	sadd.s32 $0x9F00, s11;
	s11 =	sadd.s32 @!p1 $0xD, s9;
	s15 =	sshll.u32 @!p0 s9, $0xB  }
0x49: {  	[spmem:s2] =	stream.indirect.scatter.add.f32 [tilespmem:s14], [sflag:s4], $0x10, s29, s16, $0xb8;
	[tilespmem:$0xFF00] =	vst v63  }
0x4a: {  	_ =	swait.ge @!p1 [sflag:s11], $0x800;
	s4 =	sshrl.u32 s10, $0xB  }
0x4b: {  	s7 =	sadd.s32 @!p0 $0x9F00, s15;
	[sflag:s11] =	ssyncset.done @!p1 $0x0;
	s4 =	sand.u32 $0x1F, s4  }
0x4c: {  	s9 =	sadd.s32 @!p0 $0x1, s9;
	[sflag:s11] =	ssyncadd.s32 @!p1 $0xFFFFF800;
	s4 =	smul.u32 $0xC, s4  }
0x4d: {  	[tilespmem:s7], [sflag:s9] =	stream.indirect.gather @!p0 [spmem:s3], $0x10, s5, s8, $0xb8;
	[tilespmem:$0xFF00] =	vst v63  }
0x4e: {  	p1 =	sgt.u32 s26, $0x49;
	s5 =	sadd.s32 $0x6, s26;
	s4 =	ssub.s32 s26, s4  }
0x4f: {  	s7 =	smul.u32 @!p1 $0xAB, s5;
	s4 =	sand.u32 $0xFF, s4  }
0x50: {  	p0 =	por p1, p1;
	s14 =	sadd.s32 $0x1, s4  }
0x51: {  	s7 =	sshrl.u32 @!p0 s7, $0xB;
	s15 =	sshll.u32 s4, $0xB;
	_ =	swait.ge [sflag:s14], $0x800  }
0x52: {  	s4 =	sadd.s32 $0xD, s4;
	s7 =	sand.u32 @!p0 $0x1F, s7;
	[sflag:s14] =	ssyncset.done $0x0  }
0x53: {  	s8 =	sadd.s32 $0x9F00, s15;
	s7 =	smul.u32 @!p0 $0xC, s7;
	[sflag:s14] =	ssyncadd.s32 $0xFFFFF800  }
0x54: {  	[spmem:s2] =	stream.indirect.scatter.add.f32 [tilespmem:s8], [sflag:s4], $0x10, s28, s16, $0xb8;
	[tilespmem:$0xFF00] =	vst v63  }
0x55: {  	p1 =	slt.u32 @!p1 s26, $0x6;
	s4 =	ssub.s32 @!p0 s5, s7  }
0x56: {  	p1 =	por p1, p0;
	s4 =	sand.u32 @!p0 $0xFF, s4  }
0x57: {  	s5 =	sadd.s32 @!p1 $0xD, s4  }
0x58: {  	s26 =	simm.s32 $0x15;
	_ =	swait.ge @!p1 [sflag:s5], $0x800  }
0x59: {  	s7 =	sshll.u32 @!p0 s4, $0xB;
	s4 =	sadd.s32 @!p0 $0x1, s4;
	[sflag:s5] =	ssyncset.done @!p1 $0x0  }
0x5a: {  	s7 =	sadd.s32 @!p0 $0x9F00, s7;
	[sflag:s5] =	ssyncadd.s32 @!p1 $0xFFFFF800;
	s5 =	simm.s32 @!p0 $0x80  }
0x5b: {  	[tilespmem:s7], [sflag:s4] =	stream.indirect.gather @!p0 [spmem:s3], $0x10, s25, s5, $0xb8;
	[tilespmem:$0xFF00] =	vst v63  }
0x5c: {  	_ =	swait.ge [sflag:s26], $0x800  }
0x5d: {  	[sflag:s26] =	ssyncset.done $0x0  }
0x5e: {  	[sflag:s26] =	ssyncadd.s32 $0xFFFFF800  }
0x5f: {  	_ =	swait.ge [sflag:s30], $0x800  }
0x60: {  	[sflag:s30] =	ssyncset.done $0x0  }
0x61: {  	[sflag:s30] =	ssyncadd.s32 $0xFFFFF800  }
0x62: {  	_ =	swait.ge [sflag:s31], $0x800  }
0x63: {  	[sflag:s31] =	ssyncset.done $0x0  }
0x64: {  	[sflag:s31] =	ssyncadd.s32 $0xFFFFF800  }
0x65: {  	_ =	swait.ge [sflag:s1], $0x800  }
0x66: {  	[sflag:s1] =	ssyncset.done $0x0  }
0x67: {  	[sflag:s1] =	ssyncadd.s32 $0xFFFFF800  }
0x68: {  	_ =	swait.ge [sflag:s0], $0x800  }
0x69: {  	[sflag:s0] =	ssyncset.done $0x0  }
0x6a: {  	[sflag:s0] =	ssyncadd.s32 $0xFFFFF800  }
0x6b: {  	_ =	swait.ge [sflag:s17], $0x800  }
0x6c: {  	[sflag:s17] =	ssyncset.done $0x0  }
0x6d: {  	[sflag:s17] =	ssyncadd.s32 $0xFFFFF800  }
0x6e: {  	_ =	swait.ge [sflag:s18], $0x800  }
0x6f: {  	[sflag:s18] =	ssyncset.done $0x0  }
0x70: {  	[sflag:s18] =	ssyncadd.s32 $0xFFFFF800  }
0x71: {  	_ =	swait.ge [sflag:s19], $0x800  }
0x72: {  	[sflag:s19] =	ssyncset.done $0x0  }
0x73: {  	[sflag:s19] =	ssyncadd.s32 $0xFFFFF800  }
0x74: {  	_ =	swait.ge [sflag:s20], $0x800  }
0x75: {  	[sflag:s20] =	ssyncset.done $0x0  }
0x76: {  	[sflag:s20] =	ssyncadd.s32 $0xFFFFF800  }
0x77: {  	_ =	swait.ge [sflag:s21], $0x800  }
0x78: {  	[sflag:s21] =	ssyncset.done $0x0  }
0x79: {  	[sflag:s21] =	ssyncadd.s32 $0xFFFFF800  }
0x7a: {  	_ =	swait.ge [sflag:s22], $0x800  }
0x7b: {  	[sflag:s22] =	ssyncset.done $0x0  }
0x7c: {  	[sflag:s22] =	ssyncadd.s32 $0xFFFFF800  }
0x7d: {  	_ =	swait.ge [sflag:s23], $0x800  }
0x7e: {  	[sflag:s23] =	ssyncset.done $0x0  }
0x7f: {  	[sflag:s23] =	ssyncadd.s32 $0xFFFFF800  }
0x80: {  	[bflag:$0x0] =	sbarrier.arrive $0xFFFF  }
0x81: {  	s28 =	rddreg [dreg:$0x8]  }
0x82: {  	[hbm:s28], [sflag:s6] =	dma.local [spmem:s12], $0x4F0  }
0x83: {  	_ =	swait.ge [sflag:s13], $0x4F0  }
0x84: {  	s24 =	sadd.s32 $0x1, s24;
	s29 =	rddreg [dreg:$0x9]  }
0x85: {  	p0 =	sne.s32 s24, s29  }
.Ltmp1:
0x86: {  	_ = 	snop;
	(pc) =	sbr.rel @p0 .LBB2_1-.Ltmp1, $3  }
0x87: {  	_ =	sdelay $0x1  }
0x88: {  	[sflag:s13] =	ssyncset.done $0x0  }
0x89: {  	[sflag:s13] =	ssyncadd.s32 $0xFFFFFB10  }
0x8a: {  	_ =	sfence.sel $0x180000  }
0x8b: {  	[bflag:$0x0] =	sbarrier.arrive $0xFFFF  }
0x8c: {  	_ =	strace $0x9000004A  }
0x8d: {  	s0 =	stileid.u32;
	[bflag:$0x2] =	sbarrier.arrive $0xFFFF  }
0x8e: {  	p0 =	sne.s32 s0, $0x0;
	s0 =	rddreg [dreg:$0x3]  }
0x8f: {  	s0 =	sadd.s32 @!p0 $0x100000, s0  }
0x90: {  	[sflag:s0] =	ssyncadd.tile.s32 @!p0 $0x1;
	_ =	shalt  }
.Lfunc_end2:
_tile_overlayer_lowered:
.L_overlay_start_2:
0x91: {  	(tag) =	ssettag $0x2  }
0x92: {  	s0 =	rddreg [dreg:$0x0];
	s2 =	stileid.u32  }
0x93: {  	s1 =	rddreg [dreg:$0x1];
	p0 =	sne.s32 s2, $0x0  }
0x94: {  	s3 =	rddreg [dreg:$0x2];
	[bflag:$0x3] =	sbarrier.arrive $0xFFFF;
	s2 =	simm.s32 @!p0 $0x1C19  }
0x95: {  	[timem:s3], [sflag:s2] =	dma.local @!p0 [hbm:s0], s1  }
0x96: {  	s0 =	simm.s32 @!p0 $0x19  }
0x97: {  	_ =	swait.ge @!p0 [sflag:s0], s1  }
0x98: {  	s1 =	ssub.s32 @!p0 $0x0, s1;
	[sflag:s0] =	ssyncset.done @!p0 $0x0  }
0x99: {  	[sflag:s0] =	ssyncadd.s32 @!p0 s1  }
0x9a: {  	[bflag:$0x3] =	sbarrier.arrive $0xFFFF  }
0x9b: {  	_ =	shalt  }

// kernel: kernel.16.cloned.1.call-start
scs
__scs_entry_jumppad:
0x0: {  	(pc) =	sbr.rel $0x88, $3  }
0x1: {  	(tag) =	ssettag $0x0;
	lr =	simm.s32 $0x1  }
0x2: {  	[smem:$0x3F97] =	sst lr;
	_ =	strace $0xD0000000  }
0x3: {  	_ = 	snop  }
0x4: {  	_ = 	snop  }
0x5: {  	_ = 	snop  }
0x6: {  	_ = 	snop  }
0x7: {  	_ = 	snop  }
__scs_overlays_trampoline_lowered:
0x8: {  	[smem:$0x3FA6] =	sst s0  }
0x9: {  	[smem:$0x3FA7] =	sst s1  }
0xa: {  	[smem:$0x3FA8] =	sst s2  }
0xb: {  	[smem:$0x3FA9] =	sst s3  }
0xc: {  	[smem:$0x3FAA] =	sst s4  }
0xd: {  	[smem:$0x3FAB] =	sst s5  }
0xe: {  	[smem:$0x3FAC] =	sst s6  }
0xf: {  	[smem:$0x3FAD] =	sst s7  }
0x10: {  	[smem:$0x3FAE] =	sst s8  }
0x11: {  	[smem:$0x3FAF] =	sst s9;
	s0 =	simm.s32 @!p0 $0x0  }
0x12: {  	s1 =	sld [smem:$0x3F95];
	s0 =	simm.s32 @p0 $0x1  }
0x13: {  	[smem:$0x3FB0] =	sst s0;
	s0 =	simm.s32 @!p1 $0x0  }
0x14: {  	s2 =	sld [smem:$0x3F94];
	s0 =	simm.s32 @p1 $0x1  }
0x15: {  	[smem:$0x3FB1] =	sst s0;
	s0 =	simm.s32 @!p2 $0x0  }
0x16: {  	s3 =	sld [smem:$0x3FDB];
	s0 =	simm.s32 @p2 $0x1  }
0x17: {  	s4 =	simm.s32 $0x1BF5;
	[smem:$0x3FB3] =	sst s0  }
0x18: {  	s0 =	sld [smem:$0x3F96];
	_ =	swait.ge [sflag:s4], $0x0  }
0x19: {  	s7 =	sld [smem:$0x3F97]  }
0x1a: {  	s8 =	sadd.s32 $0xFFFFE003, lr  }
0x1b: {  	s9 =	sadd.s32 $0xFFFFFEF7, lr;
	s5 =	simm.s32 $0xFFFFFFFF;
	p2 =	slt.u32 s8, $0xFFFFF086  }
0x1c: {  	p1 =	slt.u32 s9, $0xF7A;
	s5 =	simm.s32 @!p2 $0x0  }
0x1d: {  	s5 =	simm.s32 @p1 $0x1;
	p0 =	seq.s32 s7, s2  }
0x1e: {  	s7 =	smul.u32 @!p0 $0xF7A, s2;
	p2 =	seq.s32 @!p0 s5, $0x0  }
0x1f: {  	s9 =	smul.u32 $0xF7A, s1;
	s8 =	simm.s32 @!p0 $0x1BF5;
	p2 =	por !p2, p0  }
0x20: {  	[sflag:s8] =	ssyncset.s32 @!p0 $0xFFFFF086;
	s6 =	sadd.s32 @!p0 s3, s7;
	s7 =	simm.s32 @!p0 $0x108  }
0x21: {  	s3 =	sadd.s32 s3, s9;
	s6 =	sadd.s32 @!p0 $0x88, s6;
	s7 =	simm.s32 @p2 $0x1082  }
0x22: {  	[simem:s7], [sflag:s8] =	dma.local @!p0 [hbm:s6], $0xF7A  }
0x23: {  	s9 =	sor.u32 $0xD0000000, s2;
	s6 =	simm.s32 $0x108;
	_ =	swait.ge @!p0 [sflag:s8], $0x0  }
0x24: {  	s3 =	sadd.s32 $0x88, s3;
	s6 =	simm.s32 @!p1 $0x1082;
	[sflag:s4] =	ssyncset.s32 $0xFFFFF086  }
0x25: {  	[simem:s6], [sflag:s4] =	dma.local [hbm:s3], $0xF7A  }
0x26: {  	[smem:$0x3F97] =	sst s1;
	(tag) =	ssettag s2;
	_ =	strace s9  }
0x27: {  	s1 =	sld [smem:$0x3FA7]  }
0x28: {  	s2 =	sld [smem:$0x3FA8]  }
0x29: {  	s4 =	sld [smem:$0x3FAA]  }
0x2a: {  	p0 =	seq.s32 s5, $0x0;
	s5 =	sld [smem:$0x3FAB]  }
0x2b: {  	s6 =	sld [smem:$0x3FAC]  }
0x2c: {  	s7 =	sld [smem:$0x3FAD]  }
0x2d: {  	s3 =	simm.s32 $0x108;
	s8 =	sld [smem:$0x3FAE]  }
0x2e: {  	s3 =	simm.s32 @!p0 $0x1082;
	s9 =	sld [smem:$0x3FAF]  }
0x2f: {  	lr =	sadd.s32 s0, s3;
	s0 =	sld [smem:$0x3FA6]  }
0x30: {  	s3 =	sld [smem:$0x3FA9]  }
0x31: {  	[smem:$0x3FB2] =	sst s10  }
0x32: {  	s10 =	sld [smem:$0x3FB0];
	_ =	sdelay $0x3  }
0x33: {  	p0 =	seq.s32 s10, $0x1;
	s10 =	sld [smem:$0x3FB2];
	_ =	sdelay $0x3  }
0x34: {  	[smem:$0x3FB2] =	sst s10  }
0x35: {  	s10 =	sld [smem:$0x3FB1];
	_ =	sdelay $0x3  }
0x36: {  	p1 =	seq.s32 s10, $0x1;
	s10 =	sld [smem:$0x3FB2];
	_ =	sdelay $0x3  }
0x37: {  	[smem:$0x3FB2] =	sst s10  }
0x38: {  	s10 =	sld [smem:$0x3FB3]  }
0x39: {  	_ = 	snop;
	(pc) =	sbr.ind lr, $3  }
0x3a: {  	_ = 	snop  }
0x3b: {  	_ = 	snop  }
0x3c: {  	p2 =	seq.s32 s10, $0x1;
	s10 =	sld [smem:$0x3FB2]  }
0x3d: {  	_ =	shalt  }
0x3e: {  	_ =	shalt  }
0x3f: {  	_ =	shalt  }
0x40: {  	_ =	shalt  }
0x41: {  	_ =	shalt  }
0x42: {  	_ =	shalt  }
0x43: {  	_ =	shalt  }
0x44: {  	_ =	shalt  }
0x45: {  	_ =	shalt  }
0x46: {  	_ =	shalt  }
0x47: {  	_ =	shalt  }
0x48: {  	_ =	shalt  }
0x49: {  	_ =	shalt  }
0x4a: {  	_ =	shalt  }
0x4b: {  	_ =	shalt  }
0x4c: {  	_ =	shalt  }
0x4d: {  	_ =	shalt  }
0x4e: {  	_ =	shalt  }
0x4f: {  	_ =	shalt  }
0x50: {  	_ =	shalt  }
0x51: {  	_ =	shalt  }
0x52: {  	_ =	shalt  }
0x53: {  	_ =	shalt  }
0x54: {  	_ =	shalt  }
0x55: {  	_ =	shalt  }
0x56: {  	_ =	shalt  }
0x57: {  	_ =	shalt  }
0x58: {  	_ =	shalt  }
0x59: {  	_ =	shalt  }
0x5a: {  	_ =	shalt  }
0x5b: {  	_ =	shalt  }
0x5c: {  	_ =	shalt  }
0x5d: {  	_ =	shalt  }
0x5e: {  	_ =	shalt  }
0x5f: {  	_ =	shalt  }
0x60: {  	_ =	shalt  }
0x61: {  	_ =	shalt  }
0x62: {  	_ =	shalt  }
0x63: {  	_ =	shalt  }
0x64: {  	_ =	shalt  }
0x65: {  	_ =	shalt  }
0x66: {  	_ =	shalt  }
0x67: {  	_ =	shalt  }
0x68: {  	_ =	shalt  }
0x69: {  	_ =	shalt  }
0x6a: {  	_ =	shalt  }
0x6b: {  	_ =	shalt  }
0x6c: {  	_ =	shalt  }
0x6d: {  	_ =	shalt  }
0x6e: {  	_ =	shalt  }
0x6f: {  	_ =	shalt  }
0x70: {  	_ =	shalt  }
0x71: {  	_ =	shalt  }
0x72: {  	_ =	shalt  }
0x73: {  	_ =	shalt  }
0x74: {  	_ =	shalt  }
0x75: {  	_ =	shalt  }
0x76: {  	_ =	shalt  }
0x77: {  	_ =	shalt  }
0x78: {  	_ =	shalt  }
0x79: {  	_ =	shalt  }
0x7a: {  	_ =	shalt  }
0x7b: {  	_ =	shalt  }
0x7c: {  	_ =	shalt  }
0x7d: {  	_ =	shalt  }
0x7e: {  	_ =	shalt  }
0x7f: {  	_ =	shalt  }
0x80: {  	_ =	shalt  }
0x81: {  	_ =	shalt  }
0x82: {  	_ =	shalt  }
0x83: {  	_ =	shalt  }
0x84: {  	_ =	shalt  }
0x85: {  	_ =	shalt  }
0x86: {  	_ =	shalt  }
0x87: {  	_ =	shalt  }
.Lfunc_end0:
.L_simem_size_0:
called_computation.2_lowered:
.L_overlay_start_0:
0x88: {  	s2 =	sld [smem:$0x3FD9]  }
0x89: {  	s3 =	sld [smem:$0x3FFE];
	_ =	sdelay $0x1  }
0x8a: {  	s1 =	srdreg.scid  }
0x8b: {  	s0 =	sand.u32 $0x1, s1  }
0x8c: {  	s16 =	sshll.u32 s0, $0xA;
	s2 =	sadd.s32 s3, s2  }
0x8d: {  	s2 =	sadd.s32 s2, s16  }
0x8e: {  	[smem:$0x3FBE] =	sst s2  }
0x8f: {  	_ = 	snop  }
0x90: {  	(tm) =	ssettm $0x1  }
0x91: {  	s17 =	sld [smem:$0x3FFB];
	_ =	sdelay $0x3  }
0x92: {  	_ =	strace s17  }
0x93: {  	s2 =	sld [smem:$0x3FFC];
	_ =	sdelay $0x3  }
0x94: {  	_ =	strace s2  }
0x95: {  	s2 =	sld [smem:$0x3FFD];
	_ =	sdelay $0x3  }
0x96: {  	_ =	strace s2  }
0x97: {  	_ =	strace $0x8FFFFFFF  }
0x98: {  	s18 =	sld [smem:$0x3FDB];
	_ =	sdelay $0x1  }
0x99: {  	s19 =	simm.s32 $_scs_section_size  }
0x9a: {  	s4 =	simm.s32 $_size__tile_overlayer_lowered;
	s5 =	simm.s32 $_tile_overlayer_lowered  }
0x9b: {  	s22 =	simm.s32 $0x1BFF;
	s21 =	sshll.u32 s5, $0x1;
	s2 =	sadd.s32 s19, s18  }
0x9c: {  	s6 =	simm.s32 $0x0;
	s20 =	sshll.u32 s4, $0x1;
	s4 =	sadd.s32 s21, s2  }
0x9d: {  	[timem:s6], [sflag:s22] =	dma.local [hbm:s4], s20  }
0x9e: {  	_ =	swait.ge [sflag:s22], s20  }
0x9f: {  	s3 =	ssub.s32 $0x0, s20;
	[sflag:s22] =	ssyncset.done $0x0  }
0xa0: {  	[sflag:s22] =	ssyncadd.s32 s3;
	_ =	sdelay $0x1  }
0xa1: {  	s23 =	simm.s32 $0x1B8B  }
0xa2: {  	_ =	swait.ge [sflag:s23], $0x1  }
0xa3: {  	[sflag:s23] =	ssyncset.done $0x0  }
0xa4: {  	s25 =	simm.s32 $0x1B8E;
	s24 =	sld [smem:$0x3FFE];
	[sflag:s23] =	ssyncadd.s32 $0xFFFFFFFF  }
0xa5: {  	s26 =	simm.s32 $execute0_lowered;
	[smem:$0x3FD2] =	sst s25  }
0xa6: {  	s4 =	sshll.u32 s26, $0x1;
	_ =	strace $0x8000004C;
	[dreg:$0x1] =	wrdreg $0xFFFFFFFF  }
0xa7: {  	s28 =	simm.s32 $_size_execute0_lowered;
	s2 =	sadd.s32 s2, s4;
	[dreg:$0x0] =	wrdreg $0x0  }
0xa8: {  	s4 =	sshll.u32 s28, $0x1;
	[dreg:$0x2] =	wrdreg s2  }
0xa9: {  	[dreg:$0x3] =	wrdreg s4  }
0xaa: {  	[dreg:$0x4] =	wrdreg $0xC0  }
0xab: {  	_ =	task [dreg:s6], $0x5FFFF  }
0xac: {  	[dreg:$0x1] =	wrdreg $0xFFFFFFFF  }
0xad: {  	[dreg:$0x0] =	wrdreg $0x60  }
0xae: {  	[dreg:$0x2] =	wrdreg s24  }
0xaf: {  	[dreg:$0x3] =	wrdreg $0x27800  }
0xb0: {  	[dreg:$0x4] =	wrdreg $0x0  }
0xb1: {  	[dreg:$0x5] =	wrdreg $0x9  }
0xb2: {  	_ =	task.clear_ibuf [dreg:s6], $0x6FFFF;
	_ =	strace $0x9000004C  }
0xb3: {  	s29 =	simm.s32 $0x9;
	_ =	strace $0x8000004E  }
0xb4: {  	_ =	swait.ge [sflag:s29], $0x1  }
0xb5: {  	[sflag:s29] =	ssyncadd.s32 $0xFFFFFFFF  }
0xb6: {  	_ =	strace $0x9000004E  }
0xb7: {  	_ =	sfence  }
0xb8: {  	s30 =	sld [smem:$0x0];
	_ =	sdelay $0x2  }
0xb9: {  	s31 =	sshll.u32 s1, $0xD;
	s1 =	sshrl.u32 s1, $0x2  }
0xba: {  	s3 =	sand.u32 $0x4000, s31;
	s1 =	sadd.s32 s1, s30  }
0xbb: {  	s0 =	sor.u32 s3, s0;
	s1 =	sshll.u32 s1, $0x11  }
0xbc: {  	s0 =	sor.u32 s1, s0  }
0xbd: {  	s0 =	sadd.s32 $0x8F2B, s0  }
0xbe: {  	[sflag:s0] =	ssyncadd.remote.s32 $0x1  }
0xbf: {  	_ =	sfence.sel $0xFFFF  }
0xc0: {  	[dreg:$0x0] =	wrdreg $0xFFFFFFFF;
	(pc) =	sbr.abs _section_cstart, $3  }
0xc1: {  	[dreg:$0x1] =	wrdreg $0xFFFFFFFF  }
0xc2: {  	_ =	task.clear_ibuf [dreg:s6], $0x2FFFF;
	_ =	strace $0x9FFFFFFF  }
0xc3: {  	(tm) =	ssettm $0x7FFFFFFF  }
tec
execute0_lowered:
.L_overlay_start_1:
0x0: {  	(tag) =	ssettag $0x1  }
0x1: {  	s0 =	srdreg.scid;
	s1 =	rddreg [dreg:$0x0]  }
0x2: {  	s10 =	stileid.u32;
	s2 =	rddreg [dreg:$0x1];
	s21 =	simm.s32 $0x0  }
0x3: {  	s13 =	simm.s32 $0x19;
	s16 =	simm.s32 $0x80;
	s30 =	simm.s32 $0x16  }
0x4: {  	s31 =	simm.s32 $0x17;
	s17 =	simm.s32 $0xE;
	s18 =	simm.s32 $0xF  }
0x5: {  	s19 =	simm.s32 $0x10;
	s20 =	simm.s32 $0x11;
	s0 =	sand.u32 $0x1, s0  }
0x6: {  	s3 =	sshll.u32 s10, $0x1;
	s7 =	smul.u32 $0x2780, s10;
	[smem:$0x7FF] =	sst s21  }
0x7: {  	s24 =	sshll.u32 s10, $0x6;
	s21 =	simm.s32 $0x12;
	s4 =	sor.u32 s0, s3  }
0x8: {  	s3 =	rddreg [dreg:$0x2];
	s6 =	smul.u32 $0x27800, s0;
	_ =	strace $0x8000004D  }
0x9: {  	s0 =	ssub.s32 $0x2, s0;
	s5 =	smul.u32 $0x500, s4;
	s8 =	sshrl.u32 s7, $0x3  }
0xa: {  	s9 =	sshrl.u32 s0, $0x1;
	s22 =	sadd.s32 s7, s2;
	s6 =	sadd.s32 s7, s6  }
0xb: {  	s8 =	sadd.s32 s8, s1;
	s0 =	ssub.s32 s0, s9;
	s7 =	sadd.s32 s7, s3  }
0xc: {  	s12 =	sshrl.u32 s22, $0x3;
	s22 =	simm.s32 $0x13;
	s23 =	sadd.s32 $0x17C00, s8  }
0xd: {  	s5 =	sadd.s32 s5, s1;
	s25 =	sadd.s32 $0x1CC00, s8;
	[dreg:$0x4] =	wrdreg s23  }
0xe: {  	s6 =	sshrl.u32 s6, $0x3;
	s0 =	smax.u32 s0, $0x1;
	[dreg:$0x5] =	wrdreg s25  }
0xf: {  	s29 =	sshrl.u32 s7, $0x3;
	s1 =	sadd.s32 s6, s1;
	[dreg:$0x9] =	wrdreg s0  }
0x10: {  	s6 =	sor.u32 $0x1C19, s24;
	s26 =	sadd.s32 $0xDC00, s5;
	[dreg:$0xa] =	wrdreg s29  }
0x11: {  	s28 =	sadd.s32 $0x3C00, s5;
	s0 =	simm.s32 $0xD;
	[dreg:$0x6] =	wrdreg s26  }
0x12: {  	s23 =	simm.s32 $0x14;
	[dreg:$0x7] =	wrdreg s28;
	s1 =	sadd.s32 $0x21C00, s1  }
0x13: {  	s24 =	simm.s32 $0x0;
	[dreg:$0x8] =	wrdreg s1;
	s1 =	simm.s32 $0x18  }
.LBB2_1:
0x14: {  	s4 =	rddreg [dreg:$0x4]  }
0x15: {  	[spmem:s12], [sflag:s6] =	dma.local [hbm:s4], $0x4F0  }
0x16: {  	_ =	swait.ge [sflag:s13], $0x4F0  }
0x17: {  	[sflag:s13] =	ssyncset.done $0x0;
	s9 =	rddreg [dreg:$0x5]  }
0x18: {  	s5 =	rddreg [dreg:$0xa];
	[sflag:s13] =	ssyncadd.s32 $0xFFFFFB10  }
0x19: {  	[spmem:s5], [sflag:s6] =	dma.local [hbm:s9], $0x4F0  }
0x1a: {  	_ =	swait.ge [sflag:s13], $0x4F0  }
0x1b: {  	s7 =	simm.s32 $0x4F00;
	[sflag:s13] =	ssyncset.done $0x0  }
0x1c: {  	s4 =	simm.s32 $0x0;
	s10 =	rddreg [dreg:$0x6];
	[sflag:s13] =	ssyncadd.s32 $0xFFFFFB10  }
0x1d: {  	[tilespmem:s7], [sflag:$0x19] =	stream.linear.gather [hbm4b:s10+s4], $0x2800, $0x38;
	[tilespmem:$0xFF00] =	vst v63  }
0x1e: {  	_ =	swait.ge [sflag:s13], $0x2800  }
0x1f: {  	[sflag:s13] =	ssyncset.done $0x0  }
0x20: {  	s8 =	simm.s32 $0x7700;
	s11 =	rddreg [dreg:$0x7];
	[sflag:s13] =	ssyncadd.s32 $0xFFFFD800  }
0x21: {  	[tilespmem:s8], [sflag:$0x19] =	stream.linear.gather [hbm4b:s11+s4], $0x2800, $0x38;
	[tilespmem:$0xFF00] =	vst v63  }
0x22: {  	_ =	swait.ge [sflag:s13], $0x2800  }
0x23: {  	s14 =	simm.s32 $0x9F00;
	[sflag:s13] =	ssyncset.done $0x0  }
0x24: {  	s15 =	simm.s32 $0x4F80;
	s25 =	simm.s32 $0xA700;
	[sflag:s13] =	ssyncadd.s32 $0xFFFFD800  }
0x25: {  	s26 =	simm.s32 $0x5000;
	p1 =	por $0x0, $0x0;
	[bflag:$0x0] =	sbarrier.arrive $0xFFFF  }
0x26: {  	[tilespmem:s14], [sflag:$0x1] =	stream.indirect.gather [spmem:s3], $0x10, s7, s16, $0xb8;
	[tilespmem:$0xFF00] =	vst v63  }
0x27: {  	s29 =	simm.s32 $0xAF00;
	s28 =	simm.s32 $0x7780;
	p0 =	por p1, p1  }
0x28: {  	[tilespmem:s25], [sflag:$0x2] =	stream.indirect.gather [spmem:s3], $0x10, s15, s16, $0xb8;
	[tilespmem:$0xFF00] =	vst v63  }
0x29: {  	s9 =	simm.s32 $0x5080;
	s10 =	simm.s32 $0xB700;
	s15 =	smul.u32 $0xAB, s4  }
0x2a: {  	[tilespmem:s29], [sflag:$0x3] =	stream.indirect.gather [spmem:s3], $0x10, s26, s16, $0xb8;
	[tilespmem:$0xFF00] =	vst v63  }
0x2b: {  	s11 =	simm.s32 $0x5100;
	s7 =	simm.s32 $0x6;
	s5 =	sshrl.u32 s15, $0xB  }
0x2c: {  	s14 =	simm.s32 $0xBF00;
	s7 =	smul.u32 @!p1 $0xAB, s7;
	s5 =	sand.u32 $0x1F, s5  }
0x2d: {  	[tilespmem:s10], [sflag:$0x4] =	stream.indirect.gather [spmem:s3], $0x10, s9, s16, $0xb8;
	[tilespmem:$0xFF00] =	vst v63  }
0x2e: {  	p1 =	por @!p1 $0x1, $0x1;
	s25 =	simm.s32 $0x5180;
	s9 =	smul.u32 $0xC, s5  }
0x2f: {  	[tilespmem:s14], [sflag:$0x5] =	stream.indirect.gather [spmem:s3], $0x10, s11, s16, $0xb8;
	[tilespmem:$0xFF00] =	vst v63  }
0x30: {  	p1 =	por p1, p0;
	s10 =	sshrl.u32 @!p0 s7, $0xB;
	s9 =	ssub.s32 $0x0, s9  }
0x31: {  	s26 =	simm.s32 $0xC700;
	s10 =	sand.u32 @!p0 $0x1F, s10;
	s9 =	sand.u32 $0xFF, s9  }
0x32: {  	[tilespmem:s26], [sflag:$0x6] =	stream.indirect.gather [spmem:s3], $0x10, s25, s16, $0xb8;
	[tilespmem:$0xFF00] =	vst v63  }
0x33: {  	s5 =	simm.s32 $0x5200;
	s10 =	smul.u32 @!p0 $0xC, s10;
	s11 =	sadd.s32 $0x1, s9  }
0x34: {  	s7 =	simm.s32 $0x2;
	s26 =	simm.s32 $0x1;
	_ =	swait.ge [sflag:s11], $0x800  }
0x35: {  	s15 =	sshll.u32 s9, $0xB;
	s10 =	ssub.s32 @!p0 $0x6, s10;
	[sflag:s11] =	ssyncset.done $0x0  }
0x36: {  	s9 =	sadd.s32 $0xD, s9;
	s29 =	sadd.s32 $0x9F00, s15;
	[sflag:s11] =	ssyncadd.s32 $0xFFFFF800  }
0x37: {  	[spmem:s2] =	stream.indirect.scatter.add.f32 [tilespmem:s29], [sflag:s9], $0x10, s8, s16, $0xb8;
	[tilespmem:$0xFF00] =	vst v63  }
0x38: {  	s25 =	simm.s32 $0x5280;
	s8 =	simm.s32 @!p0 $0x80;
	s9 =	sand.u32 @!p0 $0xFF, s10  }
0x39: {  	s10 =	smul.u32 $0xAB, s26;
	s11 =	sadd.s32 @!p1 $0xD, s9;
	s15 =	sshll.u32 @!p0 s9, $0xB  }
.LBB2_2:
0x3a: {  	s14 =	sadd.s32 $0x6, s26;
	p3 =	sgt.u32 s26, $0x49  }
0x3b: {  	_ =	swait.ge @!p1 [sflag:s11], $0x800;
	s4 =	smov.u32 s7;
	s29 =	smov.u32 s28  }
0x3c: {  	s10 =	sshrl.u32 s10, $0xB;
	s15 =	sadd.s32 @!p0 $0x9F00, s15;
	[sflag:s11] =	ssyncset.done @!p1 $0x0  }
0x3d: {  	s9 =	sadd.s32 @!p0 $0x1, s9;
	s10 =	sand.u32 $0x1F, s10;
	[sflag:s11] =	ssyncadd.s32 @!p1 $0xFFFFF800  }
0x3e: {  	[tilespmem:s15], [sflag:s9] =	stream.indirect.gather @!p0 [spmem:s3], $0x10, s5, s8, $0xb8;
	[tilespmem:$0xFF00] =	vst v63  }
0x3f: {  	s7 =	sadd.s32 $0x1, s7;
	p1 =	slt.u32 @!p3 s26, $0x6;
	s8 =	smul.u32 $0xC, s10  }
0x40: {  	p2 =	sne.s32 s7, $0x50;
	s9 =	smul.u32 @!p3 $0xAB, s14;
	s5 =	smov.u32 s25  }
0x41: {  	p0 =	por p3, p3;
	s8 =	ssub.s32 s26, s8;
	s26 =	smov.u32 s4  }
0x42: {  	s28 =	sadd.s32 $0x80, s28;
	s4 =	sand.u32 $0xFF, s8;
	s8 =	sshrl.u32 @!p0 s9, $0xB  }
0x43: {  	s25 =	sadd.s32 $0x80, s25;
	s11 =	sshll.u32 s4, $0xB;
	s8 =	sand.u32 @!p0 $0x1F, s8  }
0x44: {  	p1 =	por p1, p0;
	s9 =	sadd.s32 $0x1, s4;
	s15 =	smul.u32 @!p0 $0xC, s8  }
.Ltmp0:
0x45: {  	s8 =	simm.s32 @!p0 $0x80;
	_ =	swait.ge [sflag:s9], $0x800;
	(pc) =	sbr.rel @p2 .LBB2_2-.Ltmp0, $4  }
0x46: {  	s10 =	smul.u32 $0xAB, s26;
	s14 =	ssub.s32 @!p0 s14, s15;
	[sflag:s9] =	ssyncset.done $0x0  }
0x47: {  	s4 =	sadd.s32 $0xD, s4;
	[sflag:s9] =	ssyncadd.s32 $0xFFFFF800;
	s9 =	sand.u32 @!p0 $0xFF, s14  }
0x48: {  	s14 =	sadd.s32 $0x9F00, s11;
	s11 =	sadd.s32 @!p1 $0xD, s9;
	s15 =	sshll.u32 @!p0 s9, $0xB  }
0x49: {  	[spmem:s2] =	stream.indirect.scatter.add.f32 [tilespmem:s14], [sflag:s4], $0x10, s29, s16, $0xb8;
	[tilespmem:$0xFF00] =	vst v63  }
0x4a: {  	_ =	swait.ge @!p1 [sflag:s11], $0x800;
	s4 =	sshrl.u32 s10, $0xB  }
0x4b: {  	s7 =	sadd.s32 @!p0 $0x9F00, s15;
	[sflag:s11] =	ssyncset.done @!p1 $0x0;
	s4 =	sand.u32 $0x1F, s4  }
0x4c: {  	s9 =	sadd.s32 @!p0 $0x1, s9;
	[sflag:s11] =	ssyncadd.s32 @!p1 $0xFFFFF800;
	s4 =	smul.u32 $0xC, s4  }
0x4d: {  	[tilespmem:s7], [sflag:s9] =	stream.indirect.gather @!p0 [spmem:s3], $0x10, s5, s8, $0xb8;
	[tilespmem:$0xFF00] =	vst v63  }
0x4e: {  	p1 =	sgt.u32 s26, $0x49;
	s5 =	sadd.s32 $0x6, s26;
	s4 =	ssub.s32 s26, s4  }
0x4f: {  	s7 =	smul.u32 @!p1 $0xAB, s5;
	s4 =	sand.u32 $0xFF, s4  }
0x50: {  	p0 =	por p1, p1;
	s14 =	sadd.s32 $0x1, s4  }
0x51: {  	s7 =	sshrl.u32 @!p0 s7, $0xB;
	s15 =	sshll.u32 s4, $0xB;
	_ =	swait.ge [sflag:s14], $0x800  }
0x52: {  	s4 =	sadd.s32 $0xD, s4;
	s7 =	sand.u32 @!p0 $0x1F, s7;
	[sflag:s14] =	ssyncset.done $0x0  }
0x53: {  	s8 =	sadd.s32 $0x9F00, s15;
	s7 =	smul.u32 @!p0 $0xC, s7;
	[sflag:s14] =	ssyncadd.s32 $0xFFFFF800  }
0x54: {  	[spmem:s2] =	stream.indirect.scatter.add.f32 [tilespmem:s8], [sflag:s4], $0x10, s28, s16, $0xb8;
	[tilespmem:$0xFF00] =	vst v63  }
0x55: {  	p1 =	slt.u32 @!p1 s26, $0x6;
	s4 =	ssub.s32 @!p0 s5, s7  }
0x56: {  	p1 =	por p1, p0;
	s4 =	sand.u32 @!p0 $0xFF, s4  }
0x57: {  	s5 =	sadd.s32 @!p1 $0xD, s4  }
0x58: {  	s26 =	simm.s32 $0x15;
	_ =	swait.ge @!p1 [sflag:s5], $0x800  }
0x59: {  	s7 =	sshll.u32 @!p0 s4, $0xB;
	s4 =	sadd.s32 @!p0 $0x1, s4;
	[sflag:s5] =	ssyncset.done @!p1 $0x0  }
0x5a: {  	s7 =	sadd.s32 @!p0 $0x9F00, s7;
	[sflag:s5] =	ssyncadd.s32 @!p1 $0xFFFFF800;
	s5 =	simm.s32 @!p0 $0x80  }
0x5b: {  	[tilespmem:s7], [sflag:s4] =	stream.indirect.gather @!p0 [spmem:s3], $0x10, s25, s5, $0xb8;
	[tilespmem:$0xFF00] =	vst v63  }
0x5c: {  	_ =	swait.ge [sflag:s26], $0x800  }
0x5d: {  	[sflag:s26] =	ssyncset.done $0x0  }
0x5e: {  	[sflag:s26] =	ssyncadd.s32 $0xFFFFF800  }
0x5f: {  	_ =	swait.ge [sflag:s30], $0x800  }
0x60: {  	[sflag:s30] =	ssyncset.done $0x0  }
0x61: {  	[sflag:s30] =	ssyncadd.s32 $0xFFFFF800  }
0x62: {  	_ =	swait.ge [sflag:s31], $0x800  }
0x63: {  	[sflag:s31] =	ssyncset.done $0x0  }
0x64: {  	[sflag:s31] =	ssyncadd.s32 $0xFFFFF800  }
0x65: {  	_ =	swait.ge [sflag:s1], $0x800  }
0x66: {  	[sflag:s1] =	ssyncset.done $0x0  }
0x67: {  	[sflag:s1] =	ssyncadd.s32 $0xFFFFF800  }
0x68: {  	_ =	swait.ge [sflag:s0], $0x800  }
0x69: {  	[sflag:s0] =	ssyncset.done $0x0  }
0x6a: {  	[sflag:s0] =	ssyncadd.s32 $0xFFFFF800  }
0x6b: {  	_ =	swait.ge [sflag:s17], $0x800  }
0x6c: {  	[sflag:s17] =	ssyncset.done $0x0  }
0x6d: {  	[sflag:s17] =	ssyncadd.s32 $0xFFFFF800  }
0x6e: {  	_ =	swait.ge [sflag:s18], $0x800  }
0x6f: {  	[sflag:s18] =	ssyncset.done $0x0  }
0x70: {  	[sflag:s18] =	ssyncadd.s32 $0xFFFFF800  }
0x71: {  	_ =	swait.ge [sflag:s19], $0x800  }
0x72: {  	[sflag:s19] =	ssyncset.done $0x0  }
0x73: {  	[sflag:s19] =	ssyncadd.s32 $0xFFFFF800  }
0x74: {  	_ =	swait.ge [sflag:s20], $0x800  }
0x75: {  	[sflag:s20] =	ssyncset.done $0x0  }
0x76: {  	[sflag:s20] =	ssyncadd.s32 $0xFFFFF800  }
0x77: {  	_ =	swait.ge [sflag:s21], $0x800  }
0x78: {  	[sflag:s21] =	ssyncset.done $0x0  }
0x79: {  	[sflag:s21] =	ssyncadd.s32 $0xFFFFF800  }
0x7a: {  	_ =	swait.ge [sflag:s22], $0x800  }
0x7b: {  	[sflag:s22] =	ssyncset.done $0x0  }
0x7c: {  	[sflag:s22] =	ssyncadd.s32 $0xFFFFF800  }
0x7d: {  	_ =	swait.ge [sflag:s23], $0x800  }
0x7e: {  	[sflag:s23] =	ssyncset.done $0x0  }
0x7f: {  	[sflag:s23] =	ssyncadd.s32 $0xFFFFF800  }
0x80: {  	[bflag:$0x0] =	sbarrier.arrive $0xFFFF  }
0x81: {  	s28 =	rddreg [dreg:$0x8]  }
0x82: {  	[hbm:s28], [sflag:s6] =	dma.local [spmem:s12], $0x4F0  }
0x83: {  	_ =	swait.ge [sflag:s13], $0x4F0  }
0x84: {  	s24 =	sadd.s32 $0x1, s24;
	s29 =	rddreg [dreg:$0x9]  }
0x85: {  	p0 =	sne.s32 s24, s29  }
.Ltmp1:
0x86: {  	_ = 	snop;
	(pc) =	sbr.rel @p0 .LBB2_1-.Ltmp1, $3  }
0x87: {  	_ =	sdelay $0x1  }
0x88: {  	[sflag:s13] =	ssyncset.done $0x0  }
0x89: {  	[sflag:s13] =	ssyncadd.s32 $0xFFFFFB10  }
0x8a: {  	_ =	sfence.sel $0x180000  }
0x8b: {  	[bflag:$0x0] =	sbarrier.arrive $0xFFFF  }
0x8c: {  	_ =	strace $0x9000004D  }
0x8d: {  	s0 =	stileid.u32;
	[bflag:$0x2] =	sbarrier.arrive $0xFFFF  }
0x8e: {  	p0 =	sne.s32 s0, $0x0;
	s0 =	rddreg [dreg:$0x3]  }
0x8f: {  	s0 =	sadd.s32 @!p0 $0x100000, s0  }
0x90: {  	[sflag:s0] =	ssyncadd.tile.s32 @!p0 $0x1;
	_ =	shalt  }
.Lfunc_end2:
_tile_overlayer_lowered:
.L_overlay_start_2:
0x91: {  	(tag) =	ssettag $0x2  }
0x92: {  	s0 =	rddreg [dreg:$0x0];
	s2 =	stileid.u32  }
0x93: {  	s1 =	rddreg [dreg:$0x1];
	p0 =	sne.s32 s2, $0x0  }
0x94: {  	s3 =	rddreg [dreg:$0x2];
	[bflag:$0x3] =	sbarrier.arrive $0xFFFF;
	s2 =	simm.s32 @!p0 $0x1C19  }
0x95: {  	[timem:s3], [sflag:s2] =	dma.local @!p0 [hbm:s0], s1  }
0x96: {  	s0 =	simm.s32 @!p0 $0x19  }
0x97: {  	_ =	swait.ge @!p0 [sflag:s0], s1  }
0x98: {  	s1 =	ssub.s32 @!p0 $0x0, s1;
	[sflag:s0] =	ssyncset.done @!p0 $0x0  }
0x99: {  	[sflag:s0] =	ssyncadd.s32 @!p0 s1  }
0x9a: {  	[bflag:$0x3] =	sbarrier.arrive $0xFFFF  }
0x9b: {  	_ =	shalt  }

</sc_bundles>
